<compile_context>
chip_gen: v7x
topology: tpu7x:2x2x1
jax: 0.10.2.dev20260603
libtpu: 0.0.44.dev20260713+nightly
codegen_flags: <defaults>
</compile_context>

<pallas_src>
import functools

import jax
import jax.numpy as jnp
from jax import lax
from jax.experimental import pallas as pl
from jax.experimental.pallas import tpu as pltpu
from jax.experimental.pallas import tpu_sc as plsc

NB = 12288
NBINS = 2 * NB
CLAMP = 12.0
SCALE = NB / (2.0 * CLAMP)
NW = 32
LANES = 16
UNROLL = 8

ROWS = 16384
COLS = 512
CH_ROWS = 32
CH_ELEMS = CH_ROWS * COLS
VPC = CH_ELEMS // LANES
VPR = COLS // LANES

HROWS = 96
HCOLS = 128


def _sc_hist_body(x_hbm, t_hbm, out_hbm, xb0, xb1, tb0, tb1, h0, h1,
                  sx0, sx1, st0, st1):
    wid = lax.axis_index("s") * 2 + lax.axis_index("c")
    rows_per_w = ROWS // NW
    row_base = wid * rows_per_w
    nchunks = rows_per_w // CH_ROWS
    xbufs = (xb0, xb1)
    tbufs = (tb0, tb1)
    sxs = (sx0, sx1)
    sts = (st0, st1)

    zeros = jnp.zeros((LANES,), jnp.float32)

    @plsc.parallel_loop(0, NBINS // LANES, 1, unroll=4)
    def _zero(i):
        h0[pl.ds(i * LANES, LANES)] = zeros
        h1[pl.ds(i * LANES, LANES)] = zeros

    ones = jnp.ones((LANES,), jnp.float32)
    hists = (h0, h1)

    def x_mul_add(xv):
        y = xv * SCALE + (CLAMP * SCALE)
        y = jnp.maximum(y, 0.0)
        return jnp.minimum(y, float(NB - 1))

    def start_chunk(cidx, b):
        row0 = row_base + cidx * CH_ROWS
        pltpu.make_async_copy(
            x_hbm.at[pl.ds(row0, CH_ROWS)], xbufs[b], sxs[b]).start()
        pltpu.make_async_copy(
            t_hbm.at[pl.ds(row0, CH_ROWS)], tbufs[b], sts[b]).start()

    def wait_chunk(b):
        pltpu.make_async_copy(
            x_hbm.at[pl.ds(row_base, CH_ROWS)], xbufs[b], sxs[b]).wait()
        pltpu.make_async_copy(
            t_hbm.at[pl.ds(row_base, CH_ROWS)], tbufs[b], sts[b]).wait()

    def process_chunk(b):
        xbuf = xbufs[b]
        tbuf = tbufs[b]

        @plsc.parallel_loop(0, VPC // UNROLL, 1, unroll=2)
        def _vecs(i):
            for u in range(UNROLL):
                v = i * UNROLL + u
                r = v // VPR
                c = (v % VPR) * LANES
                xv = xbuf[r, pl.ds(c, LANES)]
                tv = tbuf[r, pl.ds(c, LANES)]
                y = x_mul_add(xv)
                idx = y.astype(jnp.int32) + tv * NB
                plsc.addupdate_scatter(hists[u % 2], [idx], ones)

    start_chunk(0, 0)

    def chunk_pair(g, carry):
        for b in range(2):
            ci = g * 2 + b

            @pl.when(ci + 1 < nchunks)
            def _():
                start_chunk(ci + 1, 1 - b)

            wait_chunk(b)
            process_chunk(b)
        return carry

    lax.fori_loop(0, nchunks // 2, chunk_pair, 0)

    @plsc.parallel_loop(0, NBINS // LANES, 1, unroll=4)
    def _merge(i):
        sl = pl.ds(i * LANES, LANES)
        h0[sl] = h0[sl] + h1[sl]
    pltpu.sync_copy(h0, out_hbm.at[wid])


def _combine_body(hist_ref, out_ref):
    h = hist_ref[...]
    c = jnp.sum(h, axis=0)
    cn = c[:HROWS, :]
    cp = c[HROWS:, :]
    m_tot = jnp.sum(cn)
    g_tot = jnp.sum(cp)
    n_tot = m_tot + g_tot

    row = lax.broadcasted_iota(jnp.int32, (HROWS, HCOLS), 0)
    col = lax.broadcasted_iota(jnp.int32, (HROWS, HCOLS), 1)
    b = (row * HCOLS + col).astype(jnp.float32)
    centers = -CLAMP + (b + 0.5) * (2.0 * CLAMP / NB)
    pcen = jax.nn.sigmoid(centers)

    s_pos = jnp.sum(cp * pcen)

    i1 = lax.broadcasted_iota(jnp.int32, (HCOLS, HCOLS), 0)
    j1 = lax.broadcasted_iota(jnp.int32, (HCOLS, HCOLS), 1)
    upper = (i1 <= j1).astype(jnp.float32)
    p_row = lax.dot_general(
        cn, upper, (((1,), (0,)), ((), ())),
        precision=lax.Precision.HIGHEST,
        preferred_element_type=jnp.float32,
    )
    rowsum = p_row[:, HCOLS - 1:HCOLS]
    i2 = lax.broadcasted_iota(jnp.int32, (HROWS, HROWS), 0)
    j2 = lax.broadcasted_iota(jnp.int32, (HROWS, HROWS), 1)
    strict_lower = (j2 < i2).astype(jnp.float32)
    offs = lax.dot_general(
        strict_lower, rowsum, (((1,), (0,)), ((), ())),
        precision=lax.Precision.HIGHEST,
        preferred_element_type=jnp.float32,
    )
    prefix = p_row + offs
    rank_above = m_tot - prefix

    denom = (g_tot + rank_above) * (g_tot + rank_above + cn)
    contrib = jnp.where(cn > 0.0, pcen * g_tot * cn / denom, 0.0)
    loss = 1.0 - s_pos / n_tot + jnp.sum(contrib)

    max_center = jnp.max(jnp.where(cn > 0.0, centers, -3.0 * CLAMP))
    loss = jnp.where(g_tot == 0.0, 1.0 + jax.nn.sigmoid(max_center), loss)
    out_ref[...] = jnp.reshape(loss, (1, 1))


@functools.cache
def _get_sc_hist():
    return pl.kernel(
        _sc_hist_body,
        out_type=jax.ShapeDtypeStruct((NW, NBINS), jnp.float32),
        mesh=plsc.VectorSubcoreMesh(core_axis_name="c", subcore_axis_name="s"),
        compiler_params=pltpu.CompilerParams(needs_layout_passes=False),
        scratch_types=[
            pltpu.VMEM((CH_ROWS, COLS), jnp.float32),
            pltpu.VMEM((CH_ROWS, COLS), jnp.float32),
            pltpu.VMEM((CH_ROWS, COLS), jnp.int32),
            pltpu.VMEM((CH_ROWS, COLS), jnp.int32),
            pltpu.VMEM((NBINS,), jnp.float32),
            pltpu.VMEM((NBINS,), jnp.float32),
            pltpu.SemaphoreType.DMA,
            pltpu.SemaphoreType.DMA,
            pltpu.SemaphoreType.DMA,
            pltpu.SemaphoreType.DMA,
        ],
    )


_combine = pl.pallas_call(
    _combine_body,
    out_shape=jax.ShapeDtypeStruct((1, 1), jnp.float32),
)


def kernel(inputs, targets):
    x = inputs.reshape(ROWS, COLS)
    t = targets.reshape(ROWS, COLS)
    hist = _get_sc_hist()(x, t)
    loss = _combine(hist.reshape(NW, 2 * HROWS, HCOLS))
    return loss.reshape(())

# --- scband reference (transcript-rebuilt; emitter-appended) ---
"""Pipeline reference for scband-lovasz-hinge-loss-41652592836638 (READ-ONLY COPY).

The authoritative reference and input builder live on the scoring server;
editing this copy changes nothing except your own understanding.
"""

import jax, jax.numpy as jnp
import numpy as np


def _lovasz_grad(gt_sorted):
    # gt_sorted: float32[P] of 0/1 labels sorted by descending error
    gts = jnp.sum(gt_sorted)
    intersection = gts - jnp.cumsum(gt_sorted, axis=0)
    union = gts + jnp.cumsum(1.0 - gt_sorted, axis=0)
    jaccard = 1.0 - intersection / union
    # jaccard[1:] = jaccard[1:] - jaccard[:-1]
    jaccard = jnp.concatenate([jaccard[:1], jaccard[1:] - jaccard[:-1]], axis=0)
    return jaccard


def _lovasz_hinge_flat(logits, labels):
    # logits: float32[P] (here: sigmoid probabilities, faithful to the wrapper)
    # labels: float32[P] in {0, 1}
    signs = 2.0 * labels - 1.0
    errors = 1.0 - logits * signs
    # descending sort
    perm = jnp.argsort(-errors)
    errors_sorted = errors[perm]
    gt_sorted = labels[perm]
    grad = _lovasz_grad(gt_sorted)
    return jnp.dot(jax.nn.relu(errors_sorted), grad)


def setup_inputs(seed: int = 0) -> dict:
    key = jax.random.key(seed)
    k1, k2 = jax.random.split(key)
    inputs = jax.random.normal(k1, (8, 4, 512, 512), dtype=jnp.float32)
    targets = jax.random.randint(k2, (8, 4, 512, 512), 0, 2, dtype=jnp.int32)
    return {"inputs": inputs, "targets": targets}


def reference(inputs, targets):
    # LovaszHingeLoss.forward: sigmoid then LovaszLoss(mode='multilabel', per_image=False).
    # smp LovaszLoss multilabel with per_image=False flattens the full tensor and
    # computes a single lovasz hinge over all elements.
    probs = jax.nn.sigmoid(inputs)
    logits = probs.reshape(-1)
    labels = targets.reshape(-1).astype(jnp.float32)
    return _lovasz_hinge_flat(logits, labels)

if __name__ == "__main__":
    import jax
    _d = setup_inputs()
    print(jax.jit(kernel)(*tuple(_d.values())))

</pallas_src>

<mosaic_0001>
#map = affine_map<(d0, d1) -> (0, 0)>
module attributes {stable_mosaic.version = 14 : i64} {
  func.func @_sc_hist_body(%arg0: i32, %arg1: i32, %arg2: memref<16384x512xf32, #tpu.memory_space<hbm>>, %arg3: memref<16384x512xi32, #tpu.memory_space<hbm>>, %arg4: memref<32x24576xf32, #tpu.memory_space<hbm>>, %arg5: memref<32x512xf32, #tpu.memory_space<vmem>>, %arg6: memref<32x512xf32, #tpu.memory_space<vmem>>, %arg7: memref<32x512xi32, #tpu.memory_space<vmem>>, %arg8: memref<32x512xi32, #tpu.memory_space<vmem>>, %arg9: memref<24576xf32, #tpu.memory_space<vmem>>, %arg10: memref<24576xf32, #tpu.memory_space<vmem>>, %arg11: memref<!tpu.dma_semaphore, #tpu.memory_space<semaphore_mem>>, %arg12: memref<!tpu.dma_semaphore, #tpu.memory_space<semaphore_mem>>, %arg13: memref<!tpu.dma_semaphore, #tpu.memory_space<semaphore_mem>>, %arg14: memref<!tpu.dma_semaphore, #tpu.memory_space<semaphore_mem>>) attributes {dimension_semantics = [#tpu.dimension_semantics<core_parallel>, #tpu.dimension_semantics<subcore_parallel>], iteration_bounds = array<i64: 2, 16>, scalar_prefetch = 0 : i64, scratch_operands = 10 : i64, tpu.core_type = #tpu.core_type<sc_vector_subcore>, window_params = [{transform_indices = #map}, {transform_indices = #map}, {transform_indices = #map}]} {
    %mul3A = arith.constant 2 : i32
    %mul3A_0 = arith.muli %arg1, %mul3A : i32
    %add3A = arith.addi %mul3A_0, %arg0 : i32
    %mul3A_1 = arith.constant 512 : i32
    %mul3A_2 = arith.muli %add3A, %mul3A_1 : i32
    %broadcast_in_dim3A = arith.constant 0.000000e+00 : f32
    %broadcast_in_dim3A_3 = vector.broadcast %broadcast_in_dim3A : f32 to vector<16xf32>
    %parallel_loop3A = arith.constant 0 : i32
    %parallel_loop3A_4 = arith.constant 1536 : i32
    %parallel_loop3A_5 = arith.constant 1 : i32
    scf.for %parallel_loop3A_25 = %parallel_loop3A to %parallel_loop3A_4 step %parallel_loop3A_5  : i32 {
      %parallel_loop3A_26 = arith.constant 16 : i32
      %parallel_loop3A_27 = arith.muli %parallel_loop3A_25, %parallel_loop3A_26 : i32
      %parallel_loop3A_28 = arith.index_cast %parallel_loop3A_27 : i32 to index
      %parallel_loop3A_29 = tpu.vector_load %arg9[%parallel_loop3A_28] {strides = array<i32>} : memref<24576xf32, #tpu.memory_space<vmem>>, vector<16xf32>,
      tpu.vector_store %arg9[%parallel_loop3A_28], %broadcast_in_dim3A_3 {strides = array<i32>} : memref<24576xf32, #tpu.memory_space<vmem>>, vector<16xf32>,
      %parallel_loop3A_30 = arith.constant 16 : i32
      %parallel_loop3A_31 = arith.muli %parallel_loop3A_25, %parallel_loop3A_30 : i32
      %parallel_loop3A_32 = arith.index_cast %parallel_loop3A_31 : i32 to index
      %parallel_loop3A_33 = tpu.vector_load %arg10[%parallel_loop3A_32] {strides = array<i32>} : memref<24576xf32, #tpu.memory_space<vmem>>, vector<16xf32>,
      tpu.vector_store %arg10[%parallel_loop3A_32], %broadcast_in_dim3A_3 {strides = array<i32>} : memref<24576xf32, #tpu.memory_space<vmem>>, vector<16xf32>,
    } {sc.loop_unroll_factor = 4 : i64, sc.parallel_access}
    %broadcast_in_dim3A_6 = arith.constant 1.000000e+00 : f32
    %broadcast_in_dim3A_7 = vector.broadcast %broadcast_in_dim3A_6 : f32 to vector<16xf32>
    %add3A_8 = arith.constant 0 : i32
    %add3A_9 = arith.addi %mul3A_2, %add3A_8 : i32
    %dma_start3A = arith.constant 0 : i32
    %dma_start3A_10 = tpu.memref_slice %arg2[%add3A_9, %dma_start3A] : memref<16384x512xf32, #tpu.memory_space<hbm>> -> memref<32x512xf32, #tpu.memory_space<hbm>>
    %dma_start3A_11 = arith.constant 0 : i32
    %dma_start3A_12 = tpu.memref_slice %arg2[%add3A_9, %dma_start3A_11] : memref<16384x512xf32, #tpu.memory_space<hbm>> -> memref<32x512xf32, #tpu.memory_space<hbm>>
    tpu.enqueue_dma source(%dma_start3A_12 : memref<32x512xf32, #tpu.memory_space<hbm>>) target(%arg5 : memref<32x512xf32, #tpu.memory_space<vmem>>) target_semaphore(%arg11 : memref<!tpu.dma_semaphore, #tpu.memory_space<semaphore_mem>>)
    %dma_start3A_13 = arith.constant 0 : i32
    %dma_start3A_14 = tpu.memref_slice %arg3[%add3A_9, %dma_start3A_13] : memref<16384x512xi32, #tpu.memory_space<hbm>> -> memref<32x512xi32, #tpu.memory_space<hbm>>
    %dma_start3A_15 = arith.constant 0 : i32
    %dma_start3A_16 = tpu.memref_slice %arg3[%add3A_9, %dma_start3A_15] : memref<16384x512xi32, #tpu.memory_space<hbm>> -> memref<32x512xi32, #tpu.memory_space<hbm>>
    tpu.enqueue_dma source(%dma_start3A_16 : memref<32x512xi32, #tpu.memory_space<hbm>>) target(%arg7 : memref<32x512xi32, #tpu.memory_space<vmem>>) target_semaphore(%arg13 : memref<!tpu.dma_semaphore, #tpu.memory_space<semaphore_mem>>)
    %scan3A = arith.constant 0 : i32
    %scan3A_17 = arith.constant 0 : i32
    %scan3A_18 = arith.constant 8 : i32
    %scan3A_19 = arith.addi %scan3A_17, %scan3A_18 : i32
    %scan3A_20 = arith.constant 1 : i32
    scf.for %scan3A_25 = %scan3A_17 to %scan3A_19 step %scan3A_20  : i32 {
      %mul3A_26 = arith.constant 2 : i32
      %mul3A_27 = arith.muli %scan3A_25, %mul3A_26 : i32
      %add3A_28 = arith.constant 0 : i32
      %add3A_29 = arith.addi %mul3A_27, %add3A_28 : i32
      %add3A_30 = arith.constant 1 : i32
      %add3A_31 = arith.addi %add3A_29, %add3A_30 : i32
      %lt3A = arith.constant 16 : i32
      %lt3A_32 = arith.cmpi slt, %add3A_31, %lt3A : i32
      %convert_element_type3A = arith.extui %lt3A_32 : i1 to i32
      %cond3A = arith.constant 0 : i32
      %cond3A_33 = arith.cmpi ne, %convert_element_type3A, %cond3A : i32
      scf.if %cond3A_33 {
        %add3A_66 = arith.constant 1 : i32
        %add3A_67 = arith.addi %add3A_29, %add3A_66 : i32
        %mul3A_68 = arith.constant 32 : i32
        %mul3A_69 = arith.muli %add3A_67, %mul3A_68 : i32
        %add3A_70 = arith.addi %mul3A_2, %mul3A_69 : i32
        %dma_start3A_71 = arith.constant 0 : i32
        %dma_start3A_72 = tpu.memref_slice %arg2[%add3A_70, %dma_start3A_71] : memref<16384x512xf32, #tpu.memory_space<hbm>> -> memref<32x512xf32, #tpu.memory_space<hbm>>
        %dma_start3A_73 = arith.constant 0 : i32
        %dma_start3A_74 = tpu.memref_slice %arg2[%add3A_70, %dma_start3A_73] : memref<16384x512xf32, #tpu.memory_space<hbm>> -> memref<32x512xf32, #tpu.memory_space<hbm>>
        tpu.enqueue_dma source(%dma_start3A_74 : memref<32x512xf32, #tpu.memory_space<hbm>>) target(%arg6 : memref<32x512xf32, #tpu.memory_space<vmem>>) target_semaphore(%arg12 : memref<!tpu.dma_semaphore, #tpu.memory_space<semaphore_mem>>)
        %dma_start3A_75 = arith.constant 0 : i32
        %dma_start3A_76 = tpu.memref_slice %arg3[%add3A_70, %dma_start3A_75] : memref<16384x512xi32, #tpu.memory_space<hbm>> -> memref<32x512xi32, #tpu.memory_space<hbm>>
        %dma_start3A_77 = arith.constant 0 : i32
        %dma_start3A_78 = tpu.memref_slice %arg3[%add3A_70, %dma_start3A_77] : memref<16384x512xi32, #tpu.memory_space<hbm>> -> memref<32x512xi32, #tpu.memory_space<hbm>>
        tpu.enqueue_dma source(%dma_start3A_78 : memref<32x512xi32, #tpu.memory_space<hbm>>) target(%arg8 : memref<32x512xi32, #tpu.memory_space<vmem>>) target_semaphore(%arg14 : memref<!tpu.dma_semaphore, #tpu.memory_space<semaphore_mem>>)
      } else {
      }
      %dma_wait3A = arith.constant 0 : i32
      %dma_wait3A_34 = tpu.memref_slice %arg2[%mul3A_2, %dma_wait3A] : memref<16384x512xf32, #tpu.memory_space<hbm>> -> memref<32x512xf32, #tpu.memory_space<hbm>>
      %dma_wait3A_35 = arith.constant 0 : i32
      %dma_wait3A_36 = tpu.memref_slice %arg2[%mul3A_2, %dma_wait3A_35] : memref<16384x512xf32, #tpu.memory_space<hbm>> -> memref<32x512xf32, #tpu.memory_space<hbm>>
      tpu.wait_dma2 semaphore(%arg11 : memref<!tpu.dma_semaphore, #tpu.memory_space<semaphore_mem>>) src(%dma_wait3A_36 : memref<32x512xf32, #tpu.memory_space<hbm>>) dst(%arg5 : memref<32x512xf32, #tpu.memory_space<vmem>>)
      %dma_wait3A_37 = arith.constant 0 : i32
      %dma_wait3A_38 = tpu.memref_slice %arg3[%mul3A_2, %dma_wait3A_37] : memref<16384x512xi32, #tpu.memory_space<hbm>> -> memref<32x512xi32, #tpu.memory_space<hbm>>
      %dma_wait3A_39 = arith.constant 0 : i32
      %dma_wait3A_40 = tpu.memref_slice %arg3[%mul3A_2, %dma_wait3A_39] : memref<16384x512xi32, #tpu.memory_space<hbm>> -> memref<32x512xi32, #tpu.memory_space<hbm>>
      tpu.wait_dma2 semaphore(%arg13 : memref<!tpu.dma_semaphore, #tpu.memory_space<semaphore_mem>>) src(%dma_wait3A_40 : memref<32x512xi32, #tpu.memory_space<hbm>>) dst(%arg7 : memref<32x512xi32, #tpu.memory_space<vmem>>)
      %parallel_loop3A_41 = arith.constant 0 : i32
      %parallel_loop3A_42 = arith.constant 128 : i32
      %parallel_loop3A_43 = arith.constant 1 : i32
      scf.for %parallel_loop3A_66 = %parallel_loop3A_41 to %parallel_loop3A_42 step %parallel_loop3A_43  : i32 {
        %parallel_loop3A_67 = arith.constant 8 : i32
        %parallel_loop3A_68 = arith.muli %parallel_loop3A_66, %parallel_loop3A_67 : i32
        %parallel_loop3A_69 = arith.constant 0 : i32
        %parallel_loop3A_70 = arith.addi %parallel_loop3A_68, %parallel_loop3A_69 : i32
        %parallel_loop3A_71 = arith.constant 32 : i32
        %parallel_loop3A_72 = arith.divsi %parallel_loop3A_70, %parallel_loop3A_71 : i32
        %parallel_loop3A_73 = arith.constant 0 : i32
        %parallel_loop3A_74 = arith.cmpi sgt, %parallel_loop3A_70, %parallel_loop3A_73 : i32
        %parallel_loop3A_75 = arith.extui %parallel_loop3A_74 : i1 to i32
        %parallel_loop3A_76 = arith.constant 0 : i32
        %parallel_loop3A_77 = arith.cmpi slt, %parallel_loop3A_70, %parallel_loop3A_76 : i32
        %parallel_loop3A_78 = arith.extui %parallel_loop3A_77 : i1 to i32
        %parallel_loop3A_79 = arith.subi %parallel_loop3A_75, %parallel_loop3A_78 : i32
        %parallel_loop3A_80 = arith.constant 0 : i32
        %parallel_loop3A_81 = arith.cmpi sgt, %parallel_loop3A_71, %parallel_loop3A_80 : i32
        %parallel_loop3A_82 = arith.extui %parallel_loop3A_81 : i1 to i32
        %parallel_loop3A_83 = arith.constant 0 : i32
        %parallel_loop3A_84 = arith.cmpi slt, %parallel_loop3A_71, %parallel_loop3A_83 : i32
        %parallel_loop3A_85 = arith.extui %parallel_loop3A_84 : i1 to i32
        %parallel_loop3A_86 = arith.subi %parallel_loop3A_82, %parallel_loop3A_85 : i32
        %parallel_loop3A_87 = arith.cmpi ne, %parallel_loop3A_79, %parallel_loop3A_86 : i32
        %parallel_loop3A_88 = arith.remsi %parallel_loop3A_70, %parallel_loop3A_71 : i32
        %parallel_loop3A_89 = arith.constant 0 : i32
        %parallel_loop3A_90 = arith.cmpi ne, %parallel_loop3A_88, %parallel_loop3A_89 : i32
        %parallel_loop3A_91 = arith.andi %parallel_loop3A_87, %parallel_loop3A_90 : i1
        %parallel_loop3A_92 = arith.constant 1 : i32
        %parallel_loop3A_93 = arith.subi %parallel_loop3A_72, %parallel_loop3A_92 : i32
        %parallel_loop3A_94 = arith.select %parallel_loop3A_91, %parallel_loop3A_93, %parallel_loop3A_72 : i32
        %parallel_loop3A_95 = arith.constant 32 : i32
        %parallel_loop3A_96 = arith.constant 0 : i32
        %parallel_loop3A_97 = arith.cmpi eq, %parallel_loop3A_95, %parallel_loop3A_96 : i32
        %parallel_loop3A_98 = arith.constant 1 : i32
        %parallel_loop3A_99 = arith.select %parallel_loop3A_97, %parallel_loop3A_98, %parallel_loop3A_95 : i32
        %parallel_loop3A_100 = arith.remsi %parallel_loop3A_70, %parallel_loop3A_99 : i32
        %parallel_loop3A_101 = arith.constant 0 : i32
        %parallel_loop3A_102 = arith.cmpi ne, %parallel_loop3A_100, %parallel_loop3A_101 : i32
        %parallel_loop3A_103 = arith.constant 0 : i32
        %parallel_loop3A_104 = arith.cmpi slt, %parallel_loop3A_100, %parallel_loop3A_103 : i32
        %parallel_loop3A_105 = arith.constant 0 : i32
        %parallel_loop3A_106 = arith.cmpi slt, %parallel_loop3A_99, %parallel_loop3A_105 : i32
        %parallel_loop3A_107 = arith.xori %parallel_loop3A_104, %parallel_loop3A_106 : i1
        %parallel_loop3A_108 = arith.andi %parallel_loop3A_107, %parallel_loop3A_102 : i1
        %parallel_loop3A_109 = arith.addi %parallel_loop3A_100, %parallel_loop3A_99 : i32
        %parallel_loop3A_110 = arith.select %parallel_loop3A_108, %parallel_loop3A_109, %parallel_loop3A_100 : i32
        %parallel_loop3A_111 = arith.constant 16 : i32
        %parallel_loop3A_112 = arith.muli %parallel_loop3A_110, %parallel_loop3A_111 : i32
        %parallel_loop3A_113 = arith.index_cast %parallel_loop3A_94 : i32 to index
        %parallel_loop3A_114 = arith.index_cast %parallel_loop3A_112 : i32 to index
        %parallel_loop3A_115 = tpu.vector_load %arg5[%parallel_loop3A_113, %parallel_loop3A_114] {strides = array<i32>} : memref<32x512xf32, #tpu.memory_space<vmem>>, vector<16xf32>,
        %parallel_loop3A_116 = arith.index_cast %parallel_loop3A_94 : i32 to index
        %parallel_loop3A_117 = arith.index_cast %parallel_loop3A_112 : i32 to index
        %parallel_loop3A_118 = tpu.vector_load %arg7[%parallel_loop3A_116, %parallel_loop3A_117] {strides = array<i32>} : memref<32x512xi32, #tpu.memory_space<vmem>>, vector<16xi32>,
        %parallel_loop3A_119 = arith.constant 5.120000e+02 : f32
        %parallel_loop3A_120 = vector.broadcast %parallel_loop3A_119 : f32 to vector<16xf32>
        %parallel_loop3A_121 = arith.mulf %parallel_loop3A_115, %parallel_loop3A_120 : vector<16xf32>
        %parallel_loop3A_122 = arith.constant 6.144000e+03 : f32
        %parallel_loop3A_123 = vector.broadcast %parallel_loop3A_122 : f32 to vector<16xf32>
        %parallel_loop3A_124 = arith.addf %parallel_loop3A_121, %parallel_loop3A_123 : vector<16xf32>
        %parallel_loop3A_125 = arith.constant 0.000000e+00 : f32
        %parallel_loop3A_126 = vector.broadcast %parallel_loop3A_125 : f32 to vector<16xf32>
        %parallel_loop3A_127 = arith.maximumf %parallel_loop3A_124, %parallel_loop3A_126 : vector<16xf32>
        %parallel_loop3A_128 = arith.constant 1.228700e+04 : f32
        %parallel_loop3A_129 = vector.broadcast %parallel_loop3A_128 : f32 to vector<16xf32>
        %parallel_loop3A_130 = arith.minimumf %parallel_loop3A_127, %parallel_loop3A_129 : vector<16xf32>
        %parallel_loop3A_131 = arith.fptosi %parallel_loop3A_130 : vector<16xf32> to vector<16xi32>
        %parallel_loop3A_132 = arith.constant 12288 : i32
        %parallel_loop3A_133 = vector.broadcast %parallel_loop3A_132 : i32 to vector<16xi32>
        %parallel_loop3A_134 = arith.muli %parallel_loop3A_118, %parallel_loop3A_133 : vector<16xi32>
        %parallel_loop3A_135 = arith.addi %parallel_loop3A_131, %parallel_loop3A_134 : vector<16xi32>
        tpu.vector_store_idx %arg9[%parallel_loop3A_135], %broadcast_in_dim3A_7 {add = true} : memref<24576xf32, #tpu.memory_space<vmem>>[vector<16xi32>], vector<16xf32>,
        %parallel_loop3A_136 = arith.constant 8 : i32
        %parallel_loop3A_137 = arith.muli %parallel_loop3A_66, %parallel_loop3A_136 : i32
        %parallel_loop3A_138 = arith.constant 1 : i32
        %parallel_loop3A_139 = arith.addi %parallel_loop3A_137, %parallel_loop3A_138 : i32
        %parallel_loop3A_140 = arith.constant 32 : i32
        %parallel_loop3A_141 = arith.divsi %parallel_loop3A_139, %parallel_loop3A_140 : i32
        %parallel_loop3A_142 = arith.constant 0 : i32
        %parallel_loop3A_143 = arith.cmpi sgt, %parallel_loop3A_139, %parallel_loop3A_142 : i32
        %parallel_loop3A_144 = arith.extui %parallel_loop3A_143 : i1 to i32
        %parallel_loop3A_145 = arith.constant 0 : i32
        %parallel_loop3A_146 = arith.cmpi slt, %parallel_loop3A_139, %parallel_loop3A_145 : i32
        %parallel_loop3A_147 = arith.extui %parallel_loop3A_146 : i1 to i32
        %parallel_loop3A_148 = arith.subi %parallel_loop3A_144, %parallel_loop3A_147 : i32
        %parallel_loop3A_149 = arith.constant 0 : i32
        %parallel_loop3A_150 = arith.cmpi sgt, %parallel_loop3A_140, %parallel_loop3A_149 : i32
        %parallel_loop3A_151 = arith.extui %parallel_loop3A_150 : i1 to i32
        %parallel_loop3A_152 = arith.constant 0 : i32
        %parallel_loop3A_153 = arith.cmpi slt, %parallel_loop3A_140, %parallel_loop3A_152 : i32
        %parallel_loop3A_154 = arith.extui %parallel_loop3A_153 : i1 to i32
        %parallel_loop3A_155 = arith.subi %parallel_loop3A_151, %parallel_loop3A_154 : i32
        %parallel_loop3A_156 = arith.cmpi ne, %parallel_loop3A_148, %parallel_loop3A_155 : i32
        %parallel_loop3A_157 = arith.remsi %parallel_loop3A_139, %parallel_loop3A_140 : i32
        %parallel_loop3A_158 = arith.constant 0 : i32
        %parallel_loop3A_159 = arith.cmpi ne, %parallel_loop3A_157, %parallel_loop3A_158 : i32
        %parallel_loop3A_160 = arith.andi %parallel_loop3A_156, %parallel_loop3A_159 : i1
        %parallel_loop3A_161 = arith.constant 1 : i32
        %parallel_loop3A_162 = arith.subi %parallel_loop3A_141, %parallel_loop3A_161 : i32
        %parallel_loop3A_163 = arith.select %parallel_loop3A_160, %parallel_loop3A_162, %parallel_loop3A_141 : i32
        %parallel_loop3A_164 = arith.constant 32 : i32
        %parallel_loop3A_165 = arith.constant 0 : i32
        %parallel_loop3A_166 = arith.cmpi eq, %parallel_loop3A_164, %parallel_loop3A_165 : i32
        %parallel_loop3A_167 = arith.constant 1 : i32
        %parallel_loop3A_168 = arith.select %parallel_loop3A_166, %parallel_loop3A_167, %parallel_loop3A_164 : i32
        %parallel_loop3A_169 = arith.remsi %parallel_loop3A_139, %parallel_loop3A_168 : i32
        %parallel_loop3A_170 = arith.constant 0 : i32
        %parallel_loop3A_171 = arith.cmpi ne, %parallel_loop3A_169, %parallel_loop3A_170 : i32
        %parallel_loop3A_172 = arith.constant 0 : i32
        %parallel_loop3A_173 = arith.cmpi slt, %parallel_loop3A_169, %parallel_loop3A_172 : i32
        %parallel_loop3A_174 = arith.constant 0 : i32
        %parallel_loop3A_175 = arith.cmpi slt, %parallel_loop3A_168, %parallel_loop3A_174 : i32
        %parallel_loop3A_176 = arith.xori %parallel_loop3A_173, %parallel_loop3A_175 : i1
        %parallel_loop3A_177 = arith.andi %parallel_loop3A_176, %parallel_loop3A_171 : i1
        %parallel_loop3A_178 = arith.addi %parallel_loop3A_169, %parallel_loop3A_168 : i32
        %parallel_loop3A_179 = arith.select %parallel_loop3A_177, %parallel_loop3A_178, %parallel_loop3A_169 : i32
        %parallel_loop3A_180 = arith.constant 16 : i32
        %parallel_loop3A_181 = arith.muli %parallel_loop3A_179, %parallel_loop3A_180 : i32
        %parallel_loop3A_182 = arith.index_cast %parallel_loop3A_163 : i32 to index
        %parallel_loop3A_183 = arith.index_cast %parallel_loop3A_181 : i32 to index
        %parallel_loop3A_184 = tpu.vector_load %arg5[%parallel_loop3A_182, %parallel_loop3A_183] {strides = array<i32>} : memref<32x512xf32, #tpu.memory_space<vmem>>, vector<16xf32>,
        %parallel_loop3A_185 = arith.index_cast %parallel_loop3A_163 : i32 to index
        %parallel_loop3A_186 = arith.index_cast %parallel_loop3A_181 : i32 to index
        %parallel_loop3A_187 = tpu.vector_load %arg7[%parallel_loop3A_185, %parallel_loop3A_186] {strides = array<i32>} : memref<32x512xi32, #tpu.memory_space<vmem>>, vector<16xi32>,
        %parallel_loop3A_188 = arith.constant 5.120000e+02 : f32
        %parallel_loop3A_189 = vector.broadcast %parallel_loop3A_188 : f32 to vector<16xf32>
        %parallel_loop3A_190 = arith.mulf %parallel_loop3A_184, %parallel_loop3A_189 : vector<16xf32>
        %parallel_loop3A_191 = arith.constant 6.144000e+03 : f32
        %parallel_loop3A_192 = vector.broadcast %parallel_loop3A_191 : f32 to vector<16xf32>
        %parallel_loop3A_193 = arith.addf %parallel_loop3A_190, %parallel_loop3A_192 : vector<16xf32>
        %parallel_loop3A_194 = arith.constant 0.000000e+00 : f32
        %parallel_loop3A_195 = vector.broadcast %parallel_loop3A_194 : f32 to vector<16xf32>
        %parallel_loop3A_196 = arith.maximumf %parallel_loop3A_193, %parallel_loop3A_195 : vector<16xf32>
        %parallel_loop3A_197 = arith.constant 1.228700e+04 : f32
        %parallel_loop3A_198 = vector.broadcast %parallel_loop3A_197 : f32 to vector<16xf32>
        %parallel_loop3A_199 = arith.minimumf %parallel_loop3A_196, %parallel_loop3A_198 : vector<16xf32>
        %parallel_loop3A_200 = arith.fptosi %parallel_loop3A_199 : vector<16xf32> to vector<16xi32>
        %parallel_loop3A_201 = arith.constant 12288 : i32
        %parallel_loop3A_202 = vector.broadcast %parallel_loop3A_201 : i32 to vector<16xi32>
        %parallel_loop3A_203 = arith.muli %parallel_loop3A_187, %parallel_loop3A_202 : vector<16xi32>
        %parallel_loop3A_204 = arith.addi %parallel_loop3A_200, %parallel_loop3A_203 : vector<16xi32>
        tpu.vector_store_idx %arg10[%parallel_loop3A_204], %broadcast_in_dim3A_7 {add = true} : memref<24576xf32, #tpu.memory_space<vmem>>[vector<16xi32>], vector<16xf32>,
        %parallel_loop3A_205 = arith.constant 8 : i32
        %parallel_loop3A_206 = arith.muli %parallel_loop3A_66, %parallel_loop3A_205 : i32
        %parallel_loop3A_207 = arith.constant 2 : i32
        %parallel_loop3A_208 = arith.addi %parallel_loop3A_206, %parallel_loop3A_207 : i32
        %parallel_loop3A_209 = arith.constant 32 : i32
        %parallel_loop3A_210 = arith.divsi %parallel_loop3A_208, %parallel_loop3A_209 : i32
        %parallel_loop3A_211 = arith.constant 0 : i32
        %parallel_loop3A_212 = arith.cmpi sgt, %parallel_loop3A_208, %parallel_loop3A_211 : i32
        %parallel_loop3A_213 = arith.extui %parallel_loop3A_212 : i1 to i32
        %parallel_loop3A_214 = arith.constant 0 : i32
        %parallel_loop3A_215 = arith.cmpi slt, %parallel_loop3A_208, %parallel_loop3A_214 : i32
        %parallel_loop3A_216 = arith.extui %parallel_loop3A_215 : i1 to i32
        %parallel_loop3A_217 = arith.subi %parallel_loop3A_213, %parallel_loop3A_216 : i32
        %parallel_loop3A_218 = arith.constant 0 : i32
        %parallel_loop3A_219 = arith.cmpi sgt, %parallel_loop3A_209, %parallel_loop3A_218 : i32
        %parallel_loop3A_220 = arith.extui %parallel_loop3A_219 : i1 to i32
        %parallel_loop3A_221 = arith.constant 0 : i32
        %parallel_loop3A_222 = arith.cmpi slt, %parallel_loop3A_209, %parallel_loop3A_221 : i32
        %parallel_loop3A_223 = arith.extui %parallel_loop3A_222 : i1 to i32
        %parallel_loop3A_224 = arith.subi %parallel_loop3A_220, %parallel_loop3A_223 : i32
        %parallel_loop3A_225 = arith.cmpi ne, %parallel_loop3A_217, %parallel_loop3A_224 : i32
        %parallel_loop3A_226 = arith.remsi %parallel_loop3A_208, %parallel_loop3A_209 : i32
        %parallel_loop3A_227 = arith.constant 0 : i32
        %parallel_loop3A_228 = arith.cmpi ne, %parallel_loop3A_226, %parallel_loop3A_227 : i32
        %parallel_loop3A_229 = arith.andi %parallel_loop3A_225, %parallel_loop3A_228 : i1
        %parallel_loop3A_230 = arith.constant 1 : i32
        %parallel_loop3A_231 = arith.subi %parallel_loop3A_210, %parallel_loop3A_230 : i32
        %parallel_loop3A_232 = arith.select %parallel_loop3A_229, %parallel_loop3A_231, %parallel_loop3A_210 : i32
        %parallel_loop3A_233 = arith.constant 32 : i32
        %parallel_loop3A_234 = arith.constant 0 : i32
        %parallel_loop3A_235 = arith.cmpi eq, %parallel_loop3A_233, %parallel_loop3A_234 : i32
        %parallel_loop3A_236 = arith.constant 1 : i32
        %parallel_loop3A_237 = arith.select %parallel_loop3A_235, %parallel_loop3A_236, %parallel_loop3A_233 : i32
        %parallel_loop3A_238 = arith.remsi %parallel_loop3A_208, %parallel_loop3A_237 : i32
        %parallel_loop3A_239 = arith.constant 0 : i32
        %parallel_loop3A_240 = arith.cmpi ne, %parallel_loop3A_238, %parallel_loop3A_239 : i32
        %parallel_loop3A_241 = arith.constant 0 : i32
        %parallel_loop3A_242 = arith.cmpi slt, %parallel_loop3A_238, %parallel_loop3A_241 : i32
        %parallel_loop3A_243 = arith.constant 0 : i32
        %parallel_loop3A_244 = arith.cmpi slt, %parallel_loop3A_237, %parallel_loop3A_243 : i32
        %parallel_loop3A_245 = arith.xori %parallel_loop3A_242, %parallel_loop3A_244 : i1
        %parallel_loop3A_246 = arith.andi %parallel_loop3A_245, %parallel_loop3A_240 : i1
        %parallel_loop3A_247 = arith.addi %parallel_loop3A_238, %parallel_loop3A_237 : i32
        %parallel_loop3A_248 = arith.select %parallel_loop3A_246, %parallel_loop3A_247, %parallel_loop3A_238 : i32
        %parallel_loop3A_249 = arith.constant 16 : i32
        %parallel_loop3A_250 = arith.muli %parallel_loop3A_248, %parallel_loop3A_249 : i32
        %parallel_loop3A_251 = arith.index_cast %parallel_loop3A_232 : i32 to index
        %parallel_loop3A_252 = arith.index_cast %parallel_loop3A_250 : i32 to index
        %parallel_loop3A_253 = tpu.vector_load %arg5[%parallel_loop3A_251, %parallel_loop3A_252] {strides = array<i32>} : memref<32x512xf32, #tpu.memory_space<vmem>>, vector<16xf32>,
        %parallel_loop3A_254 = arith.index_cast %parallel_loop3A_232 : i32 to index
        %parallel_loop3A_255 = arith.index_cast %parallel_loop3A_250 : i32 to index
        %parallel_loop3A_256 = tpu.vector_load %arg7[%parallel_loop3A_254, %parallel_loop3A_255] {strides = array<i32>} : memref<32x512xi32, #tpu.memory_space<vmem>>, vector<16xi32>,
        %parallel_loop3A_257 = arith.constant 5.120000e+02 : f32
        %parallel_loop3A_258 = vector.broadcast %parallel_loop3A_257 : f32 to vector<16xf32>
        %parallel_loop3A_259 = arith.mulf %parallel_loop3A_253, %parallel_loop3A_258 : vector<16xf32>
        %parallel_loop3A_260 = arith.constant 6.144000e+03 : f32
        %parallel_loop3A_261 = vector.broadcast %parallel_loop3A_260 : f32 to vector<16xf32>
        %parallel_loop3A_262 = arith.addf %parallel_loop3A_259, %parallel_loop3A_261 : vector<16xf32>
        %parallel_loop3A_263 = arith.constant 0.000000e+00 : f32
        %parallel_loop3A_264 = vector.broadcast %parallel_loop3A_263 : f32 to vector<16xf32>
        %parallel_loop3A_265 = arith.maximumf %parallel_loop3A_262, %parallel_loop3A_264 : vector<16xf32>
        %parallel_loop3A_266 = arith.constant 1.228700e+04 : f32
        %parallel_loop3A_267 = vector.broadcast %parallel_loop3A_266 : f32 to vector<16xf32>
        %parallel_loop3A_268 = arith.minimumf %parallel_loop3A_265, %parallel_loop3A_267 : vector<16xf32>
        %parallel_loop3A_269 = arith.fptosi %parallel_loop3A_268 : vector<16xf32> to vector<16xi32>
        %parallel_loop3A_270 = arith.constant 12288 : i32
        %parallel_loop3A_271 = vector.broadcast %parallel_loop3A_270 : i32 to vector<16xi32>
        %parallel_loop3A_272 = arith.muli %parallel_loop3A_256, %parallel_loop3A_271 : vector<16xi32>
        %parallel_loop3A_273 = arith.addi %parallel_loop3A_269, %parallel_loop3A_272 : vector<16xi32>
        tpu.vector_store_idx %arg9[%parallel_loop3A_273], %broadcast_in_dim3A_7 {add = true} : memref<24576xf32, #tpu.memory_space<vmem>>[vector<16xi32>], vector<16xf32>,
        %parallel_loop3A_274 = arith.constant 8 : i32
        %parallel_loop3A_275 = arith.muli %parallel_loop3A_66, %parallel_loop3A_274 : i32
        %parallel_loop3A_276 = arith.constant 3 : i32
        %parallel_loop3A_277 = arith.addi %parallel_loop3A_275, %parallel_loop3A_276 : i32
        %parallel_loop3A_278 = arith.constant 32 : i32
        %parallel_loop3A_279 = arith.divsi %parallel_loop3A_277, %parallel_loop3A_278 : i32
        %parallel_loop3A_280 = arith.constant 0 : i32
        %parallel_loop3A_281 = arith.cmpi sgt, %parallel_loop3A_277, %parallel_loop3A_280 : i32
        %parallel_loop3A_282 = arith.extui %parallel_loop3A_281 : i1 to i32
        %parallel_loop3A_283 = arith.constant 0 : i32
        %parallel_loop3A_284 = arith.cmpi slt, %parallel_loop3A_277, %parallel_loop3A_283 : i32
        %parallel_loop3A_285 = arith.extui %parallel_loop3A_284 : i1 to i32
        %parallel_loop3A_286 = arith.subi %parallel_loop3A_282, %parallel_loop3A_285 : i32
        %parallel_loop3A_287 = arith.constant 0 : i32
        %parallel_loop3A_288 = arith.cmpi sgt, %parallel_loop3A_278, %parallel_loop3A_287 : i32
        %parallel_loop3A_289 = arith.extui %parallel_loop3A_288 : i1 to i32
        %parallel_loop3A_290 = arith.constant 0 : i32
        %parallel_loop3A_291 = arith.cmpi slt, %parallel_loop3A_278, %parallel_loop3A_290 : i32
        %parallel_loop3A_292 = arith.extui %parallel_loop3A_291 : i1 to i32
        %parallel_loop3A_293 = arith.subi %parallel_loop3A_289, %parallel_loop3A_292 : i32
        %parallel_loop3A_294 = arith.cmpi ne, %parallel_loop3A_286, %parallel_loop3A_293 : i32
        %parallel_loop3A_295 = arith.remsi %parallel_loop3A_277, %parallel_loop3A_278 : i32
        %parallel_loop3A_296 = arith.constant 0 : i32
        %parallel_loop3A_297 = arith.cmpi ne, %parallel_loop3A_295, %parallel_loop3A_296 : i32
        %parallel_loop3A_298 = arith.andi %parallel_loop3A_294, %parallel_loop3A_297 : i1
        %parallel_loop3A_299 = arith.constant 1 : i32
        %parallel_loop3A_300 = arith.subi %parallel_loop3A_279, %parallel_loop3A_299 : i32
        %parallel_loop3A_301 = arith.select %parallel_loop3A_298, %parallel_loop3A_300, %parallel_loop3A_279 : i32
        %parallel_loop3A_302 = arith.constant 32 : i32
        %parallel_loop3A_303 = arith.constant 0 : i32
        %parallel_loop3A_304 = arith.cmpi eq, %parallel_loop3A_302, %parallel_loop3A_303 : i32
        %parallel_loop3A_305 = arith.constant 1 : i32
        %parallel_loop3A_306 = arith.select %parallel_loop3A_304, %parallel_loop3A_305, %parallel_loop3A_302 : i32
        %parallel_loop3A_307 = arith.remsi %parallel_loop3A_277, %parallel_loop3A_306 : i32
        %parallel_loop3A_308 = arith.constant 0 : i32
        %parallel_loop3A_309 = arith.cmpi ne, %parallel_loop3A_307, %parallel_loop3A_308 : i32
        %parallel_loop3A_310 = arith.constant 0 : i32
        %parallel_loop3A_311 = arith.cmpi slt, %parallel_loop3A_307, %parallel_loop3A_310 : i32
        %parallel_loop3A_312 = arith.constant 0 : i32
        %parallel_loop3A_313 = arith.cmpi slt, %parallel_loop3A_306, %parallel_loop3A_312 : i32
        %parallel_loop3A_314 = arith.xori %parallel_loop3A_311, %parallel_loop3A_313 : i1
        %parallel_loop3A_315 = arith.andi %parallel_loop3A_314, %parallel_loop3A_309 : i1
        %parallel_loop3A_316 = arith.addi %parallel_loop3A_307, %parallel_loop3A_306 : i32
        %parallel_loop3A_317 = arith.select %parallel_loop3A_315, %parallel_loop3A_316, %parallel_loop3A_307 : i32
        %parallel_loop3A_318 = arith.constant 16 : i32
        %parallel_loop3A_319 = arith.muli %parallel_loop3A_317, %parallel_loop3A_318 : i32
        %parallel_loop3A_320 = arith.index_cast %parallel_loop3A_301 : i32 to index
        %parallel_loop3A_321 = arith.index_cast %parallel_loop3A_319 : i32 to index
        %parallel_loop3A_322 = tpu.vector_load %arg5[%parallel_loop3A_320, %parallel_loop3A_321] {strides = array<i32>} : memref<32x512xf32, #tpu.memory_space<vmem>>, vector<16xf32>,
        %parallel_loop3A_323 = arith.index_cast %parallel_loop3A_301 : i32 to index
        %parallel_loop3A_324 = arith.index_cast %parallel_loop3A_319 : i32 to index
        %parallel_loop3A_325 = tpu.vector_load %arg7[%parallel_loop3A_323, %parallel_loop3A_324] {strides = array<i32>} : memref<32x512xi32, #tpu.memory_space<vmem>>, vector<16xi32>,
        %parallel_loop3A_326 = arith.constant 5.120000e+02 : f32
        %parallel_loop3A_327 = vector.broadcast %parallel_loop3A_326 : f32 to vector<16xf32>
        %parallel_loop3A_328 = arith.mulf %parallel_loop3A_322, %parallel_loop3A_327 : vector<16xf32>
        %parallel_loop3A_329 = arith.constant 6.144000e+03 : f32
        %parallel_loop3A_330 = vector.broadcast %parallel_loop3A_329 : f32 to vector<16xf32>
        %parallel_loop3A_331 = arith.addf %parallel_loop3A_328, %parallel_loop3A_330 : vector<16xf32>
        %parallel_loop3A_332 = arith.constant 0.000000e+00 : f32
        %parallel_loop3A_333 = vector.broadcast %parallel_loop3A_332 : f32 to vector<16xf32>
        %parallel_loop3A_334 = arith.maximumf %parallel_loop3A_331, %parallel_loop3A_333 : vector<16xf32>
        %parallel_loop3A_335 = arith.constant 1.228700e+04 : f32
        %parallel_loop3A_336 = vector.broadcast %parallel_loop3A_335 : f32 to vector<16xf32>
        %parallel_loop3A_337 = arith.minimumf %parallel_loop3A_334, %parallel_loop3A_336 : vector<16xf32>
        %parallel_loop3A_338 = arith.fptosi %parallel_loop3A_337 : vector<16xf32> to vector<16xi32>
        %parallel_loop3A_339 = arith.constant 12288 : i32
        %parallel_loop3A_340 = vector.broadcast %parallel_loop3A_339 : i32 to vector<16xi32>
        %parallel_loop3A_341 = arith.muli %parallel_loop3A_325, %parallel_loop3A_340 : vector<16xi32>
        %parallel_loop3A_342 = arith.addi %parallel_loop3A_338, %parallel_loop3A_341 : vector<16xi32>
        tpu.vector_store_idx %arg10[%parallel_loop3A_342], %broadcast_in_dim3A_7 {add = true} : memref<24576xf32, #tpu.memory_space<vmem>>[vector<16xi32>], vector<16xf32>,
        %parallel_loop3A_343 = arith.constant 8 : i32
        %parallel_loop3A_344 = arith.muli %parallel_loop3A_66, %parallel_loop3A_343 : i32
        %parallel_loop3A_345 = arith.constant 4 : i32
        %parallel_loop3A_346 = arith.addi %parallel_loop3A_344, %parallel_loop3A_345 : i32
        %parallel_loop3A_347 = arith.constant 32 : i32
        %parallel_loop3A_348 = arith.divsi %parallel_loop3A_346, %parallel_loop3A_347 : i32
        %parallel_loop3A_349 = arith.constant 0 : i32
        %parallel_loop3A_350 = arith.cmpi sgt, %parallel_loop3A_346, %parallel_loop3A_349 : i32
        %parallel_loop3A_351 = arith.extui %parallel_loop3A_350 : i1 to i32
        %parallel_loop3A_352 = arith.constant 0 : i32
        %parallel_loop3A_353 = arith.cmpi slt, %parallel_loop3A_346, %parallel_loop3A_352 : i32
        %parallel_loop3A_354 = arith.extui %parallel_loop3A_353 : i1 to i32
        %parallel_loop3A_355 = arith.subi %parallel_loop3A_351, %parallel_loop3A_354 : i32
        %parallel_loop3A_356 = arith.constant 0 : i32
        %parallel_loop3A_357 = arith.cmpi sgt, %parallel_loop3A_347, %parallel_loop3A_356 : i32
        %parallel_loop3A_358 = arith.extui %parallel_loop3A_357 : i1 to i32
        %parallel_loop3A_359 = arith.constant 0 : i32
        %parallel_loop3A_360 = arith.cmpi slt, %parallel_loop3A_347, %parallel_loop3A_359 : i32
        %parallel_loop3A_361 = arith.extui %parallel_loop3A_360 : i1 to i32
        %parallel_loop3A_362 = arith.subi %parallel_loop3A_358, %parallel_loop3A_361 : i32
        %parallel_loop3A_363 = arith.cmpi ne, %parallel_loop3A_355, %parallel_loop3A_362 : i32
        %parallel_loop3A_364 = arith.remsi %parallel_loop3A_346, %parallel_loop3A_347 : i32
        %parallel_loop3A_365 = arith.constant 0 : i32
        %parallel_loop3A_366 = arith.cmpi ne, %parallel_loop3A_364, %parallel_loop3A_365 : i32
        %parallel_loop3A_367 = arith.andi %parallel_loop3A_363, %parallel_loop3A_366 : i1
        %parallel_loop3A_368 = arith.constant 1 : i32
        %parallel_loop3A_369 = arith.subi %parallel_loop3A_348, %parallel_loop3A_368 : i32
        %parallel_loop3A_370 = arith.select %parallel_loop3A_367, %parallel_loop3A_369, %parallel_loop3A_348 : i32
        %parallel_loop3A_371 = arith.constant 32 : i32
        %parallel_loop3A_372 = arith.constant 0 : i32
        %parallel_loop3A_373 = arith.cmpi eq, %parallel_loop3A_371, %parallel_loop3A_372 : i32
        %parallel_loop3A_374 = arith.constant 1 : i32
        %parallel_loop3A_375 = arith.select %parallel_loop3A_373, %parallel_loop3A_374, %parallel_loop3A_371 : i32
        %parallel_loop3A_376 = arith.remsi %parallel_loop3A_346, %parallel_loop3A_375 : i32
        %parallel_loop3A_377 = arith.constant 0 : i32
        %parallel_loop3A_378 = arith.cmpi ne, %parallel_loop3A_376, %parallel_loop3A_377 : i32
        %parallel_loop3A_379 = arith.constant 0 : i32
        %parallel_loop3A_380 = arith.cmpi slt, %parallel_loop3A_376, %parallel_loop3A_379 : i32
        %parallel_loop3A_381 = arith.constant 0 : i32
        %parallel_loop3A_382 = arith.cmpi slt, %parallel_loop3A_375, %parallel_loop3A_381 : i32
        %parallel_loop3A_383 = arith.xori %parallel_loop3A_380, %parallel_loop3A_382 : i1
        %parallel_loop3A_384 = arith.andi %parallel_loop3A_383, %parallel_loop3A_378 : i1
        %parallel_loop3A_385 = arith.addi %parallel_loop3A_376, %parallel_loop3A_375 : i32
        %parallel_loop3A_386 = arith.select %parallel_loop3A_384, %parallel_loop3A_385, %parallel_loop3A_376 : i32
        %parallel_loop3A_387 = arith.constant 16 : i32
        %parallel_loop3A_388 = arith.muli %parallel_loop3A_386, %parallel_loop3A_387 : i32
        %parallel_loop3A_389 = arith.index_cast %parallel_loop3A_370 : i32 to index
        %parallel_loop3A_390 = arith.index_cast %parallel_loop3A_388 : i32 to index
        %parallel_loop3A_391 = tpu.vector_load %arg5[%parallel_loop3A_389, %parallel_loop3A_390] {strides = array<i32>} : memref<32x512xf32, #tpu.memory_space<vmem>>, vector<16xf32>,
        %parallel_loop3A_392 = arith.index_cast %parallel_loop3A_370 : i32 to index
        %parallel_loop3A_393 = arith.index_cast %parallel_loop3A_388 : i32 to index
        %parallel_loop3A_394 = tpu.vector_load %arg7[%parallel_loop3A_392, %parallel_loop3A_393] {strides = array<i32>} : memref<32x512xi32, #tpu.memory_space<vmem>>, vector<16xi32>,
        %parallel_loop3A_395 = arith.constant 5.120000e+02 : f32
        %parallel_loop3A_396 = vector.broadcast %parallel_loop3A_395 : f32 to vector<16xf32>
        %parallel_loop3A_397 = arith.mulf %parallel_loop3A_391, %parallel_loop3A_396 : vector<16xf32>
        %parallel_loop3A_398 = arith.constant 6.144000e+03 : f32
        %parallel_loop3A_399 = vector.broadcast %parallel_loop3A_398 : f32 to vector<16xf32>
        %parallel_loop3A_400 = arith.addf %parallel_loop3A_397, %parallel_loop3A_399 : vector<16xf32>
        %parallel_loop3A_401 = arith.constant 0.000000e+00 : f32
        %parallel_loop3A_402 = vector.broadcast %parallel_loop3A_401 : f32 to vector<16xf32>
        %parallel_loop3A_403 = arith.maximumf %parallel_loop3A_400, %parallel_loop3A_402 : vector<16xf32>
        %parallel_loop3A_404 = arith.constant 1.228700e+04 : f32
        %parallel_loop3A_405 = vector.broadcast %parallel_loop3A_404 : f32 to vector<16xf32>
        %parallel_loop3A_406 = arith.minimumf %parallel_loop3A_403, %parallel_loop3A_405 : vector<16xf32>
        %parallel_loop3A_407 = arith.fptosi %parallel_loop3A_406 : vector<16xf32> to vector<16xi32>
        %parallel_loop3A_408 = arith.constant 12288 : i32
        %parallel_loop3A_409 = vector.broadcast %parallel_loop3A_408 : i32 to vector<16xi32>
        %parallel_loop3A_410 = arith.muli %parallel_loop3A_394, %parallel_loop3A_409 : vector<16xi32>
        %parallel_loop3A_411 = arith.addi %parallel_loop3A_407, %parallel_loop3A_410 : vector<16xi32>
        tpu.vector_store_idx %arg9[%parallel_loop3A_411], %broadcast_in_dim3A_7 {add = true} : memref<24576xf32, #tpu.memory_space<vmem>>[vector<16xi32>], vector<16xf32>,
        %parallel_loop3A_412 = arith.constant 8 : i32
        %parallel_loop3A_413 = arith.muli %parallel_loop3A_66, %parallel_loop3A_412 : i32
        %parallel_loop3A_414 = arith.constant 5 : i32
        %parallel_loop3A_415 = arith.addi %parallel_loop3A_413, %parallel_loop3A_414 : i32
        %parallel_loop3A_416 = arith.constant 32 : i32
        %parallel_loop3A_417 = arith.divsi %parallel_loop3A_415, %parallel_loop3A_416 : i32
        %parallel_loop3A_418 = arith.constant 0 : i32
        %parallel_loop3A_419 = arith.cmpi sgt, %parallel_loop3A_415, %parallel_loop3A_418 : i32
        %parallel_loop3A_420 = arith.extui %parallel_loop3A_419 : i1 to i32
        %parallel_loop3A_421 = arith.constant 0 : i32
        %parallel_loop3A_422 = arith.cmpi slt, %parallel_loop3A_415, %parallel_loop3A_421 : i32
        %parallel_loop3A_423 = arith.extui %parallel_loop3A_422 : i1 to i32
        %parallel_loop3A_424 = arith.subi %parallel_loop3A_420, %parallel_loop3A_423 : i32
        %parallel_loop3A_425 = arith.constant 0 : i32
        %parallel_loop3A_426 = arith.cmpi sgt, %parallel_loop3A_416, %parallel_loop3A_425 : i32
        %parallel_loop3A_427 = arith.extui %parallel_loop3A_426 : i1 to i32
        %parallel_loop3A_428 = arith.constant 0 : i32
        %parallel_loop3A_429 = arith.cmpi slt, %parallel_loop3A_416, %parallel_loop3A_428 : i32
        %parallel_loop3A_430 = arith.extui %parallel_loop3A_429 : i1 to i32
        %parallel_loop3A_431 = arith.subi %parallel_loop3A_427, %parallel_loop3A_430 : i32
        %parallel_loop3A_432 = arith.cmpi ne, %parallel_loop3A_424, %parallel_loop3A_431 : i32
        %parallel_loop3A_433 = arith.remsi %parallel_loop3A_415, %parallel_loop3A_416 : i32
        %parallel_loop3A_434 = arith.constant 0 : i32
        %parallel_loop3A_435 = arith.cmpi ne, %parallel_loop3A_433, %parallel_loop3A_434 : i32
        %parallel_loop3A_436 = arith.andi %parallel_loop3A_432, %parallel_loop3A_435 : i1
        %parallel_loop3A_437 = arith.constant 1 : i32
        %parallel_loop3A_438 = arith.subi %parallel_loop3A_417, %parallel_loop3A_437 : i32
        %parallel_loop3A_439 = arith.select %parallel_loop3A_436, %parallel_loop3A_438, %parallel_loop3A_417 : i32
        %parallel_loop3A_440 = arith.constant 32 : i32
        %parallel_loop3A_441 = arith.constant 0 : i32
        %parallel_loop3A_442 = arith.cmpi eq, %parallel_loop3A_440, %parallel_loop3A_441 : i32
        %parallel_loop3A_443 = arith.constant 1 : i32
        %parallel_loop3A_444 = arith.select %parallel_loop3A_442, %parallel_loop3A_443, %parallel_loop3A_440 : i32
        %parallel_loop3A_445 = arith.remsi %parallel_loop3A_415, %parallel_loop3A_444 : i32
        %parallel_loop3A_446 = arith.constant 0 : i32
        %parallel_loop3A_447 = arith.cmpi ne, %parallel_loop3A_445, %parallel_loop3A_446 : i32
        %parallel_loop3A_448 = arith.constant 0 : i32
        %parallel_loop3A_449 = arith.cmpi slt, %parallel_loop3A_445, %parallel_loop3A_448 : i32
        %parallel_loop3A_450 = arith.constant 0 : i32
        %parallel_loop3A_451 = arith.cmpi slt, %parallel_loop3A_444, %parallel_loop3A_450 : i32
        %parallel_loop3A_452 = arith.xori %parallel_loop3A_449, %parallel_loop3A_451 : i1
        %parallel_loop3A_453 = arith.andi %parallel_loop3A_452, %parallel_loop3A_447 : i1
        %parallel_loop3A_454 = arith.addi %parallel_loop3A_445, %parallel_loop3A_444 : i32
        %parallel_loop3A_455 = arith.select %parallel_loop3A_453, %parallel_loop3A_454, %parallel_loop3A_445 : i32
        %parallel_loop3A_456 = arith.constant 16 : i32
        %parallel_loop3A_457 = arith.muli %parallel_loop3A_455, %parallel_loop3A_456 : i32
        %parallel_loop3A_458 = arith.index_cast %parallel_loop3A_439 : i32 to index
        %parallel_loop3A_459 = arith.index_cast %parallel_loop3A_457 : i32 to index
        %parallel_loop3A_460 = tpu.vector_load %arg5[%parallel_loop3A_458, %parallel_loop3A_459] {strides = array<i32>} : memref<32x512xf32, #tpu.memory_space<vmem>>, vector<16xf32>,
        %parallel_loop3A_461 = arith.index_cast %parallel_loop3A_439 : i32 to index
        %parallel_loop3A_462 = arith.index_cast %parallel_loop3A_457 : i32 to index
        %parallel_loop3A_463 = tpu.vector_load %arg7[%parallel_loop3A_461, %parallel_loop3A_462] {strides = array<i32>} : memref<32x512xi32, #tpu.memory_space<vmem>>, vector<16xi32>,
        %parallel_loop3A_464 = arith.constant 5.120000e+02 : f32
        %parallel_loop3A_465 = vector.broadcast %parallel_loop3A_464 : f32 to vector<16xf32>
        %parallel_loop3A_466 = arith.mulf %parallel_loop3A_460, %parallel_loop3A_465 : vector<16xf32>
        %parallel_loop3A_467 = arith.constant 6.144000e+03 : f32
        %parallel_loop3A_468 = vector.broadcast %parallel_loop3A_467 : f32 to vector<16xf32>
        %parallel_loop3A_469 = arith.addf %parallel_loop3A_466, %parallel_loop3A_468 : vector<16xf32>
        %parallel_loop3A_470 = arith.constant 0.000000e+00 : f32
        %parallel_loop3A_471 = vector.broadcast %parallel_loop3A_470 : f32 to vector<16xf32>
        %parallel_loop3A_472 = arith.maximumf %parallel_loop3A_469, %parallel_loop3A_471 : vector<16xf32>
        %parallel_loop3A_473 = arith.constant 1.228700e+04 : f32
        %parallel_loop3A_474 = vector.broadcast %parallel_loop3A_473 : f32 to vector<16xf32>
        %parallel_loop3A_475 = arith.minimumf %parallel_loop3A_472, %parallel_loop3A_474 : vector<16xf32>
        %parallel_loop3A_476 = arith.fptosi %parallel_loop3A_475 : vector<16xf32> to vector<16xi32>
        %parallel_loop3A_477 = arith.constant 12288 : i32
        %parallel_loop3A_478 = vector.broadcast %parallel_loop3A_477 : i32 to vector<16xi32>
        %parallel_loop3A_479 = arith.muli %parallel_loop3A_463, %parallel_loop3A_478 : vector<16xi32>
        %parallel_loop3A_480 = arith.addi %parallel_loop3A_476, %parallel_loop3A_479 : vector<16xi32>
        tpu.vector_store_idx %arg10[%parallel_loop3A_480], %broadcast_in_dim3A_7 {add = true} : memref<24576xf32, #tpu.memory_space<vmem>>[vector<16xi32>], vector<16xf32>,
        %parallel_loop3A_481 = arith.constant 8 : i32
        %parallel_loop3A_482 = arith.muli %parallel_loop3A_66, %parallel_loop3A_481 : i32
        %parallel_loop3A_483 = arith.constant 6 : i32
        %parallel_loop3A_484 = arith.addi %parallel_loop3A_482, %parallel_loop3A_483 : i32
        %parallel_loop3A_485 = arith.constant 32 : i32
        %parallel_loop3A_486 = arith.divsi %parallel_loop3A_484, %parallel_loop3A_485 : i32
        %parallel_loop3A_487 = arith.constant 0 : i32
        %parallel_loop3A_488 = arith.cmpi sgt, %parallel_loop3A_484, %parallel_loop3A_487 : i32
        %parallel_loop3A_489 = arith.extui %parallel_loop3A_488 : i1 to i32
        %parallel_loop3A_490 = arith.constant 0 : i32
        %parallel_loop3A_491 = arith.cmpi slt, %parallel_loop3A_484, %parallel_loop3A_490 : i32
        %parallel_loop3A_492 = arith.extui %parallel_loop3A_491 : i1 to i32
        %parallel_loop3A_493 = arith.subi %parallel_loop3A_489, %parallel_loop3A_492 : i32
        %parallel_loop3A_494 = arith.constant 0 : i32
        %parallel_loop3A_495 = arith.cmpi sgt, %parallel_loop3A_485, %parallel_loop3A_494 : i32
        %parallel_loop3A_496 = arith.extui %parallel_loop3A_495 : i1 to i32
        %parallel_loop3A_497 = arith.constant 0 : i32
        %parallel_loop3A_498 = arith.cmpi slt, %parallel_loop3A_485, %parallel_loop3A_497 : i32
        %parallel_loop3A_499 = arith.extui %parallel_loop3A_498 : i1 to i32
        %parallel_loop3A_500 = arith.subi %parallel_loop3A_496, %parallel_loop3A_499 : i32
        %parallel_loop3A_501 = arith.cmpi ne, %parallel_loop3A_493, %parallel_loop3A_500 : i32
        %parallel_loop3A_502 = arith.remsi %parallel_loop3A_484, %parallel_loop3A_485 : i32
        %parallel_loop3A_503 = arith.constant 0 : i32
        %parallel_loop3A_504 = arith.cmpi ne, %parallel_loop3A_502, %parallel_loop3A_503 : i32
        %parallel_loop3A_505 = arith.andi %parallel_loop3A_501, %parallel_loop3A_504 : i1
        %parallel_loop3A_506 = arith.constant 1 : i32
        %parallel_loop3A_507 = arith.subi %parallel_loop3A_486, %parallel_loop3A_506 : i32
        %parallel_loop3A_508 = arith.select %parallel_loop3A_505, %parallel_loop3A_507, %parallel_loop3A_486 : i32
        %parallel_loop3A_509 = arith.constant 32 : i32
        %parallel_loop3A_510 = arith.constant 0 : i32
        %parallel_loop3A_511 = arith.cmpi eq, %parallel_loop3A_509, %parallel_loop3A_510 : i32
        %parallel_loop3A_512 = arith.constant 1 : i32
        %parallel_loop3A_513 = arith.select %parallel_loop3A_511, %parallel_loop3A_512, %parallel_loop3A_509 : i32
        %parallel_loop3A_514 = arith.remsi %parallel_loop3A_484, %parallel_loop3A_513 : i32
        %parallel_loop3A_515 = arith.constant 0 : i32
        %parallel_loop3A_516 = arith.cmpi ne, %parallel_loop3A_514, %parallel_loop3A_515 : i32
        %parallel_loop3A_517 = arith.constant 0 : i32
        %parallel_loop3A_518 = arith.cmpi slt, %parallel_loop3A_514, %parallel_loop3A_517 : i32
        %parallel_loop3A_519 = arith.constant 0 : i32
        %parallel_loop3A_520 = arith.cmpi slt, %parallel_loop3A_513, %parallel_loop3A_519 : i32
        %parallel_loop3A_521 = arith.xori %parallel_loop3A_518, %parallel_loop3A_520 : i1
        %parallel_loop3A_522 = arith.andi %parallel_loop3A_521, %parallel_loop3A_516 : i1
        %parallel_loop3A_523 = arith.addi %parallel_loop3A_514, %parallel_loop3A_513 : i32
        %parallel_loop3A_524 = arith.select %parallel_loop3A_522, %parallel_loop3A_523, %parallel_loop3A_514 : i32
        %parallel_loop3A_525 = arith.constant 16 : i32
        %parallel_loop3A_526 = arith.muli %parallel_loop3A_524, %parallel_loop3A_525 : i32
        %parallel_loop3A_527 = arith.index_cast %parallel_loop3A_508 : i32 to index
        %parallel_loop3A_528 = arith.index_cast %parallel_loop3A_526 : i32 to index
        %parallel_loop3A_529 = tpu.vector_load %arg5[%parallel_loop3A_527, %parallel_loop3A_528] {strides = array<i32>} : memref<32x512xf32, #tpu.memory_space<vmem>>, vector<16xf32>,
        %parallel_loop3A_530 = arith.index_cast %parallel_loop3A_508 : i32 to index
        %parallel_loop3A_531 = arith.index_cast %parallel_loop3A_526 : i32 to index
        %parallel_loop3A_532 = tpu.vector_load %arg7[%parallel_loop3A_530, %parallel_loop3A_531] {strides = array<i32>} : memref<32x512xi32, #tpu.memory_space<vmem>>, vector<16xi32>,
        %parallel_loop3A_533 = arith.constant 5.120000e+02 : f32
        %parallel_loop3A_534 = vector.broadcast %parallel_loop3A_533 : f32 to vector<16xf32>
        %parallel_loop3A_535 = arith.mulf %parallel_loop3A_529, %parallel_loop3A_534 : vector<16xf32>
        %parallel_loop3A_536 = arith.constant 6.144000e+03 : f32
        %parallel_loop3A_537 = vector.broadcast %parallel_loop3A_536 : f32 to vector<16xf32>
        %parallel_loop3A_538 = arith.addf %parallel_loop3A_535, %parallel_loop3A_537 : vector<16xf32>
        %parallel_loop3A_539 = arith.constant 0.000000e+00 : f32
        %parallel_loop3A_540 = vector.broadcast %parallel_loop3A_539 : f32 to vector<16xf32>
        %parallel_loop3A_541 = arith.maximumf %parallel_loop3A_538, %parallel_loop3A_540 : vector<16xf32>
        %parallel_loop3A_542 = arith.constant 1.228700e+04 : f32
        %parallel_loop3A_543 = vector.broadcast %parallel_loop3A_542 : f32 to vector<16xf32>
        %parallel_loop3A_544 = arith.minimumf %parallel_loop3A_541, %parallel_loop3A_543 : vector<16xf32>
        %parallel_loop3A_545 = arith.fptosi %parallel_loop3A_544 : vector<16xf32> to vector<16xi32>
        %parallel_loop3A_546 = arith.constant 12288 : i32
        %parallel_loop3A_547 = vector.broadcast %parallel_loop3A_546 : i32 to vector<16xi32>
        %parallel_loop3A_548 = arith.muli %parallel_loop3A_532, %parallel_loop3A_547 : vector<16xi32>
        %parallel_loop3A_549 = arith.addi %parallel_loop3A_545, %parallel_loop3A_548 : vector<16xi32>
        tpu.vector_store_idx %arg9[%parallel_loop3A_549], %broadcast_in_dim3A_7 {add = true} : memref<24576xf32, #tpu.memory_space<vmem>>[vector<16xi32>], vector<16xf32>,
        %parallel_loop3A_550 = arith.constant 8 : i32
        %parallel_loop3A_551 = arith.muli %parallel_loop3A_66, %parallel_loop3A_550 : i32
        %parallel_loop3A_552 = arith.constant 7 : i32
        %parallel_loop3A_553 = arith.addi %parallel_loop3A_551, %parallel_loop3A_552 : i32
        %parallel_loop3A_554 = arith.constant 32 : i32
        %parallel_loop3A_555 = arith.divsi %parallel_loop3A_553, %parallel_loop3A_554 : i32
        %parallel_loop3A_556 = arith.constant 0 : i32
        %parallel_loop3A_557 = arith.cmpi sgt, %parallel_loop3A_553, %parallel_loop3A_556 : i32
        %parallel_loop3A_558 = arith.extui %parallel_loop3A_557 : i1 to i32
        %parallel_loop3A_559 = arith.constant 0 : i32
        %parallel_loop3A_560 = arith.cmpi slt, %parallel_loop3A_553, %parallel_loop3A_559 : i32
        %parallel_loop3A_561 = arith.extui %parallel_loop3A_560 : i1 to i32
        %parallel_loop3A_562 = arith.subi %parallel_loop3A_558, %parallel_loop3A_561 : i32
        %parallel_loop3A_563 = arith.constant 0 : i32
        %parallel_loop3A_564 = arith.cmpi sgt, %parallel_loop3A_554, %parallel_loop3A_563 : i32
        %parallel_loop3A_565 = arith.extui %parallel_loop3A_564 : i1 to i32
        %parallel_loop3A_566 = arith.constant 0 : i32
        %parallel_loop3A_567 = arith.cmpi slt, %parallel_loop3A_554, %parallel_loop3A_566 : i32
        %parallel_loop3A_568 = arith.extui %parallel_loop3A_567 : i1 to i32
        %parallel_loop3A_569 = arith.subi %parallel_loop3A_565, %parallel_loop3A_568 : i32
        %parallel_loop3A_570 = arith.cmpi ne, %parallel_loop3A_562, %parallel_loop3A_569 : i32
        %parallel_loop3A_571 = arith.remsi %parallel_loop3A_553, %parallel_loop3A_554 : i32
        %parallel_loop3A_572 = arith.constant 0 : i32
        %parallel_loop3A_573 = arith.cmpi ne, %parallel_loop3A_571, %parallel_loop3A_572 : i32
        %parallel_loop3A_574 = arith.andi %parallel_loop3A_570, %parallel_loop3A_573 : i1
        %parallel_loop3A_575 = arith.constant 1 : i32
        %parallel_loop3A_576 = arith.subi %parallel_loop3A_555, %parallel_loop3A_575 : i32
        %parallel_loop3A_577 = arith.select %parallel_loop3A_574, %parallel_loop3A_576, %parallel_loop3A_555 : i32
        %parallel_loop3A_578 = arith.constant 32 : i32
        %parallel_loop3A_579 = arith.constant 0 : i32
        %parallel_loop3A_580 = arith.cmpi eq, %parallel_loop3A_578, %parallel_loop3A_579 : i32
        %parallel_loop3A_581 = arith.constant 1 : i32
        %parallel_loop3A_582 = arith.select %parallel_loop3A_580, %parallel_loop3A_581, %parallel_loop3A_578 : i32
        %parallel_loop3A_583 = arith.remsi %parallel_loop3A_553, %parallel_loop3A_582 : i32
        %parallel_loop3A_584 = arith.constant 0 : i32
        %parallel_loop3A_585 = arith.cmpi ne, %parallel_loop3A_583, %parallel_loop3A_584 : i32
        %parallel_loop3A_586 = arith.constant 0 : i32
        %parallel_loop3A_587 = arith.cmpi slt, %parallel_loop3A_583, %parallel_loop3A_586 : i32
        %parallel_loop3A_588 = arith.constant 0 : i32
        %parallel_loop3A_589 = arith.cmpi slt, %parallel_loop3A_582, %parallel_loop3A_588 : i32
        %parallel_loop3A_590 = arith.xori %parallel_loop3A_587, %parallel_loop3A_589 : i1
        %parallel_loop3A_591 = arith.andi %parallel_loop3A_590, %parallel_loop3A_585 : i1
        %parallel_loop3A_592 = arith.addi %parallel_loop3A_583, %parallel_loop3A_582 : i32
        %parallel_loop3A_593 = arith.select %parallel_loop3A_591, %parallel_loop3A_592, %parallel_loop3A_583 : i32
        %parallel_loop3A_594 = arith.constant 16 : i32
        %parallel_loop3A_595 = arith.muli %parallel_loop3A_593, %parallel_loop3A_594 : i32
        %parallel_loop3A_596 = arith.index_cast %parallel_loop3A_577 : i32 to index
        %parallel_loop3A_597 = arith.index_cast %parallel_loop3A_595 : i32 to index
        %parallel_loop3A_598 = tpu.vector_load %arg5[%parallel_loop3A_596, %parallel_loop3A_597] {strides = array<i32>} : memref<32x512xf32, #tpu.memory_space<vmem>>, vector<16xf32>,
        %parallel_loop3A_599 = arith.index_cast %parallel_loop3A_577 : i32 to index
        %parallel_loop3A_600 = arith.index_cast %parallel_loop3A_595 : i32 to index
        %parallel_loop3A_601 = tpu.vector_load %arg7[%parallel_loop3A_599, %parallel_loop3A_600] {strides = array<i32>} : memref<32x512xi32, #tpu.memory_space<vmem>>, vector<16xi32>,
        %parallel_loop3A_602 = arith.constant 5.120000e+02 : f32
        %parallel_loop3A_603 = vector.broadcast %parallel_loop3A_602 : f32 to vector<16xf32>
        %parallel_loop3A_604 = arith.mulf %parallel_loop3A_598, %parallel_loop3A_603 : vector<16xf32>
        %parallel_loop3A_605 = arith.constant 6.144000e+03 : f32
        %parallel_loop3A_606 = vector.broadcast %parallel_loop3A_605 : f32 to vector<16xf32>
        %parallel_loop3A_607 = arith.addf %parallel_loop3A_604, %parallel_loop3A_606 : vector<16xf32>
        %parallel_loop3A_608 = arith.constant 0.000000e+00 : f32
        %parallel_loop3A_609 = vector.broadcast %parallel_loop3A_608 : f32 to vector<16xf32>
        %parallel_loop3A_610 = arith.maximumf %parallel_loop3A_607, %parallel_loop3A_609 : vector<16xf32>
        %parallel_loop3A_611 = arith.constant 1.228700e+04 : f32
        %parallel_loop3A_612 = vector.broadcast %parallel_loop3A_611 : f32 to vector<16xf32>
        %parallel_loop3A_613 = arith.minimumf %parallel_loop3A_610, %parallel_loop3A_612 : vector<16xf32>
        %parallel_loop3A_614 = arith.fptosi %parallel_loop3A_613 : vector<16xf32> to vector<16xi32>
        %parallel_loop3A_615 = arith.constant 12288 : i32
        %parallel_loop3A_616 = vector.broadcast %parallel_loop3A_615 : i32 to vector<16xi32>
        %parallel_loop3A_617 = arith.muli %parallel_loop3A_601, %parallel_loop3A_616 : vector<16xi32>
        %parallel_loop3A_618 = arith.addi %parallel_loop3A_614, %parallel_loop3A_617 : vector<16xi32>
        tpu.vector_store_idx %arg10[%parallel_loop3A_618], %broadcast_in_dim3A_7 {add = true} : memref<24576xf32, #tpu.memory_space<vmem>>[vector<16xi32>], vector<16xf32>,
      } {sc.loop_unroll_factor = 2 : i64, sc.parallel_access}
      %mul3A_44 = arith.constant 2 : i32
      %mul3A_45 = arith.muli %scan3A_25, %mul3A_44 : i32
      %add3A_46 = arith.constant 1 : i32
      %add3A_47 = arith.addi %mul3A_45, %add3A_46 : i32
      %add3A_48 = arith.constant 1 : i32
      %add3A_49 = arith.addi %add3A_47, %add3A_48 : i32
      %lt3A_50 = arith.constant 16 : i32
      %lt3A_51 = arith.cmpi slt, %add3A_49, %lt3A_50 : i32
      %convert_element_type3A_52 = arith.extui %lt3A_51 : i1 to i32
      %cond3A_53 = arith.constant 0 : i32
      %cond3A_54 = arith.cmpi ne, %convert_element_type3A_52, %cond3A_53 : i32
      scf.if %cond3A_54 {
        %add3A_66 = arith.constant 1 : i32
        %add3A_67 = arith.addi %add3A_47, %add3A_66 : i32
        %mul3A_68 = arith.constant 32 : i32
        %mul3A_69 = arith.muli %add3A_67, %mul3A_68 : i32
        %add3A_70 = arith.addi %mul3A_2, %mul3A_69 : i32
        %dma_start3A_71 = arith.constant 0 : i32
        %dma_start3A_72 = tpu.memref_slice %arg2[%add3A_70, %dma_start3A_71] : memref<16384x512xf32, #tpu.memory_space<hbm>> -> memref<32x512xf32, #tpu.memory_space<hbm>>
        %dma_start3A_73 = arith.constant 0 : i32
        %dma_start3A_74 = tpu.memref_slice %arg2[%add3A_70, %dma_start3A_73] : memref<16384x512xf32, #tpu.memory_space<hbm>> -> memref<32x512xf32, #tpu.memory_space<hbm>>
        tpu.enqueue_dma source(%dma_start3A_74 : memref<32x512xf32, #tpu.memory_space<hbm>>) target(%arg5 : memref<32x512xf32, #tpu.memory_space<vmem>>) target_semaphore(%arg11 : memref<!tpu.dma_semaphore, #tpu.memory_space<semaphore_mem>>)
        %dma_start3A_75 = arith.constant 0 : i32
        %dma_start3A_76 = tpu.memref_slice %arg3[%add3A_70, %dma_start3A_75] : memref<16384x512xi32, #tpu.memory_space<hbm>> -> memref<32x512xi32, #tpu.memory_space<hbm>>
        %dma_start3A_77 = arith.constant 0 : i32
        %dma_start3A_78 = tpu.memref_slice %arg3[%add3A_70, %dma_start3A_77] : memref<16384x512xi32, #tpu.memory_space<hbm>> -> memref<32x512xi32, #tpu.memory_space<hbm>>
        tpu.enqueue_dma source(%dma_start3A_78 : memref<32x512xi32, #tpu.memory_space<hbm>>) target(%arg7 : memref<32x512xi32, #tpu.memory_space<vmem>>) target_semaphore(%arg13 : memref<!tpu.dma_semaphore, #tpu.memory_space<semaphore_mem>>)
      } else {
      }
      %dma_wait3A_55 = arith.constant 0 : i32
      %dma_wait3A_56 = tpu.memref_slice %arg2[%mul3A_2, %dma_wait3A_55] : memref<16384x512xf32, #tpu.memory_space<hbm>> -> memref<32x512xf32, #tpu.memory_space<hbm>>
      %dma_wait3A_57 = arith.constant 0 : i32
      %dma_wait3A_58 = tpu.memref_slice %arg2[%mul3A_2, %dma_wait3A_57] : memref<16384x512xf32, #tpu.memory_space<hbm>> -> memref<32x512xf32, #tpu.memory_space<hbm>>
      tpu.wait_dma2 semaphore(%arg12 : memref<!tpu.dma_semaphore, #tpu.memory_space<semaphore_mem>>) src(%dma_wait3A_58 : memref<32x512xf32, #tpu.memory_space<hbm>>) dst(%arg6 : memref<32x512xf32, #tpu.memory_space<vmem>>)
      %dma_wait3A_59 = arith.constant 0 : i32
      %dma_wait3A_60 = tpu.memref_slice %arg3[%mul3A_2, %dma_wait3A_59] : memref<16384x512xi32, #tpu.memory_space<hbm>> -> memref<32x512xi32, #tpu.memory_space<hbm>>
      %dma_wait3A_61 = arith.constant 0 : i32
      %dma_wait3A_62 = tpu.memref_slice %arg3[%mul3A_2, %dma_wait3A_61] : memref<16384x512xi32, #tpu.memory_space<hbm>> -> memref<32x512xi32, #tpu.memory_space<hbm>>
      tpu.wait_dma2 semaphore(%arg14 : memref<!tpu.dma_semaphore, #tpu.memory_space<semaphore_mem>>) src(%dma_wait3A_62 : memref<32x512xi32, #tpu.memory_space<hbm>>) dst(%arg8 : memref<32x512xi32, #tpu.memory_space<vmem>>)
      %parallel_loop3A_63 = arith.constant 0 : i32
      %parallel_loop3A_64 = arith.constant 128 : i32
      %parallel_loop3A_65 = arith.constant 1 : i32
      scf.for %parallel_loop3A_66 = %parallel_loop3A_63 to %parallel_loop3A_64 step %parallel_loop3A_65  : i32 {
        %parallel_loop3A_67 = arith.constant 8 : i32
        %parallel_loop3A_68 = arith.muli %parallel_loop3A_66, %parallel_loop3A_67 : i32
        %parallel_loop3A_69 = arith.constant 0 : i32
        %parallel_loop3A_70 = arith.addi %parallel_loop3A_68, %parallel_loop3A_69 : i32
        %parallel_loop3A_71 = arith.constant 32 : i32
        %parallel_loop3A_72 = arith.divsi %parallel_loop3A_70, %parallel_loop3A_71 : i32
        %parallel_loop3A_73 = arith.constant 0 : i32
        %parallel_loop3A_74 = arith.cmpi sgt, %parallel_loop3A_70, %parallel_loop3A_73 : i32
        %parallel_loop3A_75 = arith.extui %parallel_loop3A_74 : i1 to i32
        %parallel_loop3A_76 = arith.constant 0 : i32
        %parallel_loop3A_77 = arith.cmpi slt, %parallel_loop3A_70, %parallel_loop3A_76 : i32
        %parallel_loop3A_78 = arith.extui %parallel_loop3A_77 : i1 to i32
        %parallel_loop3A_79 = arith.subi %parallel_loop3A_75, %parallel_loop3A_78 : i32
        %parallel_loop3A_80 = arith.constant 0 : i32
        %parallel_loop3A_81 = arith.cmpi sgt, %parallel_loop3A_71, %parallel_loop3A_80 : i32
        %parallel_loop3A_82 = arith.extui %parallel_loop3A_81 : i1 to i32
        %parallel_loop3A_83 = arith.constant 0 : i32
        %parallel_loop3A_84 = arith.cmpi slt, %parallel_loop3A_71, %parallel_loop3A_83 : i32
        %parallel_loop3A_85 = arith.extui %parallel_loop3A_84 : i1 to i32
        %parallel_loop3A_86 = arith.subi %parallel_loop3A_82, %parallel_loop3A_85 : i32
        %parallel_loop3A_87 = arith.cmpi ne, %parallel_loop3A_79, %parallel_loop3A_86 : i32
        %parallel_loop3A_88 = arith.remsi %parallel_loop3A_70, %parallel_loop3A_71 : i32
        %parallel_loop3A_89 = arith.constant 0 : i32
        %parallel_loop3A_90 = arith.cmpi ne, %parallel_loop3A_88, %parallel_loop3A_89 : i32
        %parallel_loop3A_91 = arith.andi %parallel_loop3A_87, %parallel_loop3A_90 : i1
        %parallel_loop3A_92 = arith.constant 1 : i32
        %parallel_loop3A_93 = arith.subi %parallel_loop3A_72, %parallel_loop3A_92 : i32
        %parallel_loop3A_94 = arith.select %parallel_loop3A_91, %parallel_loop3A_93, %parallel_loop3A_72 : i32
        %parallel_loop3A_95 = arith.constant 32 : i32
        %parallel_loop3A_96 = arith.constant 0 : i32
        %parallel_loop3A_97 = arith.cmpi eq, %parallel_loop3A_95, %parallel_loop3A_96 : i32
        %parallel_loop3A_98 = arith.constant 1 : i32
        %parallel_loop3A_99 = arith.select %parallel_loop3A_97, %parallel_loop3A_98, %parallel_loop3A_95 : i32
        %parallel_loop3A_100 = arith.remsi %parallel_loop3A_70, %parallel_loop3A_99 : i32
        %parallel_loop3A_101 = arith.constant 0 : i32
        %parallel_loop3A_102 = arith.cmpi ne, %parallel_loop3A_100, %parallel_loop3A_101 : i32
        %parallel_loop3A_103 = arith.constant 0 : i32
        %parallel_loop3A_104 = arith.cmpi slt, %parallel_loop3A_100, %parallel_loop3A_103 : i32
        %parallel_loop3A_105 = arith.constant 0 : i32
        %parallel_loop3A_106 = arith.cmpi slt, %parallel_loop3A_99, %parallel_loop3A_105 : i32
        %parallel_loop3A_107 = arith.xori %parallel_loop3A_104, %parallel_loop3A_106 : i1
        %parallel_loop3A_108 = arith.andi %parallel_loop3A_107, %parallel_loop3A_102 : i1
        %parallel_loop3A_109 = arith.addi %parallel_loop3A_100, %parallel_loop3A_99 : i32
        %parallel_loop3A_110 = arith.select %parallel_loop3A_108, %parallel_loop3A_109, %parallel_loop3A_100 : i32
        %parallel_loop3A_111 = arith.constant 16 : i32
        %parallel_loop3A_112 = arith.muli %parallel_loop3A_110, %parallel_loop3A_111 : i32
        %parallel_loop3A_113 = arith.index_cast %parallel_loop3A_94 : i32 to index
        %parallel_loop3A_114 = arith.index_cast %parallel_loop3A_112 : i32 to index
        %parallel_loop3A_115 = tpu.vector_load %arg6[%parallel_loop3A_113, %parallel_loop3A_114] {strides = array<i32>} : memref<32x512xf32, #tpu.memory_space<vmem>>, vector<16xf32>,
        %parallel_loop3A_116 = arith.index_cast %parallel_loop3A_94 : i32 to index
        %parallel_loop3A_117 = arith.index_cast %parallel_loop3A_112 : i32 to index
        %parallel_loop3A_118 = tpu.vector_load %arg8[%parallel_loop3A_116, %parallel_loop3A_117] {strides = array<i32>} : memref<32x512xi32, #tpu.memory_space<vmem>>, vector<16xi32>,
        %parallel_loop3A_119 = arith.constant 5.120000e+02 : f32
        %parallel_loop3A_120 = vector.broadcast %parallel_loop3A_119 : f32 to vector<16xf32>
        %parallel_loop3A_121 = arith.mulf %parallel_loop3A_115, %parallel_loop3A_120 : vector<16xf32>
        %parallel_loop3A_122 = arith.constant 6.144000e+03 : f32
        %parallel_loop3A_123 = vector.broadcast %parallel_loop3A_122 : f32 to vector<16xf32>
        %parallel_loop3A_124 = arith.addf %parallel_loop3A_121, %parallel_loop3A_123 : vector<16xf32>
        %parallel_loop3A_125 = arith.constant 0.000000e+00 : f32
        %parallel_loop3A_126 = vector.broadcast %parallel_loop3A_125 : f32 to vector<16xf32>
        %parallel_loop3A_127 = arith.maximumf %parallel_loop3A_124, %parallel_loop3A_126 : vector<16xf32>
        %parallel_loop3A_128 = arith.constant 1.228700e+04 : f32
        %parallel_loop3A_129 = vector.broadcast %parallel_loop3A_128 : f32 to vector<16xf32>
        %parallel_loop3A_130 = arith.minimumf %parallel_loop3A_127, %parallel_loop3A_129 : vector<16xf32>
        %parallel_loop3A_131 = arith.fptosi %parallel_loop3A_130 : vector<16xf32> to vector<16xi32>
        %parallel_loop3A_132 = arith.constant 12288 : i32
        %parallel_loop3A_133 = vector.broadcast %parallel_loop3A_132 : i32 to vector<16xi32>
        %parallel_loop3A_134 = arith.muli %parallel_loop3A_118, %parallel_loop3A_133 : vector<16xi32>
        %parallel_loop3A_135 = arith.addi %parallel_loop3A_131, %parallel_loop3A_134 : vector<16xi32>
        tpu.vector_store_idx %arg9[%parallel_loop3A_135], %broadcast_in_dim3A_7 {add = true} : memref<24576xf32, #tpu.memory_space<vmem>>[vector<16xi32>], vector<16xf32>,
        %parallel_loop3A_136 = arith.constant 8 : i32
        %parallel_loop3A_137 = arith.muli %parallel_loop3A_66, %parallel_loop3A_136 : i32
        %parallel_loop3A_138 = arith.constant 1 : i32
        %parallel_loop3A_139 = arith.addi %parallel_loop3A_137, %parallel_loop3A_138 : i32
        %parallel_loop3A_140 = arith.constant 32 : i32
        %parallel_loop3A_141 = arith.divsi %parallel_loop3A_139, %parallel_loop3A_140 : i32
        %parallel_loop3A_142 = arith.constant 0 : i32
        %parallel_loop3A_143 = arith.cmpi sgt, %parallel_loop3A_139, %parallel_loop3A_142 : i32
        %parallel_loop3A_144 = arith.extui %parallel_loop3A_143 : i1 to i32
        %parallel_loop3A_145 = arith.constant 0 : i32
        %parallel_loop3A_146 = arith.cmpi slt, %parallel_loop3A_139, %parallel_loop3A_145 : i32
        %parallel_loop3A_147 = arith.extui %parallel_loop3A_146 : i1 to i32
        %parallel_loop3A_148 = arith.subi %parallel_loop3A_144, %parallel_loop3A_147 : i32
        %parallel_loop3A_149 = arith.constant 0 : i32
        %parallel_loop3A_150 = arith.cmpi sgt, %parallel_loop3A_140, %parallel_loop3A_149 : i32
        %parallel_loop3A_151 = arith.extui %parallel_loop3A_150 : i1 to i32
        %parallel_loop3A_152 = arith.constant 0 : i32
        %parallel_loop3A_153 = arith.cmpi slt, %parallel_loop3A_140, %parallel_loop3A_152 : i32
        %parallel_loop3A_154 = arith.extui %parallel_loop3A_153 : i1 to i32
        %parallel_loop3A_155 = arith.subi %parallel_loop3A_151, %parallel_loop3A_154 : i32
        %parallel_loop3A_156 = arith.cmpi ne, %parallel_loop3A_148, %parallel_loop3A_155 : i32
        %parallel_loop3A_157 = arith.remsi %parallel_loop3A_139, %parallel_loop3A_140 : i32
        %parallel_loop3A_158 = arith.constant 0 : i32
        %parallel_loop3A_159 = arith.cmpi ne, %parallel_loop3A_157, %parallel_loop3A_158 : i32
        %parallel_loop3A_160 = arith.andi %parallel_loop3A_156, %parallel_loop3A_159 : i1
        %parallel_loop3A_161 = arith.constant 1 : i32
        %parallel_loop3A_162 = arith.subi %parallel_loop3A_141, %parallel_loop3A_161 : i32
        %parallel_loop3A_163 = arith.select %parallel_loop3A_160, %parallel_loop3A_162, %parallel_loop3A_141 : i32
        %parallel_loop3A_164 = arith.constant 32 : i32
        %parallel_loop3A_165 = arith.constant 0 : i32
        %parallel_loop3A_166 = arith.cmpi eq, %parallel_loop3A_164, %parallel_loop3A_165 : i32
        %parallel_loop3A_167 = arith.constant 1 : i32
        %parallel_loop3A_168 = arith.select %parallel_loop3A_166, %parallel_loop3A_167, %parallel_loop3A_164 : i32
        %parallel_loop3A_169 = arith.remsi %parallel_loop3A_139, %parallel_loop3A_168 : i32
        %parallel_loop3A_170 = arith.constant 0 : i32
        %parallel_loop3A_171 = arith.cmpi ne, %parallel_loop3A_169, %parallel_loop3A_170 : i32
        %parallel_loop3A_172 = arith.constant 0 : i32
        %parallel_loop3A_173 = arith.cmpi slt, %parallel_loop3A_169, %parallel_loop3A_172 : i32
        %parallel_loop3A_174 = arith.constant 0 : i32
        %parallel_loop3A_175 = arith.cmpi slt, %parallel_loop3A_168, %parallel_loop3A_174 : i32
        %parallel_loop3A_176 = arith.xori %parallel_loop3A_173, %parallel_loop3A_175 : i1
        %parallel_loop3A_177 = arith.andi %parallel_loop3A_176, %parallel_loop3A_171 : i1
        %parallel_loop3A_178 = arith.addi %parallel_loop3A_169, %parallel_loop3A_168 : i32
        %parallel_loop3A_179 = arith.select %parallel_loop3A_177, %parallel_loop3A_178, %parallel_loop3A_169 : i32
        %parallel_loop3A_180 = arith.constant 16 : i32
        %parallel_loop3A_181 = arith.muli %parallel_loop3A_179, %parallel_loop3A_180 : i32
        %parallel_loop3A_182 = arith.index_cast %parallel_loop3A_163 : i32 to index
        %parallel_loop3A_183 = arith.index_cast %parallel_loop3A_181 : i32 to index
        %parallel_loop3A_184 = tpu.vector_load %arg6[%parallel_loop3A_182, %parallel_loop3A_183] {strides = array<i32>} : memref<32x512xf32, #tpu.memory_space<vmem>>, vector<16xf32>,
        %parallel_loop3A_185 = arith.index_cast %parallel_loop3A_163 : i32 to index
        %parallel_loop3A_186 = arith.index_cast %parallel_loop3A_181 : i32 to index
        %parallel_loop3A_187 = tpu.vector_load %arg8[%parallel_loop3A_185, %parallel_loop3A_186] {strides = array<i32>} : memref<32x512xi32, #tpu.memory_space<vmem>>, vector<16xi32>,
        %parallel_loop3A_188 = arith.constant 5.120000e+02 : f32
        %parallel_loop3A_189 = vector.broadcast %parallel_loop3A_188 : f32 to vector<16xf32>
        %parallel_loop3A_190 = arith.mulf %parallel_loop3A_184, %parallel_loop3A_189 : vector<16xf32>
        %parallel_loop3A_191 = arith.constant 6.144000e+03 : f32
        %parallel_loop3A_192 = vector.broadcast %parallel_loop3A_191 : f32 to vector<16xf32>
        %parallel_loop3A_193 = arith.addf %parallel_loop3A_190, %parallel_loop3A_192 : vector<16xf32>
        %parallel_loop3A_194 = arith.constant 0.000000e+00 : f32
        %parallel_loop3A_195 = vector.broadcast %parallel_loop3A_194 : f32 to vector<16xf32>
        %parallel_loop3A_196 = arith.maximumf %parallel_loop3A_193, %parallel_loop3A_195 : vector<16xf32>
        %parallel_loop3A_197 = arith.constant 1.228700e+04 : f32
        %parallel_loop3A_198 = vector.broadcast %parallel_loop3A_197 : f32 to vector<16xf32>
        %parallel_loop3A_199 = arith.minimumf %parallel_loop3A_196, %parallel_loop3A_198 : vector<16xf32>
        %parallel_loop3A_200 = arith.fptosi %parallel_loop3A_199 : vector<16xf32> to vector<16xi32>
        %parallel_loop3A_201 = arith.constant 12288 : i32
        %parallel_loop3A_202 = vector.broadcast %parallel_loop3A_201 : i32 to vector<16xi32>
        %parallel_loop3A_203 = arith.muli %parallel_loop3A_187, %parallel_loop3A_202 : vector<16xi32>
        %parallel_loop3A_204 = arith.addi %parallel_loop3A_200, %parallel_loop3A_203 : vector<16xi32>
        tpu.vector_store_idx %arg10[%parallel_loop3A_204], %broadcast_in_dim3A_7 {add = true} : memref<24576xf32, #tpu.memory_space<vmem>>[vector<16xi32>], vector<16xf32>,
        %parallel_loop3A_205 = arith.constant 8 : i32
        %parallel_loop3A_206 = arith.muli %parallel_loop3A_66, %parallel_loop3A_205 : i32
        %parallel_loop3A_207 = arith.constant 2 : i32
        %parallel_loop3A_208 = arith.addi %parallel_loop3A_206, %parallel_loop3A_207 : i32
        %parallel_loop3A_209 = arith.constant 32 : i32
        %parallel_loop3A_210 = arith.divsi %parallel_loop3A_208, %parallel_loop3A_209 : i32
        %parallel_loop3A_211 = arith.constant 0 : i32
        %parallel_loop3A_212 = arith.cmpi sgt, %parallel_loop3A_208, %parallel_loop3A_211 : i32
        %parallel_loop3A_213 = arith.extui %parallel_loop3A_212 : i1 to i32
        %parallel_loop3A_214 = arith.constant 0 : i32
        %parallel_loop3A_215 = arith.cmpi slt, %parallel_loop3A_208, %parallel_loop3A_214 : i32
        %parallel_loop3A_216 = arith.extui %parallel_loop3A_215 : i1 to i32
        %parallel_loop3A_217 = arith.subi %parallel_loop3A_213, %parallel_loop3A_216 : i32
        %parallel_loop3A_218 = arith.constant 0 : i32
        %parallel_loop3A_219 = arith.cmpi sgt, %parallel_loop3A_209, %parallel_loop3A_218 : i32
        %parallel_loop3A_220 = arith.extui %parallel_loop3A_219 : i1 to i32
        %parallel_loop3A_221 = arith.constant 0 : i32
        %parallel_loop3A_222 = arith.cmpi slt, %parallel_loop3A_209, %parallel_loop3A_221 : i32
        %parallel_loop3A_223 = arith.extui %parallel_loop3A_222 : i1 to i32
        %parallel_loop3A_224 = arith.subi %parallel_loop3A_220, %parallel_loop3A_223 : i32
        %parallel_loop3A_225 = arith.cmpi ne, %parallel_loop3A_217, %parallel_loop3A_224 : i32
        %parallel_loop3A_226 = arith.remsi %parallel_loop3A_208, %parallel_loop3A_209 : i32
        %parallel_loop3A_227 = arith.constant 0 : i32
        %parallel_loop3A_228 = arith.cmpi ne, %parallel_loop3A_226, %parallel_loop3A_227 : i32
        %parallel_loop3A_229 = arith.andi %parallel_loop3A_225, %parallel_loop3A_228 : i1
        %parallel_loop3A_230 = arith.constant 1 : i32
        %parallel_loop3A_231 = arith.subi %parallel_loop3A_210, %parallel_loop3A_230 : i32
        %parallel_loop3A_232 = arith.select %parallel_loop3A_229, %parallel_loop3A_231, %parallel_loop3A_210 : i32
        %parallel_loop3A_233 = arith.constant 32 : i32
        %parallel_loop3A_234 = arith.constant 0 : i32
        %parallel_loop3A_235 = arith.cmpi eq, %parallel_loop3A_233, %parallel_loop3A_234 : i32
        %parallel_loop3A_236 = arith.constant 1 : i32
        %parallel_loop3A_237 = arith.select %parallel_loop3A_235, %parallel_loop3A_236, %parallel_loop3A_233 : i32
        %parallel_loop3A_238 = arith.remsi %parallel_loop3A_208, %parallel_loop3A_237 : i32
        %parallel_loop3A_239 = arith.constant 0 : i32
        %parallel_loop3A_240 = arith.cmpi ne, %parallel_loop3A_238, %parallel_loop3A_239 : i32
        %parallel_loop3A_241 = arith.constant 0 : i32
        %parallel_loop3A_242 = arith.cmpi slt, %parallel_loop3A_238, %parallel_loop3A_241 : i32
        %parallel_loop3A_243 = arith.constant 0 : i32
        %parallel_loop3A_244 = arith.cmpi slt, %parallel_loop3A_237, %parallel_loop3A_243 : i32
        %parallel_loop3A_245 = arith.xori %parallel_loop3A_242, %parallel_loop3A_244 : i1
        %parallel_loop3A_246 = arith.andi %parallel_loop3A_245, %parallel_loop3A_240 : i1
        %parallel_loop3A_247 = arith.addi %parallel_loop3A_238, %parallel_loop3A_237 : i32
        %parallel_loop3A_248 = arith.select %parallel_loop3A_246, %parallel_loop3A_247, %parallel_loop3A_238 : i32
        %parallel_loop3A_249 = arith.constant 16 : i32
        %parallel_loop3A_250 = arith.muli %parallel_loop3A_248, %parallel_loop3A_249 : i32
        %parallel_loop3A_251 = arith.index_cast %parallel_loop3A_232 : i32 to index
        %parallel_loop3A_252 = arith.index_cast %parallel_loop3A_250 : i32 to index
        %parallel_loop3A_253 = tpu.vector_load %arg6[%parallel_loop3A_251, %parallel_loop3A_252] {strides = array<i32>} : memref<32x512xf32, #tpu.memory_space<vmem>>, vector<16xf32>,
        %parallel_loop3A_254 = arith.index_cast %parallel_loop3A_232 : i32 to index
        %parallel_loop3A_255 = arith.index_cast %parallel_loop3A_250 : i32 to index
        %parallel_loop3A_256 = tpu.vector_load %arg8[%parallel_loop3A_254, %parallel_loop3A_255] {strides = array<i32>} : memref<32x512xi32, #tpu.memory_space<vmem>>, vector<16xi32>,
        %parallel_loop3A_257 = arith.constant 5.120000e+02 : f32
        %parallel_loop3A_258 = vector.broadcast %parallel_loop3A_257 : f32 to vector<16xf32>
        %parallel_loop3A_259 = arith.mulf %parallel_loop3A_253, %parallel_loop3A_258 : vector<16xf32>
        %parallel_loop3A_260 = arith.constant 6.144000e+03 : f32
        %parallel_loop3A_261 = vector.broadcast %parallel_loop3A_260 : f32 to vector<16xf32>
        %parallel_loop3A_262 = arith.addf %parallel_loop3A_259, %parallel_loop3A_261 : vector<16xf32>
        %parallel_loop3A_263 = arith.constant 0.000000e+00 : f32
        %parallel_loop3A_264 = vector.broadcast %parallel_loop3A_263 : f32 to vector<16xf32>
        %parallel_loop3A_265 = arith.maximumf %parallel_loop3A_262, %parallel_loop3A_264 : vector<16xf32>
        %parallel_loop3A_266 = arith.constant 1.228700e+04 : f32
        %parallel_loop3A_267 = vector.broadcast %parallel_loop3A_266 : f32 to vector<16xf32>
        %parallel_loop3A_268 = arith.minimumf %parallel_loop3A_265, %parallel_loop3A_267 : vector<16xf32>
        %parallel_loop3A_269 = arith.fptosi %parallel_loop3A_268 : vector<16xf32> to vector<16xi32>
        %parallel_loop3A_270 = arith.constant 12288 : i32
        %parallel_loop3A_271 = vector.broadcast %parallel_loop3A_270 : i32 to vector<16xi32>
        %parallel_loop3A_272 = arith.muli %parallel_loop3A_256, %parallel_loop3A_271 : vector<16xi32>
        %parallel_loop3A_273 = arith.addi %parallel_loop3A_269, %parallel_loop3A_272 : vector<16xi32>
        tpu.vector_store_idx %arg9[%parallel_loop3A_273], %broadcast_in_dim3A_7 {add = true} : memref<24576xf32, #tpu.memory_space<vmem>>[vector<16xi32>], vector<16xf32>,
        %parallel_loop3A_274 = arith.constant 8 : i32
        %parallel_loop3A_275 = arith.muli %parallel_loop3A_66, %parallel_loop3A_274 : i32
        %parallel_loop3A_276 = arith.constant 3 : i32
        %parallel_loop3A_277 = arith.addi %parallel_loop3A_275, %parallel_loop3A_276 : i32
        %parallel_loop3A_278 = arith.constant 32 : i32
        %parallel_loop3A_279 = arith.divsi %parallel_loop3A_277, %parallel_loop3A_278 : i32
        %parallel_loop3A_280 = arith.constant 0 : i32
        %parallel_loop3A_281 = arith.cmpi sgt, %parallel_loop3A_277, %parallel_loop3A_280 : i32
        %parallel_loop3A_282 = arith.extui %parallel_loop3A_281 : i1 to i32
        %parallel_loop3A_283 = arith.constant 0 : i32
        %parallel_loop3A_284 = arith.cmpi slt, %parallel_loop3A_277, %parallel_loop3A_283 : i32
        %parallel_loop3A_285 = arith.extui %parallel_loop3A_284 : i1 to i32
        %parallel_loop3A_286 = arith.subi %parallel_loop3A_282, %parallel_loop3A_285 : i32
        %parallel_loop3A_287 = arith.constant 0 : i32
        %parallel_loop3A_288 = arith.cmpi sgt, %parallel_loop3A_278, %parallel_loop3A_287 : i32
        %parallel_loop3A_289 = arith.extui %parallel_loop3A_288 : i1 to i32
        %parallel_loop3A_290 = arith.constant 0 : i32
        %parallel_loop3A_291 = arith.cmpi slt, %parallel_loop3A_278, %parallel_loop3A_290 : i32
        %parallel_loop3A_292 = arith.extui %parallel_loop3A_291 : i1 to i32
        %parallel_loop3A_293 = arith.subi %parallel_loop3A_289, %parallel_loop3A_292 : i32
        %parallel_loop3A_294 = arith.cmpi ne, %parallel_loop3A_286, %parallel_loop3A_293 : i32
        %parallel_loop3A_295 = arith.remsi %parallel_loop3A_277, %parallel_loop3A_278 : i32
        %parallel_loop3A_296 = arith.constant 0 : i32
        %parallel_loop3A_297 = arith.cmpi ne, %parallel_loop3A_295, %parallel_loop3A_296 : i32
        %parallel_loop3A_298 = arith.andi %parallel_loop3A_294, %parallel_loop3A_297 : i1
        %parallel_loop3A_299 = arith.constant 1 : i32
        %parallel_loop3A_300 = arith.subi %parallel_loop3A_279, %parallel_loop3A_299 : i32
        %parallel_loop3A_301 = arith.select %parallel_loop3A_298, %parallel_loop3A_300, %parallel_loop3A_279 : i32
        %parallel_loop3A_302 = arith.constant 32 : i32
        %parallel_loop3A_303 = arith.constant 0 : i32
        %parallel_loop3A_304 = arith.cmpi eq, %parallel_loop3A_302, %parallel_loop3A_303 : i32
        %parallel_loop3A_305 = arith.constant 1 : i32
        %parallel_loop3A_306 = arith.select %parallel_loop3A_304, %parallel_loop3A_305, %parallel_loop3A_302 : i32
        %parallel_loop3A_307 = arith.remsi %parallel_loop3A_277, %parallel_loop3A_306 : i32
        %parallel_loop3A_308 = arith.constant 0 : i32
        %parallel_loop3A_309 = arith.cmpi ne, %parallel_loop3A_307, %parallel_loop3A_308 : i32
        %parallel_loop3A_310 = arith.constant 0 : i32
        %parallel_loop3A_311 = arith.cmpi slt, %parallel_loop3A_307, %parallel_loop3A_310 : i32
        %parallel_loop3A_312 = arith.constant 0 : i32
        %parallel_loop3A_313 = arith.cmpi slt, %parallel_loop3A_306, %parallel_loop3A_312 : i32
        %parallel_loop3A_314 = arith.xori %parallel_loop3A_311, %parallel_loop3A_313 : i1
        %parallel_loop3A_315 = arith.andi %parallel_loop3A_314, %parallel_loop3A_309 : i1
        %parallel_loop3A_316 = arith.addi %parallel_loop3A_307, %parallel_loop3A_306 : i32
        %parallel_loop3A_317 = arith.select %parallel_loop3A_315, %parallel_loop3A_316, %parallel_loop3A_307 : i32
        %parallel_loop3A_318 = arith.constant 16 : i32
        %parallel_loop3A_319 = arith.muli %parallel_loop3A_317, %parallel_loop3A_318 : i32
        %parallel_loop3A_320 = arith.index_cast %parallel_loop3A_301 : i32 to index
        %parallel_loop3A_321 = arith.index_cast %parallel_loop3A_319 : i32 to index
        %parallel_loop3A_322 = tpu.vector_load %arg6[%parallel_loop3A_320, %parallel_loop3A_321] {strides = array<i32>} : memref<32x512xf32, #tpu.memory_space<vmem>>, vector<16xf32>,
        %parallel_loop3A_323 = arith.index_cast %parallel_loop3A_301 : i32 to index
        %parallel_loop3A_324 = arith.index_cast %parallel_loop3A_319 : i32 to index
        %parallel_loop3A_325 = tpu.vector_load %arg8[%parallel_loop3A_323, %parallel_loop3A_324] {strides = array<i32>} : memref<32x512xi32, #tpu.memory_space<vmem>>, vector<16xi32>,
        %parallel_loop3A_326 = arith.constant 5.120000e+02 : f32
        %parallel_loop3A_327 = vector.broadcast %parallel_loop3A_326 : f32 to vector<16xf32>
        %parallel_loop3A_328 = arith.mulf %parallel_loop3A_322, %parallel_loop3A_327 : vector<16xf32>
        %parallel_loop3A_329 = arith.constant 6.144000e+03 : f32
        %parallel_loop3A_330 = vector.broadcast %parallel_loop3A_329 : f32 to vector<16xf32>
        %parallel_loop3A_331 = arith.addf %parallel_loop3A_328, %parallel_loop3A_330 : vector<16xf32>
        %parallel_loop3A_332 = arith.constant 0.000000e+00 : f32
        %parallel_loop3A_333 = vector.broadcast %parallel_loop3A_332 : f32 to vector<16xf32>
        %parallel_loop3A_334 = arith.maximumf %parallel_loop3A_331, %parallel_loop3A_333 : vector<16xf32>
        %parallel_loop3A_335 = arith.constant 1.228700e+04 : f32
        %parallel_loop3A_336 = vector.broadcast %parallel_loop3A_335 : f32 to vector<16xf32>
        %parallel_loop3A_337 = arith.minimumf %parallel_loop3A_334, %parallel_loop3A_336 : vector<16xf32>
        %parallel_loop3A_338 = arith.fptosi %parallel_loop3A_337 : vector<16xf32> to vector<16xi32>
        %parallel_loop3A_339 = arith.constant 12288 : i32
        %parallel_loop3A_340 = vector.broadcast %parallel_loop3A_339 : i32 to vector<16xi32>
        %parallel_loop3A_341 = arith.muli %parallel_loop3A_325, %parallel_loop3A_340 : vector<16xi32>
        %parallel_loop3A_342 = arith.addi %parallel_loop3A_338, %parallel_loop3A_341 : vector<16xi32>
        tpu.vector_store_idx %arg10[%parallel_loop3A_342], %broadcast_in_dim3A_7 {add = true} : memref<24576xf32, #tpu.memory_space<vmem>>[vector<16xi32>], vector<16xf32>,
        %parallel_loop3A_343 = arith.constant 8 : i32
        %parallel_loop3A_344 = arith.muli %parallel_loop3A_66, %parallel_loop3A_343 : i32
        %parallel_loop3A_345 = arith.constant 4 : i32
        %parallel_loop3A_346 = arith.addi %parallel_loop3A_344, %parallel_loop3A_345 : i32
        %parallel_loop3A_347 = arith.constant 32 : i32
        %parallel_loop3A_348 = arith.divsi %parallel_loop3A_346, %parallel_loop3A_347 : i32
        %parallel_loop3A_349 = arith.constant 0 : i32
        %parallel_loop3A_350 = arith.cmpi sgt, %parallel_loop3A_346, %parallel_loop3A_349 : i32
        %parallel_loop3A_351 = arith.extui %parallel_loop3A_350 : i1 to i32
        %parallel_loop3A_352 = arith.constant 0 : i32
        %parallel_loop3A_353 = arith.cmpi slt, %parallel_loop3A_346, %parallel_loop3A_352 : i32
        %parallel_loop3A_354 = arith.extui %parallel_loop3A_353 : i1 to i32
        %parallel_loop3A_355 = arith.subi %parallel_loop3A_351, %parallel_loop3A_354 : i32
        %parallel_loop3A_356 = arith.constant 0 : i32
        %parallel_loop3A_357 = arith.cmpi sgt, %parallel_loop3A_347, %parallel_loop3A_356 : i32
        %parallel_loop3A_358 = arith.extui %parallel_loop3A_357 : i1 to i32
        %parallel_loop3A_359 = arith.constant 0 : i32
        %parallel_loop3A_360 = arith.cmpi slt, %parallel_loop3A_347, %parallel_loop3A_359 : i32
        %parallel_loop3A_361 = arith.extui %parallel_loop3A_360 : i1 to i32
        %parallel_loop3A_362 = arith.subi %parallel_loop3A_358, %parallel_loop3A_361 : i32
        %parallel_loop3A_363 = arith.cmpi ne, %parallel_loop3A_355, %parallel_loop3A_362 : i32
        %parallel_loop3A_364 = arith.remsi %parallel_loop3A_346, %parallel_loop3A_347 : i32
        %parallel_loop3A_365 = arith.constant 0 : i32
        %parallel_loop3A_366 = arith.cmpi ne, %parallel_loop3A_364, %parallel_loop3A_365 : i32
        %parallel_loop3A_367 = arith.andi %parallel_loop3A_363, %parallel_loop3A_366 : i1
        %parallel_loop3A_368 = arith.constant 1 : i32
        %parallel_loop3A_369 = arith.subi %parallel_loop3A_348, %parallel_loop3A_368 : i32
        %parallel_loop3A_370 = arith.select %parallel_loop3A_367, %parallel_loop3A_369, %parallel_loop3A_348 : i32
        %parallel_loop3A_371 = arith.constant 32 : i32
        %parallel_loop3A_372 = arith.constant 0 : i32
        %parallel_loop3A_373 = arith.cmpi eq, %parallel_loop3A_371, %parallel_loop3A_372 : i32
        %parallel_loop3A_374 = arith.constant 1 : i32
        %parallel_loop3A_375 = arith.select %parallel_loop3A_373, %parallel_loop3A_374, %parallel_loop3A_371 : i32
        %parallel_loop3A_376 = arith.remsi %parallel_loop3A_346, %parallel_loop3A_375 : i32
        %parallel_loop3A_377 = arith.constant 0 : i32
        %parallel_loop3A_378 = arith.cmpi ne, %parallel_loop3A_376, %parallel_loop3A_377 : i32
        %parallel_loop3A_379 = arith.constant 0 : i32
        %parallel_loop3A_380 = arith.cmpi slt, %parallel_loop3A_376, %parallel_loop3A_379 : i32
        %parallel_loop3A_381 = arith.constant 0 : i32
        %parallel_loop3A_382 = arith.cmpi slt, %parallel_loop3A_375, %parallel_loop3A_381 : i32
        %parallel_loop3A_383 = arith.xori %parallel_loop3A_380, %parallel_loop3A_382 : i1
        %parallel_loop3A_384 = arith.andi %parallel_loop3A_383, %parallel_loop3A_378 : i1
        %parallel_loop3A_385 = arith.addi %parallel_loop3A_376, %parallel_loop3A_375 : i32
        %parallel_loop3A_386 = arith.select %parallel_loop3A_384, %parallel_loop3A_385, %parallel_loop3A_376 : i32
        %parallel_loop3A_387 = arith.constant 16 : i32
        %parallel_loop3A_388 = arith.muli %parallel_loop3A_386, %parallel_loop3A_387 : i32
        %parallel_loop3A_389 = arith.index_cast %parallel_loop3A_370 : i32 to index
        %parallel_loop3A_390 = arith.index_cast %parallel_loop3A_388 : i32 to index
        %parallel_loop3A_391 = tpu.vector_load %arg6[%parallel_loop3A_389, %parallel_loop3A_390] {strides = array<i32>} : memref<32x512xf32, #tpu.memory_space<vmem>>, vector<16xf32>,
        %parallel_loop3A_392 = arith.index_cast %parallel_loop3A_370 : i32 to index
        %parallel_loop3A_393 = arith.index_cast %parallel_loop3A_388 : i32 to index
        %parallel_loop3A_394 = tpu.vector_load %arg8[%parallel_loop3A_392, %parallel_loop3A_393] {strides = array<i32>} : memref<32x512xi32, #tpu.memory_space<vmem>>, vector<16xi32>,
        %parallel_loop3A_395 = arith.constant 5.120000e+02 : f32
        %parallel_loop3A_396 = vector.broadcast %parallel_loop3A_395 : f32 to vector<16xf32>
        %parallel_loop3A_397 = arith.mulf %parallel_loop3A_391, %parallel_loop3A_396 : vector<16xf32>
        %parallel_loop3A_398 = arith.constant 6.144000e+03 : f32
        %parallel_loop3A_399 = vector.broadcast %parallel_loop3A_398 : f32 to vector<16xf32>
        %parallel_loop3A_400 = arith.addf %parallel_loop3A_397, %parallel_loop3A_399 : vector<16xf32>
        %parallel_loop3A_401 = arith.constant 0.000000e+00 : f32
        %parallel_loop3A_402 = vector.broadcast %parallel_loop3A_401 : f32 to vector<16xf32>
        %parallel_loop3A_403 = arith.maximumf %parallel_loop3A_400, %parallel_loop3A_402 : vector<16xf32>
        %parallel_loop3A_404 = arith.constant 1.228700e+04 : f32
        %parallel_loop3A_405 = vector.broadcast %parallel_loop3A_404 : f32 to vector<16xf32>
        %parallel_loop3A_406 = arith.minimumf %parallel_loop3A_403, %parallel_loop3A_405 : vector<16xf32>
        %parallel_loop3A_407 = arith.fptosi %parallel_loop3A_406 : vector<16xf32> to vector<16xi32>
        %parallel_loop3A_408 = arith.constant 12288 : i32
        %parallel_loop3A_409 = vector.broadcast %parallel_loop3A_408 : i32 to vector<16xi32>
        %parallel_loop3A_410 = arith.muli %parallel_loop3A_394, %parallel_loop3A_409 : vector<16xi32>
        %parallel_loop3A_411 = arith.addi %parallel_loop3A_407, %parallel_loop3A_410 : vector<16xi32>
        tpu.vector_store_idx %arg9[%parallel_loop3A_411], %broadcast_in_dim3A_7 {add = true} : memref<24576xf32, #tpu.memory_space<vmem>>[vector<16xi32>], vector<16xf32>,
        %parallel_loop3A_412 = arith.constant 8 : i32
        %parallel_loop3A_413 = arith.muli %parallel_loop3A_66, %parallel_loop3A_412 : i32
        %parallel_loop3A_414 = arith.constant 5 : i32
        %parallel_loop3A_415 = arith.addi %parallel_loop3A_413, %parallel_loop3A_414 : i32
        %parallel_loop3A_416 = arith.constant 32 : i32
        %parallel_loop3A_417 = arith.divsi %parallel_loop3A_415, %parallel_loop3A_416 : i32
        %parallel_loop3A_418 = arith.constant 0 : i32
        %parallel_loop3A_419 = arith.cmpi sgt, %parallel_loop3A_415, %parallel_loop3A_418 : i32
        %parallel_loop3A_420 = arith.extui %parallel_loop3A_419 : i1 to i32
        %parallel_loop3A_421 = arith.constant 0 : i32
        %parallel_loop3A_422 = arith.cmpi slt, %parallel_loop3A_415, %parallel_loop3A_421 : i32
        %parallel_loop3A_423 = arith.extui %parallel_loop3A_422 : i1 to i32
        %parallel_loop3A_424 = arith.subi %parallel_loop3A_420, %parallel_loop3A_423 : i32
        %parallel_loop3A_425 = arith.constant 0 : i32
        %parallel_loop3A_426 = arith.cmpi sgt, %parallel_loop3A_416, %parallel_loop3A_425 : i32
        %parallel_loop3A_427 = arith.extui %parallel_loop3A_426 : i1 to i32
        %parallel_loop3A_428 = arith.constant 0 : i32
        %parallel_loop3A_429 = arith.cmpi slt, %parallel_loop3A_416, %parallel_loop3A_428 : i32
        %parallel_loop3A_430 = arith.extui %parallel_loop3A_429 : i1 to i32
        %parallel_loop3A_431 = arith.subi %parallel_loop3A_427, %parallel_loop3A_430 : i32
        %parallel_loop3A_432 = arith.cmpi ne, %parallel_loop3A_424, %parallel_loop3A_431 : i32
        %parallel_loop3A_433 = arith.remsi %parallel_loop3A_415, %parallel_loop3A_416 : i32
        %parallel_loop3A_434 = arith.constant 0 : i32
        %parallel_loop3A_435 = arith.cmpi ne, %parallel_loop3A_433, %parallel_loop3A_434 : i32
        %parallel_loop3A_436 = arith.andi %parallel_loop3A_432, %parallel_loop3A_435 : i1
        %parallel_loop3A_437 = arith.constant 1 : i32
        %parallel_loop3A_438 = arith.subi %parallel_loop3A_417, %parallel_loop3A_437 : i32
        %parallel_loop3A_439 = arith.select %parallel_loop3A_436, %parallel_loop3A_438, %parallel_loop3A_417 : i32
        %parallel_loop3A_440 = arith.constant 32 : i32
        %parallel_loop3A_441 = arith.constant 0 : i32
        %parallel_loop3A_442 = arith.cmpi eq, %parallel_loop3A_440, %parallel_loop3A_441 : i32
        %parallel_loop3A_443 = arith.constant 1 : i32
        %parallel_loop3A_444 = arith.select %parallel_loop3A_442, %parallel_loop3A_443, %parallel_loop3A_440 : i32
        %parallel_loop3A_445 = arith.remsi %parallel_loop3A_415, %parallel_loop3A_444 : i32
        %parallel_loop3A_446 = arith.constant 0 : i32
        %parallel_loop3A_447 = arith.cmpi ne, %parallel_loop3A_445, %parallel_loop3A_446 : i32
        %parallel_loop3A_448 = arith.constant 0 : i32
        %parallel_loop3A_449 = arith.cmpi slt, %parallel_loop3A_445, %parallel_loop3A_448 : i32
        %parallel_loop3A_450 = arith.constant 0 : i32
        %parallel_loop3A_451 = arith.cmpi slt, %parallel_loop3A_444, %parallel_loop3A_450 : i32
        %parallel_loop3A_452 = arith.xori %parallel_loop3A_449, %parallel_loop3A_451 : i1
        %parallel_loop3A_453 = arith.andi %parallel_loop3A_452, %parallel_loop3A_447 : i1
        %parallel_loop3A_454 = arith.addi %parallel_loop3A_445, %parallel_loop3A_444 : i32
        %parallel_loop3A_455 = arith.select %parallel_loop3A_453, %parallel_loop3A_454, %parallel_loop3A_445 : i32
        %parallel_loop3A_456 = arith.constant 16 : i32
        %parallel_loop3A_457 = arith.muli %parallel_loop3A_455, %parallel_loop3A_456 : i32
        %parallel_loop3A_458 = arith.index_cast %parallel_loop3A_439 : i32 to index
        %parallel_loop3A_459 = arith.index_cast %parallel_loop3A_457 : i32 to index
        %parallel_loop3A_460 = tpu.vector_load %arg6[%parallel_loop3A_458, %parallel_loop3A_459] {strides = array<i32>} : memref<32x512xf32, #tpu.memory_space<vmem>>, vector<16xf32>,
        %parallel_loop3A_461 = arith.index_cast %parallel_loop3A_439 : i32 to index
        %parallel_loop3A_462 = arith.index_cast %parallel_loop3A_457 : i32 to index
        %parallel_loop3A_463 = tpu.vector_load %arg8[%parallel_loop3A_461, %parallel_loop3A_462] {strides = array<i32>} : memref<32x512xi32, #tpu.memory_space<vmem>>, vector<16xi32>,
        %parallel_loop3A_464 = arith.constant 5.120000e+02 : f32
        %parallel_loop3A_465 = vector.broadcast %parallel_loop3A_464 : f32 to vector<16xf32>
        %parallel_loop3A_466 = arith.mulf %parallel_loop3A_460, %parallel_loop3A_465 : vector<16xf32>
        %parallel_loop3A_467 = arith.constant 6.144000e+03 : f32
        %parallel_loop3A_468 = vector.broadcast %parallel_loop3A_467 : f32 to vector<16xf32>
        %parallel_loop3A_469 = arith.addf %parallel_loop3A_466, %parallel_loop3A_468 : vector<16xf32>
        %parallel_loop3A_470 = arith.constant 0.000000e+00 : f32
        %parallel_loop3A_471 = vector.broadcast %parallel_loop3A_470 : f32 to vector<16xf32>
        %parallel_loop3A_472 = arith.maximumf %parallel_loop3A_469, %parallel_loop3A_471 : vector<16xf32>
        %parallel_loop3A_473 = arith.constant 1.228700e+04 : f32
        %parallel_loop3A_474 = vector.broadcast %parallel_loop3A_473 : f32 to vector<16xf32>
        %parallel_loop3A_475 = arith.minimumf %parallel_loop3A_472, %parallel_loop3A_474 : vector<16xf32>
        %parallel_loop3A_476 = arith.fptosi %parallel_loop3A_475 : vector<16xf32> to vector<16xi32>
        %parallel_loop3A_477 = arith.constant 12288 : i32
        %parallel_loop3A_478 = vector.broadcast %parallel_loop3A_477 : i32 to vector<16xi32>
        %parallel_loop3A_479 = arith.muli %parallel_loop3A_463, %parallel_loop3A_478 : vector<16xi32>
        %parallel_loop3A_480 = arith.addi %parallel_loop3A_476, %parallel_loop3A_479 : vector<16xi32>
        tpu.vector_store_idx %arg10[%parallel_loop3A_480], %broadcast_in_dim3A_7 {add = true} : memref<24576xf32, #tpu.memory_space<vmem>>[vector<16xi32>], vector<16xf32>,
        %parallel_loop3A_481 = arith.constant 8 : i32
        %parallel_loop3A_482 = arith.muli %parallel_loop3A_66, %parallel_loop3A_481 : i32
        %parallel_loop3A_483 = arith.constant 6 : i32
        %parallel_loop3A_484 = arith.addi %parallel_loop3A_482, %parallel_loop3A_483 : i32
        %parallel_loop3A_485 = arith.constant 32 : i32
        %parallel_loop3A_486 = arith.divsi %parallel_loop3A_484, %parallel_loop3A_485 : i32
        %parallel_loop3A_487 = arith.constant 0 : i32
        %parallel_loop3A_488 = arith.cmpi sgt, %parallel_loop3A_484, %parallel_loop3A_487 : i32
        %parallel_loop3A_489 = arith.extui %parallel_loop3A_488 : i1 to i32
        %parallel_loop3A_490 = arith.constant 0 : i32
        %parallel_loop3A_491 = arith.cmpi slt, %parallel_loop3A_484, %parallel_loop3A_490 : i32
        %parallel_loop3A_492 = arith.extui %parallel_loop3A_491 : i1 to i32
        %parallel_loop3A_493 = arith.subi %parallel_loop3A_489, %parallel_loop3A_492 : i32
        %parallel_loop3A_494 = arith.constant 0 : i32
        %parallel_loop3A_495 = arith.cmpi sgt, %parallel_loop3A_485, %parallel_loop3A_494 : i32
        %parallel_loop3A_496 = arith.extui %parallel_loop3A_495 : i1 to i32
        %parallel_loop3A_497 = arith.constant 0 : i32
        %parallel_loop3A_498 = arith.cmpi slt, %parallel_loop3A_485, %parallel_loop3A_497 : i32
        %parallel_loop3A_499 = arith.extui %parallel_loop3A_498 : i1 to i32
        %parallel_loop3A_500 = arith.subi %parallel_loop3A_496, %parallel_loop3A_499 : i32
        %parallel_loop3A_501 = arith.cmpi ne, %parallel_loop3A_493, %parallel_loop3A_500 : i32
        %parallel_loop3A_502 = arith.remsi %parallel_loop3A_484, %parallel_loop3A_485 : i32
        %parallel_loop3A_503 = arith.constant 0 : i32
        %parallel_loop3A_504 = arith.cmpi ne, %parallel_loop3A_502, %parallel_loop3A_503 : i32
        %parallel_loop3A_505 = arith.andi %parallel_loop3A_501, %parallel_loop3A_504 : i1
        %parallel_loop3A_506 = arith.constant 1 : i32
        %parallel_loop3A_507 = arith.subi %parallel_loop3A_486, %parallel_loop3A_506 : i32
        %parallel_loop3A_508 = arith.select %parallel_loop3A_505, %parallel_loop3A_507, %parallel_loop3A_486 : i32
        %parallel_loop3A_509 = arith.constant 32 : i32
        %parallel_loop3A_510 = arith.constant 0 : i32
        %parallel_loop3A_511 = arith.cmpi eq, %parallel_loop3A_509, %parallel_loop3A_510 : i32
        %parallel_loop3A_512 = arith.constant 1 : i32
        %parallel_loop3A_513 = arith.select %parallel_loop3A_511, %parallel_loop3A_512, %parallel_loop3A_509 : i32
        %parallel_loop3A_514 = arith.remsi %parallel_loop3A_484, %parallel_loop3A_513 : i32
        %parallel_loop3A_515 = arith.constant 0 : i32
        %parallel_loop3A_516 = arith.cmpi ne, %parallel_loop3A_514, %parallel_loop3A_515 : i32
        %parallel_loop3A_517 = arith.constant 0 : i32
        %parallel_loop3A_518 = arith.cmpi slt, %parallel_loop3A_514, %parallel_loop3A_517 : i32
        %parallel_loop3A_519 = arith.constant 0 : i32
        %parallel_loop3A_520 = arith.cmpi slt, %parallel_loop3A_513, %parallel_loop3A_519 : i32
        %parallel_loop3A_521 = arith.xori %parallel_loop3A_518, %parallel_loop3A_520 : i1
        %parallel_loop3A_522 = arith.andi %parallel_loop3A_521, %parallel_loop3A_516 : i1
        %parallel_loop3A_523 = arith.addi %parallel_loop3A_514, %parallel_loop3A_513 : i32
        %parallel_loop3A_524 = arith.select %parallel_loop3A_522, %parallel_loop3A_523, %parallel_loop3A_514 : i32
        %parallel_loop3A_525 = arith.constant 16 : i32
        %parallel_loop3A_526 = arith.muli %parallel_loop3A_524, %parallel_loop3A_525 : i32
        %parallel_loop3A_527 = arith.index_cast %parallel_loop3A_508 : i32 to index
        %parallel_loop3A_528 = arith.index_cast %parallel_loop3A_526 : i32 to index
        %parallel_loop3A_529 = tpu.vector_load %arg6[%parallel_loop3A_527, %parallel_loop3A_528] {strides = array<i32>} : memref<32x512xf32, #tpu.memory_space<vmem>>, vector<16xf32>,
        %parallel_loop3A_530 = arith.index_cast %parallel_loop3A_508 : i32 to index
        %parallel_loop3A_531 = arith.index_cast %parallel_loop3A_526 : i32 to index
        %parallel_loop3A_532 = tpu.vector_load %arg8[%parallel_loop3A_530, %parallel_loop3A_531] {strides = array<i32>} : memref<32x512xi32, #tpu.memory_space<vmem>>, vector<16xi32>,
        %parallel_loop3A_533 = arith.constant 5.120000e+02 : f32
        %parallel_loop3A_534 = vector.broadcast %parallel_loop3A_533 : f32 to vector<16xf32>
        %parallel_loop3A_535 = arith.mulf %parallel_loop3A_529, %parallel_loop3A_534 : vector<16xf32>
        %parallel_loop3A_536 = arith.constant 6.144000e+03 : f32
        %parallel_loop3A_537 = vector.broadcast %parallel_loop3A_536 : f32 to vector<16xf32>
        %parallel_loop3A_538 = arith.addf %parallel_loop3A_535, %parallel_loop3A_537 : vector<16xf32>
        %parallel_loop3A_539 = arith.constant 0.000000e+00 : f32
        %parallel_loop3A_540 = vector.broadcast %parallel_loop3A_539 : f32 to vector<16xf32>
        %parallel_loop3A_541 = arith.maximumf %parallel_loop3A_538, %parallel_loop3A_540 : vector<16xf32>
        %parallel_loop3A_542 = arith.constant 1.228700e+04 : f32
        %parallel_loop3A_543 = vector.broadcast %parallel_loop3A_542 : f32 to vector<16xf32>
        %parallel_loop3A_544 = arith.minimumf %parallel_loop3A_541, %parallel_loop3A_543 : vector<16xf32>
        %parallel_loop3A_545 = arith.fptosi %parallel_loop3A_544 : vector<16xf32> to vector<16xi32>
        %parallel_loop3A_546 = arith.constant 12288 : i32
        %parallel_loop3A_547 = vector.broadcast %parallel_loop3A_546 : i32 to vector<16xi32>
        %parallel_loop3A_548 = arith.muli %parallel_loop3A_532, %parallel_loop3A_547 : vector<16xi32>
        %parallel_loop3A_549 = arith.addi %parallel_loop3A_545, %parallel_loop3A_548 : vector<16xi32>
        tpu.vector_store_idx %arg9[%parallel_loop3A_549], %broadcast_in_dim3A_7 {add = true} : memref<24576xf32, #tpu.memory_space<vmem>>[vector<16xi32>], vector<16xf32>,
        %parallel_loop3A_550 = arith.constant 8 : i32
        %parallel_loop3A_551 = arith.muli %parallel_loop3A_66, %parallel_loop3A_550 : i32
        %parallel_loop3A_552 = arith.constant 7 : i32
        %parallel_loop3A_553 = arith.addi %parallel_loop3A_551, %parallel_loop3A_552 : i32
        %parallel_loop3A_554 = arith.constant 32 : i32
        %parallel_loop3A_555 = arith.divsi %parallel_loop3A_553, %parallel_loop3A_554 : i32
        %parallel_loop3A_556 = arith.constant 0 : i32
        %parallel_loop3A_557 = arith.cmpi sgt, %parallel_loop3A_553, %parallel_loop3A_556 : i32
        %parallel_loop3A_558 = arith.extui %parallel_loop3A_557 : i1 to i32
        %parallel_loop3A_559 = arith.constant 0 : i32
        %parallel_loop3A_560 = arith.cmpi slt, %parallel_loop3A_553, %parallel_loop3A_559 : i32
        %parallel_loop3A_561 = arith.extui %parallel_loop3A_560 : i1 to i32
        %parallel_loop3A_562 = arith.subi %parallel_loop3A_558, %parallel_loop3A_561 : i32
        %parallel_loop3A_563 = arith.constant 0 : i32
        %parallel_loop3A_564 = arith.cmpi sgt, %parallel_loop3A_554, %parallel_loop3A_563 : i32
        %parallel_loop3A_565 = arith.extui %parallel_loop3A_564 : i1 to i32
        %parallel_loop3A_566 = arith.constant 0 : i32
        %parallel_loop3A_567 = arith.cmpi slt, %parallel_loop3A_554, %parallel_loop3A_566 : i32
        %parallel_loop3A_568 = arith.extui %parallel_loop3A_567 : i1 to i32
        %parallel_loop3A_569 = arith.subi %parallel_loop3A_565, %parallel_loop3A_568 : i32
        %parallel_loop3A_570 = arith.cmpi ne, %parallel_loop3A_562, %parallel_loop3A_569 : i32
        %parallel_loop3A_571 = arith.remsi %parallel_loop3A_553, %parallel_loop3A_554 : i32
        %parallel_loop3A_572 = arith.constant 0 : i32
        %parallel_loop3A_573 = arith.cmpi ne, %parallel_loop3A_571, %parallel_loop3A_572 : i32
        %parallel_loop3A_574 = arith.andi %parallel_loop3A_570, %parallel_loop3A_573 : i1
        %parallel_loop3A_575 = arith.constant 1 : i32
        %parallel_loop3A_576 = arith.subi %parallel_loop3A_555, %parallel_loop3A_575 : i32
        %parallel_loop3A_577 = arith.select %parallel_loop3A_574, %parallel_loop3A_576, %parallel_loop3A_555 : i32
        %parallel_loop3A_578 = arith.constant 32 : i32
        %parallel_loop3A_579 = arith.constant 0 : i32
        %parallel_loop3A_580 = arith.cmpi eq, %parallel_loop3A_578, %parallel_loop3A_579 : i32
        %parallel_loop3A_581 = arith.constant 1 : i32
        %parallel_loop3A_582 = arith.select %parallel_loop3A_580, %parallel_loop3A_581, %parallel_loop3A_578 : i32
        %parallel_loop3A_583 = arith.remsi %parallel_loop3A_553, %parallel_loop3A_582 : i32
        %parallel_loop3A_584 = arith.constant 0 : i32
        %parallel_loop3A_585 = arith.cmpi ne, %parallel_loop3A_583, %parallel_loop3A_584 : i32
        %parallel_loop3A_586 = arith.constant 0 : i32
        %parallel_loop3A_587 = arith.cmpi slt, %parallel_loop3A_583, %parallel_loop3A_586 : i32
        %parallel_loop3A_588 = arith.constant 0 : i32
        %parallel_loop3A_589 = arith.cmpi slt, %parallel_loop3A_582, %parallel_loop3A_588 : i32
        %parallel_loop3A_590 = arith.xori %parallel_loop3A_587, %parallel_loop3A_589 : i1
        %parallel_loop3A_591 = arith.andi %parallel_loop3A_590, %parallel_loop3A_585 : i1
        %parallel_loop3A_592 = arith.addi %parallel_loop3A_583, %parallel_loop3A_582 : i32
        %parallel_loop3A_593 = arith.select %parallel_loop3A_591, %parallel_loop3A_592, %parallel_loop3A_583 : i32
        %parallel_loop3A_594 = arith.constant 16 : i32
        %parallel_loop3A_595 = arith.muli %parallel_loop3A_593, %parallel_loop3A_594 : i32
        %parallel_loop3A_596 = arith.index_cast %parallel_loop3A_577 : i32 to index
        %parallel_loop3A_597 = arith.index_cast %parallel_loop3A_595 : i32 to index
        %parallel_loop3A_598 = tpu.vector_load %arg6[%parallel_loop3A_596, %parallel_loop3A_597] {strides = array<i32>} : memref<32x512xf32, #tpu.memory_space<vmem>>, vector<16xf32>,
        %parallel_loop3A_599 = arith.index_cast %parallel_loop3A_577 : i32 to index
        %parallel_loop3A_600 = arith.index_cast %parallel_loop3A_595 : i32 to index
        %parallel_loop3A_601 = tpu.vector_load %arg8[%parallel_loop3A_599, %parallel_loop3A_600] {strides = array<i32>} : memref<32x512xi32, #tpu.memory_space<vmem>>, vector<16xi32>,
        %parallel_loop3A_602 = arith.constant 5.120000e+02 : f32
        %parallel_loop3A_603 = vector.broadcast %parallel_loop3A_602 : f32 to vector<16xf32>
        %parallel_loop3A_604 = arith.mulf %parallel_loop3A_598, %parallel_loop3A_603 : vector<16xf32>
        %parallel_loop3A_605 = arith.constant 6.144000e+03 : f32
        %parallel_loop3A_606 = vector.broadcast %parallel_loop3A_605 : f32 to vector<16xf32>
        %parallel_loop3A_607 = arith.addf %parallel_loop3A_604, %parallel_loop3A_606 : vector<16xf32>
        %parallel_loop3A_608 = arith.constant 0.000000e+00 : f32
        %parallel_loop3A_609 = vector.broadcast %parallel_loop3A_608 : f32 to vector<16xf32>
        %parallel_loop3A_610 = arith.maximumf %parallel_loop3A_607, %parallel_loop3A_609 : vector<16xf32>
        %parallel_loop3A_611 = arith.constant 1.228700e+04 : f32
        %parallel_loop3A_612 = vector.broadcast %parallel_loop3A_611 : f32 to vector<16xf32>
        %parallel_loop3A_613 = arith.minimumf %parallel_loop3A_610, %parallel_loop3A_612 : vector<16xf32>
        %parallel_loop3A_614 = arith.fptosi %parallel_loop3A_613 : vector<16xf32> to vector<16xi32>
        %parallel_loop3A_615 = arith.constant 12288 : i32
        %parallel_loop3A_616 = vector.broadcast %parallel_loop3A_615 : i32 to vector<16xi32>
        %parallel_loop3A_617 = arith.muli %parallel_loop3A_601, %parallel_loop3A_616 : vector<16xi32>
        %parallel_loop3A_618 = arith.addi %parallel_loop3A_614, %parallel_loop3A_617 : vector<16xi32>
        tpu.vector_store_idx %arg10[%parallel_loop3A_618], %broadcast_in_dim3A_7 {add = true} : memref<24576xf32, #tpu.memory_space<vmem>>[vector<16xi32>], vector<16xf32>,
      } {sc.loop_unroll_factor = 2 : i64, sc.parallel_access}
    }
    %scan3A_21 = arith.constant 8 : i32
    %parallel_loop3A_22 = arith.constant 0 : i32
    %parallel_loop3A_23 = arith.constant 1536 : i32
    %parallel_loop3A_24 = arith.constant 1 : i32
    scf.for %parallel_loop3A_25 = %parallel_loop3A_22 to %parallel_loop3A_23 step %parallel_loop3A_24  : i32 {
      %parallel_loop3A_26 = arith.constant 16 : i32
      %parallel_loop3A_27 = arith.muli %parallel_loop3A_25, %parallel_loop3A_26 : i32
      %parallel_loop3A_28 = arith.index_cast %parallel_loop3A_27 : i32 to index
      %parallel_loop3A_29 = tpu.vector_load %arg9[%parallel_loop3A_28] {strides = array<i32>} : memref<24576xf32, #tpu.memory_space<vmem>>, vector<16xf32>,
      %parallel_loop3A_30 = arith.index_cast %parallel_loop3A_27 : i32 to index
      %parallel_loop3A_31 = tpu.vector_load %arg10[%parallel_loop3A_30] {strides = array<i32>} : memref<24576xf32, #tpu.memory_space<vmem>>, vector<16xf32>,
      %parallel_loop3A_32 = arith.addf %parallel_loop3A_29, %parallel_loop3A_31 : vector<16xf32>
      %parallel_loop3A_33 = arith.index_cast %parallel_loop3A_27 : i32 to index
      %parallel_loop3A_34 = tpu.vector_load %arg9[%parallel_loop3A_33] {strides = array<i32>} : memref<24576xf32, #tpu.memory_space<vmem>>, vector<16xf32>,
      tpu.vector_store %arg9[%parallel_loop3A_33], %parallel_loop3A_32 {strides = array<i32>} : memref<24576xf32, #tpu.memory_space<vmem>>, vector<16xf32>,
    } {sc.loop_unroll_factor = 4 : i64, sc.parallel_access}
    "tpu.region"() ({
      %run_scoped3A = tpu.sem_alloc : memref<!tpu.dma_semaphore, #tpu.memory_space<semaphore_mem>>
      %dma_start3A_25 = arith.constant 0 : i32
      %dma_start3A_26 = tpu.memref_slice %arg4[%add3A, %dma_start3A_25] : memref<32x24576xf32, #tpu.memory_space<hbm>> -> memref<1x24576xf32, #tpu.memory_space<hbm>>
      %dma_start3A_27 = tpu.memref_squeeze %dma_start3A_26 : memref<1x24576xf32, #tpu.memory_space<hbm>> -> memref<24576xf32, #tpu.memory_space<hbm>>
      %dma_start3A_28 = arith.constant 0 : i32
      %dma_start3A_29 = tpu.memref_slice %arg4[%add3A, %dma_start3A_28] : memref<32x24576xf32, #tpu.memory_space<hbm>> -> memref<1x24576xf32, #tpu.memory_space<hbm>>
      %dma_start3A_30 = tpu.memref_squeeze %dma_start3A_29 : memref<1x24576xf32, #tpu.memory_space<hbm>> -> memref<24576xf32, #tpu.memory_space<hbm>>
      tpu.enqueue_dma source(%arg9 : memref<24576xf32, #tpu.memory_space<vmem>>) target(%dma_start3A_30 : memref<24576xf32, #tpu.memory_space<hbm>>) target_semaphore(%run_scoped3A : memref<!tpu.dma_semaphore, #tpu.memory_space<semaphore_mem>>)
      %dma_wait3A = arith.constant 0 : i32
      %dma_wait3A_31 = tpu.memref_slice %arg4[%add3A, %dma_wait3A] : memref<32x24576xf32, #tpu.memory_space<hbm>> -> memref<1x24576xf32, #tpu.memory_space<hbm>>
      %dma_wait3A_32 = tpu.memref_squeeze %dma_wait3A_31 : memref<1x24576xf32, #tpu.memory_space<hbm>> -> memref<24576xf32, #tpu.memory_space<hbm>>
      %dma_wait3A_33 = arith.constant 0 : i32
      %dma_wait3A_34 = tpu.memref_slice %arg4[%add3A, %dma_wait3A_33] : memref<32x24576xf32, #tpu.memory_space<hbm>> -> memref<1x24576xf32, #tpu.memory_space<hbm>>
      %dma_wait3A_35 = tpu.memref_squeeze %dma_wait3A_34 : memref<1x24576xf32, #tpu.memory_space<hbm>> -> memref<24576xf32, #tpu.memory_space<hbm>>
      tpu.wait_dma2 semaphore(%run_scoped3A : memref<!tpu.dma_semaphore, #tpu.memory_space<semaphore_mem>>) src(%arg9 : memref<24576xf32, #tpu.memory_space<vmem>>) dst(%dma_wait3A_35 : memref<24576xf32, #tpu.memory_space<hbm>>)
      tpu.yield
    }) : () -> ()
    return
  }
}

module attributes {stable_mosaic.version = 14 : i64} {
  func.func @_combine_body(%arg0: memref<32x192x128xf32, #tpu.memory_space<vmem>>, %arg1: memref<1x1xf32, #tpu.memory_space<vmem>>) attributes {dimension_semantics = [], scalar_prefetch = 0 : i64, scratch_operands = 0 : i64, tpu.core_type = #tpu.core_type<tc>} {
    %get3A = arith.constant 0 : index
    %get3A_0 = arith.constant 0 : index
    %get3A_1 = arith.constant 0 : index
    %get3A_2 = vector.load %arg0[%get3A, %get3A_0, %get3A_1] : memref<32x192x128xf32, #tpu.memory_space<vmem>>, vector<32x192x128xf32>
    %reduce_sum3A = arith.constant dense<0.000000e+00> : vector<192x128xf32>
    %reduce_sum3A_3 = vector.multi_reduction <add>, %get3A_2, %reduce_sum3A [0] : vector<32x192x128xf32> to vector<192x128xf32>
    %slice3A = vector.extract_strided_slice %reduce_sum3A_3 {offsets = [0, 0], sizes = [96, 128], strides = [1, 1]} : vector<192x128xf32> to vector<96x128xf32>
    %slice3A_4 = vector.extract_strided_slice %reduce_sum3A_3 {offsets = [96, 0], sizes = [96, 128], strides = [1, 1]} : vector<192x128xf32> to vector<96x128xf32>
    %reduce_sum3A_5 = vector.shape_cast %slice3A : vector<96x128xf32> to vector<1x96x128xf32>
    %reduce_sum3A_6 = arith.constant dense<0.000000e+00> : vector<1xf32>
    %reduce_sum3A_7 = vector.multi_reduction <add>, %reduce_sum3A_5, %reduce_sum3A_6 [1, 2] : vector<1x96x128xf32> to vector<1xf32>
    %reduce_sum3A_8 = vector.shape_cast %reduce_sum3A_7 : vector<1xf32> to vector<1x1x1xf32>
    %reduce_sum3A_9 = vector.extract %reduce_sum3A_8[0, 0, 0] : f32 from vector<1x1x1xf32>
    %reduce_sum3A_10 = vector.shape_cast %slice3A_4 : vector<96x128xf32> to vector<1x96x128xf32>
    %reduce_sum3A_11 = arith.constant dense<0.000000e+00> : vector<1xf32>
    %reduce_sum3A_12 = vector.multi_reduction <add>, %reduce_sum3A_10, %reduce_sum3A_11 [1, 2] : vector<1x96x128xf32> to vector<1xf32>
    %reduce_sum3A_13 = vector.shape_cast %reduce_sum3A_12 : vector<1xf32> to vector<1x1x1xf32>
    %reduce_sum3A_14 = vector.extract %reduce_sum3A_13[0, 0, 0] : f32 from vector<1x1x1xf32>
    %add3A = arith.addf %reduce_sum3A_9, %reduce_sum3A_14 : f32
    %iota3A = tpu.iota {dimensions = array<i32: 0>} : vector<96x128xi32>
    %iota3A_15 = tpu.iota {dimensions = array<i32: 1>} : vector<96x128xi32>
    %mul3A = arith.constant 128 : i32
    %mul3A_16 = vector.broadcast %mul3A : i32 to vector<96x128xi32>
    %mul3A_17 = arith.muli %iota3A, %mul3A_16 : vector<96x128xi32>
    %add3A_18 = arith.addi %mul3A_17, %iota3A_15 : vector<96x128xi32>
    %convert_element_type3A = arith.sitofp %add3A_18 : vector<96x128xi32> to vector<96x128xf32>
    %add3A_19 = arith.constant 5.000000e-01 : f32
    %add3A_20 = vector.broadcast %add3A_19 : f32 to vector<96x128xf32>
    %add3A_21 = arith.addf %convert_element_type3A, %add3A_20 : vector<96x128xf32>
    %mul3A_22 = arith.constant 0.001953125 : f32
    %mul3A_23 = vector.broadcast %mul3A_22 : f32 to vector<96x128xf32>
    %mul3A_24 = arith.mulf %add3A_21, %mul3A_23 : vector<96x128xf32>
    %add3A_25 = arith.constant -1.200000e+01 : f32
    %add3A_26 = vector.broadcast %add3A_25 : f32 to vector<96x128xf32>
    %add3A_27 = arith.addf %add3A_26, %mul3A_24 : vector<96x128xf32>
    %logistic3A = arith.negf %add3A_27 : vector<96x128xf32>
    %logistic3A_28 = math.exp %logistic3A : vector<96x128xf32>
    %logistic3A_29 = arith.constant 1.000000e+00 : f32
    %logistic3A_30 = vector.broadcast %logistic3A_29 : f32 to vector<96x128xf32>
    %logistic3A_31 = arith.addf %logistic3A_30, %logistic3A_28 : vector<96x128xf32>
    %logistic3A_32 = arith.divf %logistic3A_30, %logistic3A_31 : vector<96x128xf32>
    %mul3A_33 = arith.mulf %slice3A_4, %logistic3A_32 : vector<96x128xf32>
    %reduce_sum3A_34 = vector.shape_cast %mul3A_33 : vector<96x128xf32> to vector<1x96x128xf32>
    %reduce_sum3A_35 = arith.constant dense<0.000000e+00> : vector<1xf32>
    %reduce_sum3A_36 = vector.multi_reduction <add>, %reduce_sum3A_34, %reduce_sum3A_35 [1, 2] : vector<1x96x128xf32> to vector<1xf32>
    %reduce_sum3A_37 = vector.shape_cast %reduce_sum3A_36 : vector<1xf32> to vector<1x1x1xf32>
    %reduce_sum3A_38 = vector.extract %reduce_sum3A_37[0, 0, 0] : f32 from vector<1x1x1xf32>
    %iota3A_39 = tpu.iota {dimensions = array<i32: 0>} : vector<128x128xi32>
    %iota3A_40 = tpu.iota {dimensions = array<i32: 1>} : vector<128x128xi32>
    %le3A = arith.cmpi sle, %iota3A_39, %iota3A_40 : vector<128x128xi32>
    %convert_element_type3A_41 = arith.extui %le3A : vector<128x128xi1> to vector<128x128xi32>
    %convert_element_type3A_42 = arith.sitofp %convert_element_type3A_41 : vector<128x128xi32> to vector<128x128xf32>
    %dot_general3A = arith.constant dense<0.000000e+00> : vector<96x128xf32>
    %dot_general3A_43 = tpu.matmul %slice3A, %convert_element_type3A_42, %dot_general3A {dimension_numbers = #tpu.dot_dimension_numbers<[1], [0], [0], [1], [0, 0, 1, 1], [], []>, precision = #tpu.contract_precision<fp32>, transpose_lhs_hint = false} : vector<96x128xf32>, vector<128x128xf32>, vector<96x128xf32> -> vector<96x128xf32>
    %slice3A_44 = vector.extract_strided_slice %dot_general3A_43 {offsets = [0, 127], sizes = [96, 1], strides = [1, 1]} : vector<96x128xf32> to vector<96x1xf32>
    %iota3A_45 = tpu.iota {dimensions = array<i32: 0>} : vector<96x96xi32>
    %iota3A_46 = tpu.iota {dimensions = array<i32: 1>} : vector<96x96xi32>
    %lt3A = arith.cmpi slt, %iota3A_46, %iota3A_45 : vector<96x96xi32>
    %convert_element_type3A_47 = arith.extui %lt3A : vector<96x96xi1> to vector<96x96xi32>
    %convert_element_type3A_48 = arith.sitofp %convert_element_type3A_47 : vector<96x96xi32> to vector<96x96xf32>
    %dot_general3A_49 = arith.constant dense<0.000000e+00> : vector<96x1xf32>
    %dot_general3A_50 = tpu.matmul %convert_element_type3A_48, %slice3A_44, %dot_general3A_49 {dimension_numbers = #tpu.dot_dimension_numbers<[1], [0], [0], [1], [0, 0, 1, 1], [], []>, precision = #tpu.contract_precision<fp32>, transpose_lhs_hint = false} : vector<96x96xf32>, vector<96x1xf32>, vector<96x1xf32> -> vector<96x1xf32>
    %add3A_51 = vector.broadcast %dot_general3A_50 : vector<96x1xf32> to vector<96x128xf32>
    %add3A_52 = arith.addf %dot_general3A_43, %add3A_51 : vector<96x128xf32>
    %sub3A = vector.broadcast %reduce_sum3A_9 : f32 to vector<96x128xf32>
    %sub3A_53 = arith.subf %sub3A, %add3A_52 : vector<96x128xf32>
    %add3A_54 = vector.broadcast %reduce_sum3A_14 : f32 to vector<96x128xf32>
    %add3A_55 = arith.addf %add3A_54, %sub3A_53 : vector<96x128xf32>
    %add3A_56 = vector.broadcast %reduce_sum3A_14 : f32 to vector<96x128xf32>
    %add3A_57 = arith.addf %add3A_56, %sub3A_53 : vector<96x128xf32>
    %add3A_58 = arith.addf %add3A_57, %slice3A : vector<96x128xf32>
    %mul3A_59 = arith.mulf %add3A_55, %add3A_58 : vector<96x128xf32>
    %gt3A = arith.constant 0.000000e+00 : f32
    %gt3A_60 = vector.broadcast %gt3A : f32 to vector<96x128xf32>
    %gt3A_61 = arith.cmpf ogt, %slice3A, %gt3A_60 : vector<96x128xf32>
    %mul3A_62 = vector.broadcast %reduce_sum3A_14 : f32 to vector<96x128xf32>
    %mul3A_63 = arith.mulf %logistic3A_32, %mul3A_62 : vector<96x128xf32>
    %mul3A_64 = arith.mulf %mul3A_63, %slice3A : vector<96x128xf32>
    %div3A = arith.divf %mul3A_64, %mul3A_59 : vector<96x128xf32>
    %jit3A = arith.constant 0.000000e+00 : f32
    %broadcast_in_dim3A = vector.broadcast %jit3A : f32 to vector<96x128xf32>
    %select_n3A = arith.select %gt3A_61, %div3A, %broadcast_in_dim3A : vector<96x128xi1>, vector<96x128xf32>
    %div3A_65 = arith.divf %reduce_sum3A_38, %add3A : f32
    %sub3A_66 = arith.constant 1.000000e+00 : f32
    %sub3A_67 = arith.subf %sub3A_66, %div3A_65 : f32
    %reduce_sum3A_68 = vector.shape_cast %select_n3A : vector<96x128xf32> to vector<1x96x128xf32>
    %reduce_sum3A_69 = arith.constant dense<0.000000e+00> : vector<1xf32>
    %reduce_sum3A_70 = vector.multi_reduction <add>, %reduce_sum3A_68, %reduce_sum3A_69 [1, 2] : vector<1x96x128xf32> to vector<1xf32>
    %reduce_sum3A_71 = vector.shape_cast %reduce_sum3A_70 : vector<1xf32> to vector<1x1x1xf32>
    %reduce_sum3A_72 = vector.extract %reduce_sum3A_71[0, 0, 0] : f32 from vector<1x1x1xf32>
    %add3A_73 = arith.addf %sub3A_67, %reduce_sum3A_72 : f32
    %gt3A_74 = arith.constant 0.000000e+00 : f32
    %gt3A_75 = vector.broadcast %gt3A_74 : f32 to vector<96x128xf32>
    %gt3A_76 = arith.cmpf ogt, %slice3A, %gt3A_75 : vector<96x128xf32>
    %jit3A_77 = arith.constant -3.600000e+01 : f32
    %broadcast_in_dim3A_78 = vector.broadcast %jit3A_77 : f32 to vector<96x128xf32>
    %select_n3A_79 = arith.select %gt3A_76, %add3A_27, %broadcast_in_dim3A_78 : vector<96x128xi1>, vector<96x128xf32>
    %reduce_max3A = vector.shape_cast %select_n3A_79 : vector<96x128xf32> to vector<1x96x128xf32>
    %reduce_max3A_80 = arith.constant dense<0xFF800000> : vector<1xf32>
    %reduce_max3A_81 = vector.multi_reduction <maximumf>, %reduce_max3A, %reduce_max3A_80 [1, 2] : vector<1x96x128xf32> to vector<1xf32>
    %reduce_max3A_82 = vector.shape_cast %reduce_max3A_81 : vector<1xf32> to vector<1x1x1xf32>
    %reduce_max3A_83 = vector.extract %reduce_max3A_82[0, 0, 0] : f32 from vector<1x1x1xf32>
    %eq3A = arith.constant 0.000000e+00 : f32
    %eq3A_84 = arith.cmpf oeq, %reduce_sum3A_14, %eq3A : f32
    %logistic3A_85 = arith.negf %reduce_max3A_83 : f32
    %logistic3A_86 = math.exp %logistic3A_85 : f32
    %logistic3A_87 = arith.constant 1.000000e+00 : f32
    %logistic3A_88 = arith.addf %logistic3A_87, %logistic3A_86 : f32
    %logistic3A_89 = arith.divf %logistic3A_87, %logistic3A_88 : f32
    %add3A_90 = arith.constant 1.000000e+00 : f32
    %add3A_91 = arith.addf %add3A_90, %logistic3A_89 : f32
    %select_n3A_92 = arith.select %eq3A_84, %add3A_91, %add3A_73 : f32
    %reshape3A = vector.broadcast %select_n3A_92 : f32 to vector<1x1xf32>
    %swap3A = arith.constant 0 : index
    %swap3A_93 = arith.constant 0 : index
    %swap3A_94 = vector.load %arg1[%swap3A, %swap3A_93] : memref<1x1xf32, #tpu.memory_space<vmem>>, vector<1x1xf32>
    tpu.vector_store %arg1[%swap3A, %swap3A_93], %reshape3A {strides = array<i32>} : memref<1x1xf32, #tpu.memory_space<vmem>>, vector<1x1xf32>,
    return
  }
}

</mosaic_0001>

<sc_bundles>
// kernel: kernel.4.cloned.1.call-start
scs
__scs_entry_jumppad:
0x0: {  	(pc) =	sbr.rel $0x88, $3  }
0x1: {  	(tag) =	ssettag $0x0;
	lr =	simm.s32 $0x1  }
0x2: {  	[smem:$0x3F9F] =	sst lr;
	_ =	strace $0xD0000000  }
0x3: {  	_ = 	snop  }
0x4: {  	_ = 	snop  }
0x5: {  	_ = 	snop  }
0x6: {  	_ = 	snop  }
0x7: {  	_ = 	snop  }
__scs_overlays_trampoline_lowered:
0x8: {  	[smem:$0x3FAE] =	sst s0  }
0x9: {  	[smem:$0x3FAF] =	sst s1  }
0xa: {  	[smem:$0x3FB0] =	sst s2  }
0xb: {  	[smem:$0x3FB1] =	sst s3  }
0xc: {  	[smem:$0x3FB2] =	sst s4  }
0xd: {  	[smem:$0x3FB3] =	sst s5  }
0xe: {  	[smem:$0x3FB4] =	sst s6  }
0xf: {  	[smem:$0x3FB5] =	sst s7  }
0x10: {  	[smem:$0x3FB6] =	sst s8  }
0x11: {  	[smem:$0x3FB7] =	sst s9;
	s0 =	simm.s32 @!p0 $0x0  }
0x12: {  	s1 =	sld [smem:$0x3F9D];
	s0 =	simm.s32 @p0 $0x1  }
0x13: {  	[smem:$0x3FB8] =	sst s0;
	s0 =	simm.s32 @!p1 $0x0  }
0x14: {  	s2 =	sld [smem:$0x3F9C];
	s0 =	simm.s32 @p1 $0x1  }
0x15: {  	[smem:$0x3FB9] =	sst s0;
	s0 =	simm.s32 @!p2 $0x0  }
0x16: {  	s3 =	sld [smem:$0x3FDB];
	s0 =	simm.s32 @p2 $0x1  }
0x17: {  	s4 =	simm.s32 $0x1BF5;
	[smem:$0x3FBB] =	sst s0  }
0x18: {  	s0 =	sld [smem:$0x3F9E];
	_ =	swait.ge [sflag:s4], $0x0  }
0x19: {  	s7 =	sld [smem:$0x3F9F]  }
0x1a: {  	s8 =	sadd.s32 $0xFFFFE003, lr  }
0x1b: {  	s9 =	sadd.s32 $0xFFFFFEF7, lr;
	s5 =	simm.s32 $0xFFFFFFFF;
	p2 =	slt.u32 s8, $0xFFFFF086  }
0x1c: {  	p1 =	slt.u32 s9, $0xF7A;
	s5 =	simm.s32 @!p2 $0x0  }
0x1d: {  	s5 =	simm.s32 @p1 $0x1;
	p0 =	seq.s32 s7, s2  }
0x1e: {  	s7 =	smul.u32 @!p0 $0xF7A, s2;
	p2 =	seq.s32 @!p0 s5, $0x0  }
0x1f: {  	s9 =	smul.u32 $0xF7A, s1;
	s8 =	simm.s32 @!p0 $0x1BF5;
	p2 =	por !p2, p0  }
0x20: {  	[sflag:s8] =	ssyncset.s32 @!p0 $0xFFFFF086;
	s6 =	sadd.s32 @!p0 s3, s7;
	s7 =	simm.s32 @!p0 $0x108  }
0x21: {  	s3 =	sadd.s32 s3, s9;
	s6 =	sadd.s32 @!p0 $0x88, s6;
	s7 =	simm.s32 @p2 $0x1082  }
0x22: {  	[simem:s7], [sflag:s8] =	dma.local @!p0 [hbm:s6], $0xF7A  }
0x23: {  	s9 =	sor.u32 $0xD0000000, s2;
	s6 =	simm.s32 $0x108;
	_ =	swait.ge @!p0 [sflag:s8], $0x0  }
0x24: {  	s3 =	sadd.s32 $0x88, s3;
	s6 =	simm.s32 @!p1 $0x1082;
	[sflag:s4] =	ssyncset.s32 $0xFFFFF086  }
0x25: {  	[simem:s6], [sflag:s4] =	dma.local [hbm:s3], $0xF7A  }
0x26: {  	[smem:$0x3F9F] =	sst s1;
	(tag) =	ssettag s2;
	_ =	strace s9  }
0x27: {  	s1 =	sld [smem:$0x3FAF]  }
0x28: {  	s2 =	sld [smem:$0x3FB0]  }
0x29: {  	s4 =	sld [smem:$0x3FB2]  }
0x2a: {  	p0 =	seq.s32 s5, $0x0;
	s5 =	sld [smem:$0x3FB3]  }
0x2b: {  	s6 =	sld [smem:$0x3FB4]  }
0x2c: {  	s7 =	sld [smem:$0x3FB5]  }
0x2d: {  	s3 =	simm.s32 $0x108;
	s8 =	sld [smem:$0x3FB6]  }
0x2e: {  	s3 =	simm.s32 @!p0 $0x1082;
	s9 =	sld [smem:$0x3FB7]  }
0x2f: {  	lr =	sadd.s32 s0, s3;
	s0 =	sld [smem:$0x3FAE]  }
0x30: {  	s3 =	sld [smem:$0x3FB1]  }
0x31: {  	[smem:$0x3FBA] =	sst s10  }
0x32: {  	s10 =	sld [smem:$0x3FB8];
	_ =	sdelay $0x3  }
0x33: {  	p0 =	seq.s32 s10, $0x1;
	s10 =	sld [smem:$0x3FBA];
	_ =	sdelay $0x3  }
0x34: {  	[smem:$0x3FBA] =	sst s10  }
0x35: {  	s10 =	sld [smem:$0x3FB9];
	_ =	sdelay $0x3  }
0x36: {  	p1 =	seq.s32 s10, $0x1;
	s10 =	sld [smem:$0x3FBA];
	_ =	sdelay $0x3  }
0x37: {  	[smem:$0x3FBA] =	sst s10  }
0x38: {  	s10 =	sld [smem:$0x3FBB]  }
0x39: {  	_ = 	snop;
	(pc) =	sbr.ind lr, $3  }
0x3a: {  	_ = 	snop  }
0x3b: {  	_ = 	snop  }
0x3c: {  	p2 =	seq.s32 s10, $0x1;
	s10 =	sld [smem:$0x3FBA]  }
0x3d: {  	_ =	shalt  }
0x3e: {  	_ =	shalt  }
0x3f: {  	_ =	shalt  }
0x40: {  	_ =	shalt  }
0x41: {  	_ =	shalt  }
0x42: {  	_ =	shalt  }
0x43: {  	_ =	shalt  }
0x44: {  	_ =	shalt  }
0x45: {  	_ =	shalt  }
0x46: {  	_ =	shalt  }
0x47: {  	_ =	shalt  }
0x48: {  	_ =	shalt  }
0x49: {  	_ =	shalt  }
0x4a: {  	_ =	shalt  }
0x4b: {  	_ =	shalt  }
0x4c: {  	_ =	shalt  }
0x4d: {  	_ =	shalt  }
0x4e: {  	_ =	shalt  }
0x4f: {  	_ =	shalt  }
0x50: {  	_ =	shalt  }
0x51: {  	_ =	shalt  }
0x52: {  	_ =	shalt  }
0x53: {  	_ =	shalt  }
0x54: {  	_ =	shalt  }
0x55: {  	_ =	shalt  }
0x56: {  	_ =	shalt  }
0x57: {  	_ =	shalt  }
0x58: {  	_ =	shalt  }
0x59: {  	_ =	shalt  }
0x5a: {  	_ =	shalt  }
0x5b: {  	_ =	shalt  }
0x5c: {  	_ =	shalt  }
0x5d: {  	_ =	shalt  }
0x5e: {  	_ =	shalt  }
0x5f: {  	_ =	shalt  }
0x60: {  	_ =	shalt  }
0x61: {  	_ =	shalt  }
0x62: {  	_ =	shalt  }
0x63: {  	_ =	shalt  }
0x64: {  	_ =	shalt  }
0x65: {  	_ =	shalt  }
0x66: {  	_ =	shalt  }
0x67: {  	_ =	shalt  }
0x68: {  	_ =	shalt  }
0x69: {  	_ =	shalt  }
0x6a: {  	_ =	shalt  }
0x6b: {  	_ =	shalt  }
0x6c: {  	_ =	shalt  }
0x6d: {  	_ =	shalt  }
0x6e: {  	_ =	shalt  }
0x6f: {  	_ =	shalt  }
0x70: {  	_ =	shalt  }
0x71: {  	_ =	shalt  }
0x72: {  	_ =	shalt  }
0x73: {  	_ =	shalt  }
0x74: {  	_ =	shalt  }
0x75: {  	_ =	shalt  }
0x76: {  	_ =	shalt  }
0x77: {  	_ =	shalt  }
0x78: {  	_ =	shalt  }
0x79: {  	_ =	shalt  }
0x7a: {  	_ =	shalt  }
0x7b: {  	_ =	shalt  }
0x7c: {  	_ =	shalt  }
0x7d: {  	_ =	shalt  }
0x7e: {  	_ =	shalt  }
0x7f: {  	_ =	shalt  }
0x80: {  	_ =	shalt  }
0x81: {  	_ =	shalt  }
0x82: {  	_ =	shalt  }
0x83: {  	_ =	shalt  }
0x84: {  	_ =	shalt  }
0x85: {  	_ =	shalt  }
0x86: {  	_ =	shalt  }
0x87: {  	_ =	shalt  }
.Lfunc_end0:
.L_simem_size_0:
called_computation_lowered:
.L_overlay_start_0:
0x88: {  	s2 =	sld [smem:$0x3FD9]  }
0x89: {  	s3 =	sld [smem:$0x3FFE];
	_ =	sdelay $0x1  }
0x8a: {  	s1 =	srdreg.scid  }
0x8b: {  	s0 =	sand.u32 $0x1, s1  }
0x8c: {  	s17 =	sshll.u32 s0, $0xA;
	s2 =	sadd.s32 s3, s2  }
0x8d: {  	s2 =	sadd.s32 s2, s17  }
0x8e: {  	[smem:$0x3FC6] =	sst s2  }
0x8f: {  	_ = 	snop  }
0x90: {  	s2 =	sld [smem:$0x3FC9]  }
0x91: {  	s18 =	sld [smem:$0x3FC8];
	(tm) =	ssettm $0x1  }
0x92: {  	s4 =	sld [smem:$0x3FFB];
	_ =	sdelay $0x3  }
0x93: {  	_ =	strace s4  }
0x94: {  	s4 =	sld [smem:$0x3FFC];
	_ =	sdelay $0x3  }
0x95: {  	_ =	strace s4  }
0x96: {  	s4 =	sld [smem:$0x3FFD];
	_ =	sdelay $0x3  }
0x97: {  	_ =	strace s4  }
0x98: {  	_ =	strace $0x8FFFFFFF  }
0x99: {  	s19 =	sld [smem:$0x3FDB];
	_ =	sdelay $0x1  }
0x9a: {  	s5 =	simm.s32 $_scs_section_size  }
0x9b: {  	s6 =	simm.s32 $_size__tile_overlayer_lowered;
	s7 =	simm.s32 $_tile_overlayer_lowered  }
0x9c: {  	s22 =	simm.s32 $0x1BFF;
	s21 =	sshll.u32 s7, $0x1;
	s4 =	sadd.s32 s5, s19  }
0x9d: {  	s8 =	simm.s32 $0x0;
	s20 =	sshll.u32 s6, $0x1;
	s6 =	sadd.s32 s21, s4  }
0x9e: {  	[timem:s8], [sflag:s22] =	dma.local [hbm:s6], s20  }
0x9f: {  	_ =	swait.ge [sflag:s22], s20  }
0xa0: {  	s5 =	ssub.s32 $0x0, s20;
	[sflag:s22] =	ssyncset.done $0x0  }
0xa1: {  	[sflag:s22] =	ssyncadd.s32 s5;
	_ =	sdelay $0x1  }
0xa2: {  	s23 =	simm.s32 $0x1B8B  }
0xa3: {  	_ =	swait.ge [sflag:s23], $0x1  }
0xa4: {  	[sflag:s23] =	ssyncset.done $0x0  }
0xa5: {  	s25 =	simm.s32 $0x1B8E;
	s24 =	sld [smem:$0x3FFE];
	[sflag:s23] =	ssyncadd.s32 $0xFFFFFFFF  }
0xa6: {  	s26 =	simm.s32 $execute0_lowered;
	[smem:$0x3FD2] =	sst s25  }
0xa7: {  	s6 =	sshll.u32 s26, $0x1;
	_ =	strace $0x80000046;
	[dreg:$0x1] =	wrdreg $0xFFFFFFFF  }
0xa8: {  	s28 =	simm.s32 $_size_execute0_lowered;
	s4 =	sadd.s32 s4, s6;
	[dreg:$0x0] =	wrdreg $0x0  }
0xa9: {  	s6 =	sshll.u32 s28, $0x1;
	[dreg:$0x2] =	wrdreg s4  }
0xaa: {  	[dreg:$0x3] =	wrdreg s6  }
0xab: {  	[dreg:$0x4] =	wrdreg $0xC0  }
0xac: {  	_ =	task [dreg:s8], $0x5FFFF  }
0xad: {  	[dreg:$0x1] =	wrdreg $0xFFFFFFFF  }
0xae: {  	[dreg:$0x0] =	wrdreg $0x60  }
0xaf: {  	[dreg:$0x2] =	wrdreg s2  }
0xb0: {  	[dreg:$0x3] =	wrdreg s18  }
0xb1: {  	[dreg:$0x4] =	wrdreg s24  }
0xb2: {  	[dreg:$0x5] =	wrdreg $0x9  }
0xb3: {  	_ =	task.clear_ibuf [dreg:s8], $0x6FFFF;
	_ =	strace $0x90000046  }
0xb4: {  	s29 =	simm.s32 $0x9;
	_ =	strace $0x80000048  }
0xb5: {  	_ =	swait.ge [sflag:s29], $0x1  }
0xb6: {  	[sflag:s29] =	ssyncadd.s32 $0xFFFFFFFF  }
0xb7: {  	_ =	strace $0x90000048  }
0xb8: {  	_ =	sfence  }
0xb9: {  	s30 =	sld [smem:$0x0];
	_ =	sdelay $0x2  }
0xba: {  	s31 =	sshll.u32 s1, $0xD;
	s1 =	sshrl.u32 s1, $0x2  }
0xbb: {  	s3 =	sand.u32 $0x4000, s31;
	s1 =	sadd.s32 s1, s30  }
0xbc: {  	s0 =	sor.u32 s3, s0;
	s1 =	sshll.u32 s1, $0x11  }
0xbd: {  	s0 =	sor.u32 s1, s0  }
0xbe: {  	s0 =	sadd.s32 $0x8F2B, s0  }
0xbf: {  	[sflag:s0] =	ssyncadd.remote.s32 $0x1  }
0xc0: {  	_ =	sfence.sel $0xFFFF  }
0xc1: {  	[dreg:$0x0] =	wrdreg $0xFFFFFFFF;
	(pc) =	sbr.abs _section_cstart, $3  }
0xc2: {  	[dreg:$0x1] =	wrdreg $0xFFFFFFFF  }
0xc3: {  	_ =	task.clear_ibuf [dreg:s8], $0x2FFFF;
	_ =	strace $0x9FFFFFFF  }
0xc4: {  	(tm) =	ssettm $0x7FFFFFFF  }
0xc5: {  	_ =	shalt  }
tec
execute0_lowered:
.L_overlay_start_1:
0x0: {  	(tag) =	ssettag $0x1  }
0x1: {  	s1 =	rddreg [dreg:$0x0]  }
0x2: {  	s2 =	srdreg.scid;
	s3 =	rddreg [dreg:$0x1]  }
0x3: {  	s0 =	stileid.u32;
	s6 =	rddreg [dreg:$0x2];
	s12 =	simm.s32 $0x4000  }
0x4: {  	s13 =	simm.s32 $0xC000;
	s14 =	simm.s32 $0x1;
	s15 =	simm.s32 $0x3  }
0x5: {  	s16 =	simm.s32 $0x10000;
	s17 =	simm.s32 $0x16000;
	s18 =	simm.s32 $0x2  }
0x6: {  	s19 =	simm.s32 $0x4;
	s20 =	simm.s32 $0x80;
	s21 =	simm.s32 $0x400  }
0x7: {  	s2 =	sand.u32 $0x1, s2;
	s4 =	sshll.u32 s0, $0x1;
	s30 =	sshrl.u32 s0, $0x2  }
0x8: {  	s22 =	simm.s32 $0x5;
	s5 =	sor.u32 s2, s4;
	s7 =	smul.u32 $0x30000, s30  }
0x9: {  	s4 =	simm.s32 $0x0;
	s2 =	ssub.s32 $0x2, s2;
	s8 =	sshll.u32 s5, $0x7  }
0xa: {  	[smem:$0x7FF] =	sst s4;
	s31 =	sshrl.u32 s2, $0x1;
	s8 =	sand.u32 $0x380, s8  }
0xb: {  	s10 =	sshll.u32 s5, $0xF;
	_ =	strace $0x80000047;
	s7 =	sor.u32 s7, s8  }
0xc: {  	s2 =	ssub.s32 s2, s31;
	s5 =	sadd.s32 s1, s10;
	s7 =	sshrl.u32 s7, $0x3  }
0xd: {  	s9 =	sadd.s32 s7, s6;
	s6 =	sadd.s32 s3, s10;
	s7 =	sor.u32 $0x1000, s10  }
0xe: {  	v0 =	vimm.f32 $0.0e+00;
	v1 =	vimm.f32 $1.000000000e+00;
	s10 =	sor.u32 $0x800, s10;
	s8 =	sadd.s32 $0x400, s9;
	s9 =	smax.u32 s2, $0x1  }
.LBB2_1:
0xf: {  	s23 =	simm.s32 $0x10020  }
0x10: {  	[tilespmem:s23+$0xFFFFFFF0] =	vst v0  }
0x11: {  	[tilespmem:s23+$0x0] =	vst v0  }
0x12: {  	[tilespmem:s23+$0x10] =	vst v0  }
0x13: {  	s2 =	simm.s32 $0x16020;
	[tilespmem:s23+$0xFFFFFFE0] =	vst v0  }
0x14: {  	[tilespmem:s2+$0xFFFFFFF0] =	vst v0  }
0x15: {  	[tilespmem:s2+$0x0] =	vst v0  }
0x16: {  	[tilespmem:s2+$0x10] =	vst v0  }
0x17: {  	s24 =	simm.s32 $0x10060;
	s23 =	simm.s32 $0x0;
	[tilespmem:s2+$0xFFFFFFE0] =	vst v0  }
.LBB2_2:
0x18: {  	[tilespmem:s24+$0xFFFFFFF0] =	vst v0;
	s2 =	sadd.s32 $0x40, s2  }
0x19: {  	s23 =	sadd.s32 $0x4, s23;
	[tilespmem:s2+$0xFFFFFFF0] =	vst v0  }
0x1a: {  	p0 =	slt.u32 s23, $0x5FC;
	[tilespmem:s24+$0x0] =	vst v0  }
.Ltmp0:
0x1b: {  	[tilespmem:s2+$0x0] =	vst v0;
	(pc) =	sbr.rel @p0 .LBB2_2-.Ltmp0, $4  }
0x1c: {  	[tilespmem:s24+$0x10] =	vst v0  }
0x1d: {  	[tilespmem:s2+$0x10] =	vst v0  }
0x1e: {  	[tilespmem:s24+$0xFFFFFFE0] =	vst v0  }
0x1f: {  	s24 =	sadd.s32 $0x40, s24;
	[tilespmem:s2+$0xFFFFFFE0] =	vst v0  }
0x20: {  	s23 =	simm.s32 $0x0  }
0x21: {  	[tilespmem:s23], [sflag:$0x1] =	stream.linear.gather [hbm4b:s5+s23], $0x4000, $0x38;
	[tilespmem:$0x1C000] =	vst v63  }
0x22: {  	s0 =	simm.s32 $0x8000;
	s24 =	simm.s32 $0x0  }
0x23: {  	[tilespmem:s0], [sflag:$0x3] =	stream.linear.gather [hbm4b:s6+s23], $0x4000, $0x38;
	[tilespmem:$0x1C000] =	vst v63  }
.LBB2_4:
0x24: {  	s25 =	sshll.u32 s24, $0xC  }
0x25: {  	s2 =	sor.u32 s10, s25  }
0x26: {  	s26 =	sadd.s32 s1, s2  }
0x27: {  	[tilespmem:s12], [sflag:$0x2] =	stream.linear.gather [hbm4b:s26+s23], $0x4000, $0x38;
	[tilespmem:$0x1C000] =	vst v63  }
0x28: {  	s2 =	sadd.s32 s3, s2  }
0x29: {  	[tilespmem:s13], [sflag:$0x4] =	stream.linear.gather [hbm4b:s2+s23], $0x4000, $0x38;
	[tilespmem:$0x1C000] =	vst v63  }
0x2a: {  	_ =	swait.ge [sflag:s14], $0x4000  }
0x2b: {  	[sflag:s14] =	ssyncset.done $0x0  }
0x2c: {  	s0 =	sand.u32 $0x800, s23;
	s26 =	simm.s32 $0x0;
	[sflag:s14] =	ssyncadd.s32 $0xFFFFC000  }
0x2d: {  	s28 =	simm.s32 $0x0;
	s2 =	sand.u32 $0x3000, s26;
	_ =	swait.ge [sflag:s15], $0x4000  }
0x2e: {  	s11 =	sand.u32 $0x380, s28;
	s2 =	sor.u32 s0, s2;
	[sflag:s15] =	ssyncset.done $0x0  }
0x2f: {  	s29 =	sor.u32 s11, s2;
	[sflag:s15] =	ssyncadd.s32 $0xFFFFC000  }
0x30: {  	v2 =	vld [tilespmem:s29+$0x400];
	_ =	sdelay $0x4  }
0x31: {  	v2 =	vmul.f32 $5.120000000e+02, v2;
	_ =	sdelay $0x1  }
0x32: {  	v3 =	vld [tilespmem:s29+$0x8400];
	v2 =	vadd.f32 $6.144000000e+03, v2;
	_ =	sdelay $0x1  }
0x33: {  	v2 =	vmax.f32 v2, $0.0e+00  }
0x34: {  	v2 =	vmin.f32 v2, $1.228700000e+04  }
0x35: {  	v2 =	vtrunc.f32 v2  }
0x36: {  	v3 =	vmul.u32 $0x3000, v3;
	v2 =	vcvt.f32.s32 v2;
	_ =	sdelay $0x1  }
0x37: {  	v2 =	vadd.s32 v2, v3;
	_ =	sdelay $0x4  }
0x38: {  	[tilespmem:v2+s16+$0x0] =	vst.idx.add.f32.msk $0xffff, v1  }
0x39: {  	v2 =	vld [tilespmem:s29+$0x410];
	_ =	sdelay $0x4  }
0x3a: {  	v2 =	vmul.f32 $5.120000000e+02, v2;
	_ =	sdelay $0x1  }
0x3b: {  	v3 =	vld [tilespmem:s29+$0x8410];
	v2 =	vadd.f32 $6.144000000e+03, v2;
	_ =	sdelay $0x1  }
0x3c: {  	v4 =	vld [tilespmem:s29+$0x0];
	v2 =	vmax.f32 v2, $0.0e+00  }
0x3d: {  	v2 =	vmin.f32 v2, $1.228700000e+04  }
0x3e: {  	v2 =	vtrunc.f32 v2  }
0x3f: {  	v3 =	vmul.u32 $0x3000, v3;
	v2 =	vcvt.f32.s32 v2;
	_ =	sdelay $0x1  }
0x40: {  	v4 =	vmul.f32 $5.120000000e+02, v4;
	v2 =	vadd.s32 v2, v3;
	_ =	sdelay $0x1  }
0x41: {  	v4 =	vadd.f32 $6.144000000e+03, v4;
	v3 =	vld [tilespmem:s29+$0x8000];
	_ =	sdelay $0x1  }
0x42: {  	v4 =	vmax.f32 v4, $0.0e+00  }
0x43: {  	v4 =	vmin.f32 v4, $1.228700000e+04;
	[tilespmem:v2+s17+$0x0] =	vst.idx.add.f32.msk $0xffff, v1  }
0x44: {  	v2 =	vtrunc.f32 v4;
	v4 =	vld [tilespmem:s29+$0x420]  }
0x45: {  	v3 =	vmul.u32 $0x3000, v3;
	v2 =	vcvt.f32.s32 v2  }
0x46: {  	s26 =	simm.s32 $0x100;
	s0 =	simm.s32 $0x800  }
0x47: {  	s28 =	simm.s32 $0x40;
	s2 =	sand.u32 $0x3000, s26;
	s26 =	sand.u32 $0x800, s0;
	v2 =	vadd.s32 v2, v3  }
0x48: {  	s11 =	sand.u32 $0x380, s28;
	s2 =	sor.u32 s26, s2  }
0x49: {  	s30 =	sor.u32 s11, s2;
	v3 =	vmul.f32 $5.120000000e+02, v4  }
0x4a: {  	v4 =	vld [tilespmem:s30+$0x400]  }
0x4b: {  	v5 =	vld [tilespmem:s29+$0x8420];
	v3 =	vadd.f32 $6.144000000e+03, v3  }
0x4c: {  	[tilespmem:v2+s16+$0x0] =	vst.idx.add.f32.msk $0xffff, v1  }
0x4d: {  	v2 =	vld [tilespmem:s29+$0x10];
	v3 =	vmax.f32 v3, $0.0e+00  }
0x4e: {  	v3 =	vmin.f32 v3, $1.228700000e+04  }
0x4f: {  	v4 =	vmul.f32 $5.120000000e+02, v4;
	v3 =	vtrunc.f32 v3  }
0x50: {  	v5 =	vmul.u32 $0x3000, v5;
	v3 =	vcvt.f32.s32 v3  }
0x51: {  	v6 =	vld [tilespmem:s30+$0x8400];
	v4 =	vadd.f32 $6.144000000e+03, v4  }
0x52: {  	v2 =	vmul.f32 $5.120000000e+02, v2;
	v3 =	vadd.s32 v3, v5  }
0x53: {  	v4 =	vmax.f32 v4, $0.0e+00  }
0x54: {  	v5 =	vld [tilespmem:s29+$0x8010];
	v2 =	vadd.f32 $6.144000000e+03, v2;
	v4 =	vmin.f32 v4, $1.228700000e+04  }
0x55: {  	v4 =	vtrunc.f32 v4  }
0x56: {  	v6 =	vmul.u32 $0x3000, v6;
	v2 =	vmax.f32 v2, $0.0e+00;
	v4 =	vcvt.f32.s32 v4  }
0x57: {  	v2 =	vmin.f32 v2, $1.228700000e+04;
	[tilespmem:v3+s16+$0x0] =	vst.idx.add.f32.msk $0xffff, v1  }
0x58: {  	v2 =	vtrunc.f32 v2;
	v3 =	vadd.s32 v4, v6;
	v4 =	vld [tilespmem:s29+$0x430]  }
0x59: {  	v5 =	vmul.u32 $0x3000, v5;
	v2 =	vcvt.f32.s32 v2;
	_ =	sdelay $0x1  }
0x5a: {  	v2 =	vadd.s32 v2, v5;
	v5 =	vld [tilespmem:s30+$0x0];
	_ =	sdelay $0x1  }
0x5b: {  	[tilespmem:v3+s16+$0x0] =	vst.idx.add.f32.msk $0xffff, v1;
	v3 =	vmul.f32 $5.120000000e+02, v4  }
0x5c: {  	v4 =	vld [tilespmem:s30+$0x410]  }
0x5d: {  	v6 =	vld [tilespmem:s29+$0x8430];
	v3 =	vadd.f32 $6.144000000e+03, v3  }
0x5e: {  	[tilespmem:v2+s17+$0x0] =	vst.idx.add.f32.msk $0xffff, v1;
	v2 =	vmul.f32 $5.120000000e+02, v5  }
0x5f: {  	v5 =	vld [tilespmem:s29+$0x20];
	v3 =	vmax.f32 v3, $0.0e+00  }
0x60: {  	v7 =	vld [tilespmem:s30+$0x8000];
	v2 =	vadd.f32 $6.144000000e+03, v2;
	v3 =	vmin.f32 v3, $1.228700000e+04  }
0x61: {  	v4 =	vmul.f32 $5.120000000e+02, v4;
	v3 =	vtrunc.f32 v3  }
0x62: {  	v6 =	vmul.u32 $0x3000, v6;
	v2 =	vmax.f32 v2, $0.0e+00;
	v3 =	vcvt.f32.s32 v3  }
0x63: {  	v8 =	vld [tilespmem:s30+$0x8410];
	v2 =	vmin.f32 v2, $1.228700000e+04;
	v4 =	vadd.f32 $6.144000000e+03, v4  }
0x64: {  	v5 =	vmul.f32 $5.120000000e+02, v5;
	v2 =	vtrunc.f32 v2;
	v3 =	vadd.s32 v3, v6  }
0x65: {  	v6 =	vmul.u32 $0x3000, v7;
	v2 =	vcvt.f32.s32 v2;
	v4 =	vmax.f32 v4, $0.0e+00  }
0x66: {  	v7 =	vld [tilespmem:s29+$0x8020];
	v5 =	vadd.f32 $6.144000000e+03, v5;
	v4 =	vmin.f32 v4, $1.228700000e+04  }
0x67: {  	v2 =	vadd.s32 v2, v6;
	v4 =	vtrunc.f32 v4  }
0x68: {  	v6 =	vmul.u32 $0x3000, v8;
	v5 =	vmax.f32 v5, $0.0e+00;
	v4 =	vcvt.f32.s32 v4  }
0x69: {  	v5 =	vmin.f32 v5, $1.228700000e+04;
	[tilespmem:v3+s17+$0x0] =	vst.idx.add.f32.msk $0xffff, v1  }
0x6a: {  	v3 =	vtrunc.f32 v5;
	v4 =	vadd.s32 v4, v6;
	v5 =	vld [tilespmem:s29+$0x440]  }
0x6b: {  	v6 =	vmul.u32 $0x3000, v7;
	v3 =	vcvt.f32.s32 v3  }
0x6c: {  	[tilespmem:v2+s16+$0x0] =	vst.idx.add.f32.msk $0xffff, v1  }
0x6d: {  	v2 =	vadd.s32 v3, v6;
	v3 =	vld [tilespmem:s30+$0x10];
	_ =	sdelay $0x1  }
0x6e: {  	[tilespmem:v4+s17+$0x0] =	vst.idx.add.f32.msk $0xffff, v1;
	v4 =	vmul.f32 $5.120000000e+02, v5  }
0x6f: {  	v5 =	vld [tilespmem:s30+$0x420]  }
0x70: {  	s0 =	simm.s32 $0x1000;
	s26 =	simm.s32 $0x200;
	v6 =	vld [tilespmem:s29+$0x8440];
	v4 =	vadd.f32 $6.144000000e+03, v4  }
0x71: {  	s28 =	simm.s32 $0x80;
	s2 =	sand.u32 $0x3000, s26;
	s26 =	sand.u32 $0x800, s0;
	[tilespmem:v2+s16+$0x0] =	vst.idx.add.f32.msk $0xffff, v1;
	v2 =	vmul.f32 $5.120000000e+02, v3  }
0x72: {  	s11 =	sand.u32 $0x380, s28;
	s2 =	sor.u32 s26, s2;
	v3 =	vld [tilespmem:s29+$0x30];
	v4 =	vmax.f32 v4, $0.0e+00  }
0x73: {  	s26 =	sor.u32 s11, s2;
	v7 =	vld [tilespmem:s30+$0x8010];
	v2 =	vadd.f32 $6.144000000e+03, v2;
	v4 =	vmin.f32 v4, $1.228700000e+04  }
0x74: {  	v8 =	vld [tilespmem:s26+$0x400];
	v5 =	vmul.f32 $5.120000000e+02, v5;
	v4 =	vtrunc.f32 v4  }
0x75: {  	v6 =	vmul.u32 $0x3000, v6;
	v2 =	vmax.f32 v2, $0.0e+00;
	v4 =	vcvt.f32.s32 v4  }
0x76: {  	v9 =	vld [tilespmem:s30+$0x8420];
	v2 =	vmin.f32 v2, $1.228700000e+04;
	v5 =	vadd.f32 $6.144000000e+03, v5  }
0x77: {  	v3 =	vmul.f32 $5.120000000e+02, v3;
	v2 =	vtrunc.f32 v2;
	v4 =	vadd.s32 v4, v6  }
0x78: {  	v6 =	vmul.u32 $0x3000, v7;
	v2 =	vcvt.f32.s32 v2;
	v5 =	vmax.f32 v5, $0.0e+00  }
0x79: {  	v8 =	vmul.f32 $5.120000000e+02, v8;
	v7 =	vld [tilespmem:s29+$0x8030];
	v5 =	vmin.f32 v5, $1.228700000e+04  }
0x7a: {  	v3 =	vadd.f32 $6.144000000e+03, v3;
	v2 =	vadd.s32 v2, v6;
	v6 =	vld [tilespmem:s26+$0x0];
	v5 =	vtrunc.f32 v5  }
0x7b: {  	v10 =	vld [tilespmem:s26+$0x8400];
	v9 =	vmul.u32 $0x3000, v9;
	v5 =	vcvt.f32.s32 v5  }
0x7c: {  	v8 =	vadd.f32 $6.144000000e+03, v8;
	v3 =	vmax.f32 v3, $0.0e+00;
	[tilespmem:v4+s16+$0x0] =	vst.idx.add.f32.msk $0xffff, v1  }
0x7d: {  	v3 =	vmin.f32 v3, $1.228700000e+04;
	v4 =	vadd.s32 v5, v9;
	v5 =	vld [tilespmem:s29+$0x450]  }
0x7e: {  	v8 =	vmax.f32 v8, $0.0e+00;
	v3 =	vtrunc.f32 v3;
	v7 =	vmul.u32 $0x3000, v7  }
0x7f: {  	v3 =	vcvt.f32.s32 v3;
	[tilespmem:v2+s17+$0x0] =	vst.idx.add.f32.msk $0xffff, v1;
	v2 =	vmul.f32 $5.120000000e+02, v6;
	v6 =	vmin.f32 v8, $1.228700000e+04  }
0x80: {  	v9 =	vmul.u32 $0x3000, v10;
	v8 =	vld [tilespmem:s30+$0x20];
	v6 =	vtrunc.f32 v6  }
0x81: {  	v3 =	vadd.s32 v3, v7;
	v7 =	vld [tilespmem:s26+$0x8000];
	v2 =	vadd.f32 $6.144000000e+03, v2;
	v6 =	vcvt.f32.s32 v6  }
0x82: {  	[tilespmem:v4+s16+$0x0] =	vst.idx.add.f32.msk $0xffff, v1;
	v4 =	vmul.f32 $5.120000000e+02, v5  }
0x83: {  	v2 =	vmax.f32 v2, $0.0e+00;
	v5 =	vadd.s32 v6, v9;
	v6 =	vld [tilespmem:s30+$0x430]  }
0x84: {  	v9 =	vld [tilespmem:s29+$0x8450];
	v2 =	vmin.f32 v2, $1.228700000e+04;
	v4 =	vadd.f32 $6.144000000e+03, v4  }
0x85: {  	v10 =	vld [tilespmem:s30+$0x8020];
	v2 =	vtrunc.f32 v2  }
0x86: {  	[tilespmem:v3+s17+$0x0] =	vst.idx.add.f32.msk $0xffff, v1;
	v3 =	vmul.u32 $0x3000, v7;
	v2 =	vcvt.f32.s32 v2;
	v4 =	vmax.f32 v4, $0.0e+00  }
0x87: {  	v7 =	vmul.f32 $5.120000000e+02, v8;
	v8 =	vld [tilespmem:s29+$0x40];
	v4 =	vmin.f32 v4, $1.228700000e+04  }
0x88: {  	v2 =	vadd.s32 v2, v3;
	[tilespmem:v5+s16+$0x0] =	vst.idx.add.f32.msk $0xffff, v1;
	v3 =	vmul.f32 $5.120000000e+02, v6;
	v4 =	vtrunc.f32 v4  }
0x89: {  	v5 =	vadd.f32 $6.144000000e+03, v7;
	v7 =	vmul.u32 $0x3000, v9;
	v9 =	vld [tilespmem:s30+$0x8430];
	v4 =	vcvt.f32.s32 v4  }
0x8a: {  	v6 =	vld [tilespmem:s26+$0x410];
	v3 =	vadd.f32 $6.144000000e+03, v3  }
0x8b: {  	v5 =	vmax.f32 v5, $0.0e+00;
	v4 =	vadd.s32 v4, v7  }
0x8c: {  	v5 =	vmin.f32 v5, $1.228700000e+04;
	v8 =	vmul.f32 $5.120000000e+02, v8;
	v7 =	vld [tilespmem:s29+$0x8040];
	v3 =	vmax.f32 v3, $0.0e+00  }
0x8d: {  	v10 =	vmul.u32 $0x3000, v10;
	v5 =	vtrunc.f32 v5;
	[tilespmem:v2+s16+$0x0] =	vst.idx.add.f32.msk $0xffff, v1;
	v2 =	vmin.f32 v3, $1.228700000e+04  }
0x8e: {  	v3 =	vcvt.f32.s32 v5;
	v5 =	vadd.f32 $6.144000000e+03, v8;
	v8 =	vld [tilespmem:s26+$0x10];
	v2 =	vtrunc.f32 v2  }
0x8f: {  	s0 =	simm.s32 $0x300;
	s28 =	simm.s32 $0x1800;
	v11 =	vld [tilespmem:s26+$0x8410];
	v9 =	vmul.u32 $0x3000, v9;
	v6 =	vmul.f32 $5.120000000e+02, v6;
	v2 =	vcvt.f32.s32 v2  }
0x90: {  	s31 =	simm.s32 $0xC0;
	s28 =	sand.u32 $0x800, s28;
	s2 =	sand.u32 $0x3000, s0;
	v3 =	vadd.s32 v3, v10;
	v5 =	vmax.f32 v5, $0.0e+00;
	[tilespmem:v4+s17+$0x0] =	vst.idx.add.f32.msk $0xffff, v1  }
0x91: {  	s2 =	sor.u32 s28, s2;
	s28 =	sand.u32 $0x380, s31;
	v4 =	vmin.f32 v5, $1.228700000e+04;
	v5 =	vadd.f32 $6.144000000e+03, v6;
	v2 =	vadd.s32 v2, v9;
	v6 =	vld [tilespmem:s29+$0x460]  }
0x92: {  	s28 =	sor.u32 s28, s2;
	v7 =	vmul.u32 $0x3000, v7;
	v4 =	vtrunc.f32 v4  }
0x93: {  	v14 =	vld [tilespmem:s28+$0x8400];
	v4 =	vcvt.f32.s32 v4;
	v8 =	vmul.f32 $5.120000000e+02, v8;
	v5 =	vmax.f32 v5, $0.0e+00  }
0x94: {  	v9 =	vld [tilespmem:s26+$0x8010];
	v5 =	vmin.f32 v5, $1.228700000e+04  }
0x95: {  	[tilespmem:v3+s16+$0x0] =	vst.idx.add.f32.msk $0xffff, v1;
	v4 =	vadd.s32 v4, v7;
	v3 =	vadd.f32 $6.144000000e+03, v8;
	v5 =	vtrunc.f32 v5  }
0x96: {  	v7 =	vmul.u32 $0x3000, v11;
	v5 =	vcvt.f32.s32 v5;
	[tilespmem:v2+s17+$0x0] =	vst.idx.add.f32.msk $0xffff, v1;
	v2 =	vmul.f32 $5.120000000e+02, v6  }
0x97: {  	v3 =	vmax.f32 v3, $0.0e+00;
	v6 =	vld [tilespmem:s30+$0x440]  }
0x98: {  	v3 =	vmin.f32 v3, $1.228700000e+04;
	v5 =	vadd.s32 v5, v7;
	v7 =	vld [tilespmem:s29+$0x8460];
	v2 =	vadd.f32 $6.144000000e+03, v2  }
0x99: {  	v8 =	vld [tilespmem:s30+$0x30];
	v3 =	vtrunc.f32 v3  }
0x9a: {  	v10 =	vld [tilespmem:s30+$0x8030];
	v9 =	vmul.u32 $0x3000, v9;
	v3 =	vcvt.f32.s32 v3;
	v2 =	vmax.f32 v2, $0.0e+00  }
0x9b: {  	[tilespmem:v4+s16+$0x0] =	vst.idx.add.f32.msk $0xffff, v1;
	v2 =	vmin.f32 v2, $1.228700000e+04  }
0x9c: {  	v4 =	vld [tilespmem:s29+$0x50];
	v3 =	vadd.s32 v3, v9;
	v2 =	vtrunc.f32 v2  }
0x9d: {  	[tilespmem:v5+s17+$0x0] =	vst.idx.add.f32.msk $0xffff, v1;
	v5 =	vmul.f32 $5.120000000e+02, v6;
	v6 =	vmul.u32 $0x3000, v7;
	v2 =	vcvt.f32.s32 v2  }
0x9e: {  	v7 =	vld [tilespmem:s26+$0x420]  }
0x9f: {  	v8 =	vmul.f32 $5.120000000e+02, v8;
	v9 =	vld [tilespmem:s30+$0x8440];
	v5 =	vadd.f32 $6.144000000e+03, v5;
	v2 =	vadd.s32 v2, v6  }
0xa0: {  	v11 =	vld [tilespmem:s28+$0x400]  }
0xa1: {  	v8 =	vadd.f32 $6.144000000e+03, v8;
	[tilespmem:v3+s17+$0x0] =	vst.idx.add.f32.msk $0xffff, v1;
	v3 =	vmax.f32 v5, $0.0e+00  }
0xa2: {  	v14 =	vmul.u32 $0x3000, v14;
	v6 =	vld [tilespmem:s29+$0x8050];
	v4 =	vmul.f32 $5.120000000e+02, v4;
	v3 =	vmin.f32 v3, $1.228700000e+04  }
0xa3: {  	v8 =	vmax.f32 v8, $0.0e+00;
	v5 =	vld [tilespmem:s26+$0x20];
	v3 =	vtrunc.f32 v3;
	v7 =	vmul.f32 $5.120000000e+02, v7  }
0xa4: {  	v8 =	vmin.f32 v8, $1.228700000e+04;
	v9 =	vmul.u32 $0x3000, v9;
	v3 =	vcvt.f32.s32 v3;
	[tilespmem:v2+s16+$0x0] =	vst.idx.add.f32.msk $0xffff, v1  }
0xa5: {  	v2 =	vadd.f32 $6.144000000e+03, v4;
	v4 =	vtrunc.f32 v8;
	v8 =	vld [tilespmem:s26+$0x8420];
	v7 =	vadd.f32 $6.144000000e+03, v7  }
0xa6: {  	v10 =	vmul.u32 $0x3000, v10;
	v4 =	vcvt.f32.s32 v4;
	v12 =	vld [tilespmem:s29+$0x470];
	v3 =	vadd.s32 v3, v9  }
0xa7: {  	v11 =	vmul.f32 $5.120000000e+02, v11;
	v2 =	vmax.f32 v2, $0.0e+00;
	v7 =	vmax.f32 v7, $0.0e+00  }
0xa8: {  	v5 =	vmul.f32 $5.120000000e+02, v5;
	v4 =	vadd.s32 v4, v10;
	v10 =	vld [tilespmem:s28+$0x0];
	v7 =	vmin.f32 v7, $1.228700000e+04  }
0xa9: {  	v13 =	vld [tilespmem:s28+$0x8000];
	v11 =	vadd.f32 $6.144000000e+03, v11;
	v2 =	vmin.f32 v2, $1.228700000e+04;
	v7 =	vtrunc.f32 v7  }
0xaa: {  	v9 =	vld [tilespmem:s26+$0x8020];
	v5 =	vadd.f32 $6.144000000e+03, v5;
	v7 =	vcvt.f32.s32 v7;
	v8 =	vmul.u32 $0x3000, v8  }
0xab: {  	v6 =	vmul.u32 $0x3000, v6;
	v2 =	vtrunc.f32 v2;
	v12 =	vmul.f32 $5.120000000e+02, v12;
	[tilespmem:v3+s16+$0x0] =	vst.idx.add.f32.msk $0xffff, v1  }
0xac: {  	v2 =	vcvt.f32.s32 v2;
	v3 =	vmax.f32 v5, $0.0e+00;
	v5 =	vadd.s32 v7, v8;
	v7 =	vld [tilespmem:s30+$0x450]  }
0xad: {  	[tilespmem:v4+s17+$0x0] =	vst.idx.add.f32.msk $0xffff, v1;
	v4 =	vmul.f32 $5.120000000e+02, v10;
	v8 =	vadd.f32 $6.144000000e+03, v12;
	v10 =	vmax.f32 v11, $0.0e+00  }
0xae: {  	v13 =	vmul.u32 $0x3000, v13;
	v2 =	vadd.s32 v2, v6;
	v6 =	vld [tilespmem:s29+$0x8470];
	v10 =	vmin.f32 v10, $1.228700000e+04  }
0xaf: {  	v11 =	vld [tilespmem:s30+$0x40];
	v4 =	vadd.f32 $6.144000000e+03, v4;
	v8 =	vmax.f32 v8, $0.0e+00;
	v10 =	vtrunc.f32 v10  }
0xb0: {  	v3 =	vmin.f32 v3, $1.228700000e+04;
	v12 =	vld [tilespmem:s30+$0x8040];
	v8 =	vmin.f32 v8, $1.228700000e+04;
	v10 =	vcvt.f32.s32 v10  }
0xb1: {  	v8 =	vtrunc.f32 v8;
	v4 =	vmax.f32 v4, $0.0e+00;
	[tilespmem:v5+s16+$0x0] =	vst.idx.add.f32.msk $0xffff, v1;
	v5 =	vmul.f32 $5.120000000e+02, v7  }
0xb2: {  	v7 =	vcvt.f32.s32 v8;
	v4 =	vmin.f32 v4, $1.228700000e+04;
	v8 =	vadd.s32 v10, v14;
	v10 =	vld [tilespmem:s26+$0x430]  }
0xb3: {  	v6 =	vmul.u32 $0x3000, v6;
	v14 =	vld [tilespmem:s30+$0x8450];
	v4 =	vtrunc.f32 v4;
	v5 =	vadd.f32 $6.144000000e+03, v5  }
0xb4: {  	v9 =	vmul.u32 $0x3000, v9;
	v3 =	vtrunc.f32 v3;
	[tilespmem:v2+s17+$0x0] =	vst.idx.add.f32.msk $0xffff, v1;
	v2 =	vcvt.f32.s32 v4  }
0xb5: {  	v4 =	vld [tilespmem:s29+$0x60];
	v6 =	vadd.s32 v7, v6;
	v7 =	vmul.f32 $5.120000000e+02, v11;
	v5 =	vmax.f32 v5, $0.0e+00  }
0xb6: {  	v3 =	vcvt.f32.s32 v3;
	v11 =	vld [tilespmem:s29+$0x8060];
	v2 =	vadd.s32 v2, v13;
	v5 =	vmin.f32 v5, $1.228700000e+04  }
0xb7: {  	v7 =	vadd.f32 $6.144000000e+03, v7;
	[tilespmem:v8+s16+$0x0] =	vst.idx.add.f32.msk $0xffff, v1;
	v8 =	vmul.f32 $5.120000000e+02, v10;
	v5 =	vtrunc.f32 v5  }
0xb8: {  	v3 =	vadd.s32 v3, v9;
	v13 =	vmul.u32 $0x3000, v14;
	v10 =	vld [tilespmem:s28+$0x410];
	v5 =	vcvt.f32.s32 v5  }
0xb9: {  	v14 =	vld [tilespmem:s26+$0x8430];
	v7 =	vmax.f32 v7, $0.0e+00;
	v8 =	vadd.f32 $6.144000000e+03, v8  }
0xba: {  	[tilespmem:v6+s17+$0x0] =	vst.idx.add.f32.msk $0xffff, v1;
	v6 =	vmin.f32 v7, $1.228700000e+04;
	v5 =	vadd.s32 v5, v13  }
0xbb: {  	v4 =	vmul.f32 $5.120000000e+02, v4;
	v6 =	vtrunc.f32 v6;
	[tilespmem:v2+s16+$0x0] =	vst.idx.add.f32.msk $0xffff, v1;
	v2 =	vmax.f32 v8, $0.0e+00  }
0xbc: {  	v7 =	vmul.u32 $0x3000, v12;
	v6 =	vcvt.f32.s32 v6;
	v8 =	vld [tilespmem:s28+$0x10];
	v2 =	vmin.f32 v2, $1.228700000e+04  }
0xbd: {  	[tilespmem:v3+s16+$0x0] =	vst.idx.add.f32.msk $0xffff, v1;
	v4 =	vadd.f32 $6.144000000e+03, v4;
	v2 =	vtrunc.f32 v2;
	v10 =	vmul.f32 $5.120000000e+02, v10  }
0xbe: {  	v12 =	vld [tilespmem:s28+$0x8410];
	v13 =	vmul.u32 $0x3000, v14;
	v2 =	vcvt.f32.s32 v2  }
0xbf: {  	v4 =	vmax.f32 v4, $0.0e+00;
	v6 =	vadd.s32 v6, v7;
	[tilespmem:v5+s17+$0x0] =	vst.idx.add.f32.msk $0xffff, v1;
	v5 =	vadd.f32 $6.144000000e+03, v10  }
0xc0: {  	v4 =	vmin.f32 v4, $1.228700000e+04;
	v2 =	vadd.s32 v2, v13;
	v7 =	vld [tilespmem:s30+$0x460]  }
0xc1: {  	v9 =	vld [tilespmem:s28+$0x8010];
	v3 =	vtrunc.f32 v4;
	v4 =	vmul.f32 $5.120000000e+02, v8;
	v5 =	vmax.f32 v5, $0.0e+00  }
0xc2: {  	v10 =	vmul.u32 $0x3000, v11;
	v11 =	vld [tilespmem:s26+$0x8030];
	v3 =	vcvt.f32.s32 v3;
	v5 =	vmin.f32 v5, $1.228700000e+04  }
0xc3: {  	v8 =	vld [tilespmem:s26+$0x30];
	v4 =	vadd.f32 $6.144000000e+03, v4;
	v5 =	vtrunc.f32 v5  }
0xc4: {  	v3 =	vadd.s32 v3, v10;
	[tilespmem:v6+s16+$0x0] =	vst.idx.add.f32.msk $0xffff, v1;
	v6 =	vmul.u32 $0x3000, v12;
	v5 =	vcvt.f32.s32 v5  }
0xc5: {  	[tilespmem:v2+s17+$0x0] =	vst.idx.add.f32.msk $0xffff, v1;
	v2 =	vmul.f32 $5.120000000e+02, v7;
	v4 =	vmax.f32 v4, $0.0e+00  }
0xc6: {  	v7 =	vld [tilespmem:s26+$0x440];
	v4 =	vmin.f32 v4, $1.228700000e+04;
	v5 =	vadd.s32 v5, v6  }
0xc7: {  	v6 =	vld [tilespmem:s30+$0x8460];
	v2 =	vadd.f32 $6.144000000e+03, v2;
	v4 =	vtrunc.f32 v4  }
0xc8: {  	v9 =	vmul.u32 $0x3000, v9;
	v10 =	vld [tilespmem:s30+$0x50];
	v4 =	vcvt.f32.s32 v4  }
0xc9: {  	[tilespmem:v3+s16+$0x0] =	vst.idx.add.f32.msk $0xffff, v1;
	v2 =	vmax.f32 v2, $0.0e+00  }
0xca: {  	v3 =	vmul.f32 $5.120000000e+02, v8;
	v8 =	vld [tilespmem:s29+$0x70];
	v2 =	vmin.f32 v2, $1.228700000e+04;
	v4 =	vadd.s32 v4, v9  }
0xcb: {  	v2 =	vtrunc.f32 v2;
	[tilespmem:v5+s17+$0x0] =	vst.idx.add.f32.msk $0xffff, v1;
	v5 =	vmul.f32 $5.120000000e+02, v7  }
0xcc: {  	v9 =	vld [tilespmem:s26+$0x8440];
	v6 =	vmul.u32 $0x3000, v6;
	v2 =	vcvt.f32.s32 v2  }
0xcd: {  	v10 =	vmul.f32 $5.120000000e+02, v10;
	v3 =	vadd.f32 $6.144000000e+03, v3;
	v7 =	vld [tilespmem:s28+$0x420];
	v5 =	vadd.f32 $6.144000000e+03, v5  }
0xce: {  	s11 =	simm.s32 $0x400;
	s31 =	simm.s32 $0x2000;
	v6 =	vadd.s32 v2, v6;
	v2 =	vld [tilespmem:s29+$0x8070]  }
0xcf: {  	s0 =	simm.s32 $0x100;
	s2 =	sand.u32 $0x3000, s11;
	v10 =	vadd.f32 $6.144000000e+03, v10;
	v3 =	vmax.f32 v3, $0.0e+00;
	s29 =	sand.u32 $0x800, s31;
	[tilespmem:v4+s17+$0x0] =	vst.idx.add.f32.msk $0xffff, v1;
	v4 =	vmax.f32 v5, $0.0e+00  }
0xd0: {  	s0 =	sand.u32 $0x380, s0;
	v12 =	vld [tilespmem:s30+$0x8050];
	v3 =	vmin.f32 v3, $1.228700000e+04;
	s2 =	sor.u32 s29, s2;
	v4 =	vmin.f32 v4, $1.228700000e+04  }
0xd1: {  	v10 =	vmax.f32 v10, $0.0e+00;
	v14 =	vld [tilespmem:s28+$0x8420];
	v3 =	vtrunc.f32 v3;
	s29 =	sor.u32 s0, s2;
	v4 =	vtrunc.f32 v4  }
0xd2: {  	v9 =	vmul.u32 $0x3000, v9;
	v13 =	vld [tilespmem:s29+$0x400];
	v7 =	vmul.f32 $5.120000000e+02, v7;
	v4 =	vcvt.f32.s32 v4  }
0xd3: {  	v10 =	vmin.f32 v10, $1.228700000e+04;
	v3 =	vcvt.f32.s32 v3;
	v5 =	vld [tilespmem:s28+$0x20]  }
0xd4: {  	[tilespmem:v6+s16+$0x0] =	vst.idx.add.f32.msk $0xffff, v1;
	v6 =	vmul.u32 $0x3000, v11;
	v7 =	vadd.f32 $6.144000000e+03, v7;
	v4 =	vadd.s32 v4, v9  }
0xd5: {  	v11 =	vld [tilespmem:s30+$0x470];
	v9 =	vtrunc.f32 v10  }
0xd6: {  	v3 =	vadd.s32 v3, v6;
	v6 =	vcvt.f32.s32 v9;
	v9 =	vld [tilespmem:s29+$0x0];
	v7 =	vmax.f32 v7, $0.0e+00  }
0xd7: {  	v15 =	vld [tilespmem:s29+$0x8000];
	v13 =	vmul.f32 $5.120000000e+02, v13;
	v7 =	vmin.f32 v7, $1.228700000e+04  }
0xd8: {  	v12 =	vmul.u32 $0x3000, v12;
	v16 =	vld [tilespmem:s29+$0x8400];
	v5 =	vmul.f32 $5.120000000e+02, v5;
	v7 =	vtrunc.f32 v7  }
0xd9: {  	v14 =	vmul.u32 $0x3000, v14;
	v13 =	vadd.f32 $6.144000000e+03, v13;
	v7 =	vcvt.f32.s32 v7;
	[tilespmem:v4+s16+$0x0] =	vst.idx.add.f32.msk $0xffff, v1  }
0xda: {  	v5 =	vadd.f32 $6.144000000e+03, v5;
	v11 =	vmul.f32 $5.120000000e+02, v11;
	v4 =	vadd.s32 v6, v12;
	v6 =	vld [tilespmem:s30+$0x8470]  }
0xdb: {  	v9 =	vmul.f32 $5.120000000e+02, v9;
	v12 =	vmax.f32 v13, $0.0e+00;
	v7 =	vadd.s32 v7, v14;
	v13 =	vld [tilespmem:s26+$0x450]  }
0xdc: {  	[tilespmem:v3+s17+$0x0] =	vst.idx.add.f32.msk $0xffff, v1;
	v3 =	vmax.f32 v5, $0.0e+00;
	v11 =	vadd.f32 $6.144000000e+03, v11;
	v5 =	vmin.f32 v12, $1.228700000e+04  }
0xdd: {  	v10 =	vld [tilespmem:s28+$0x8020];
	v16 =	vmul.u32 $0x3000, v16;
	v9 =	vadd.f32 $6.144000000e+03, v9;
	v5 =	vtrunc.f32 v5  }
0xde: {  	v12 =	vld [tilespmem:s26+$0x40];
	v3 =	vmin.f32 v3, $1.228700000e+04;
	v11 =	vmax.f32 v11, $0.0e+00;
	v5 =	vcvt.f32.s32 v5  }
0xdf: {  	v11 =	vmin.f32 v11, $1.228700000e+04;
	[tilespmem:v4+s17+$0x0] =	vst.idx.add.f32.msk $0xffff, v1;
	v4 =	vmax.f32 v9, $0.0e+00;
	v6 =	vmul.u32 $0x3000, v6  }
0xe0: {  	v11 =	vtrunc.f32 v11;
	v4 =	vmin.f32 v4, $1.228700000e+04;
	[tilespmem:v7+s16+$0x0] =	vst.idx.add.f32.msk $0xffff, v1;
	v7 =	vmul.f32 $5.120000000e+02, v13  }
0xe1: {  	v14 =	vld [tilespmem:s26+$0x8040];
	v5 =	vadd.s32 v5, v16;
	v9 =	vcvt.f32.s32 v11;
	v4 =	vtrunc.f32 v4  }
0xe2: {  	v3 =	vtrunc.f32 v3;
	v11 =	vld [tilespmem:s28+$0x430];
	v4 =	vcvt.f32.s32 v4  }
0xe3: {  	v13 =	vld [tilespmem:s26+$0x8450];
	v7 =	vadd.f32 $6.144000000e+03, v7;
	v6 =	vadd.s32 v9, v6;
	v9 =	vmul.u32 $0x3000, v15  }
0xe4: {  	v10 =	vmul.u32 $0x3000, v10;
	v3 =	vcvt.f32.s32 v3;
	v15 =	vld [tilespmem:s30+$0x60]  }
0xe5: {  	v63 =	vld [tilespmem:s30+$0x8060];
	v12 =	vmul.f32 $5.120000000e+02, v12;
	v7 =	vmax.f32 v7, $0.0e+00;
	v4 =	vadd.s32 v4, v9  }
0xe6: {  	v8 =	vmul.f32 $5.120000000e+02, v8;
	v3 =	vadd.s32 v3, v10;
	[tilespmem:v5+s16+$0x0] =	vst.idx.add.f32.msk $0xffff, v1;
	v5 =	vmin.f32 v7, $1.228700000e+04  }
0xe7: {  	v9 =	vadd.f32 $6.144000000e+03, v12;
	v12 =	vld [tilespmem:s28+$0x8430];
	v7 =	vmul.f32 $5.120000000e+02, v11;
	v5 =	vtrunc.f32 v5  }
0xe8: {  	v8 =	vadd.f32 $6.144000000e+03, v8;
	v10 =	vmul.u32 $0x3000, v13;
	v5 =	vcvt.f32.s32 v5;
	[tilespmem:v6+s17+$0x0] =	vst.idx.add.f32.msk $0xffff, v1  }
0xe9: {  	v6 =	vmax.f32 v9, $0.0e+00;
	v9 =	vld [tilespmem:s29+$0x410];
	v11 =	vmul.f32 $5.120000000e+02, v15;
	v7 =	vadd.f32 $6.144000000e+03, v7  }
0xea: {  	v8 =	vmax.f32 v8, $0.0e+00;
	v6 =	vmin.f32 v6, $1.228700000e+04;
	[tilespmem:v4+s16+$0x0] =	vst.idx.add.f32.msk $0xffff, v1;
	v4 =	vadd.s32 v5, v10  }
0xeb: {  	v6 =	vtrunc.f32 v6;
	v5 =	vadd.f32 $6.144000000e+03, v11;
	v7 =	vmax.f32 v7, $0.0e+00;
	v10 =	vld [tilespmem:s29+$0x10]  }
0xec: {  	v13 =	vmul.u32 $0x3000, v14;
	[tilespmem:v3+s16+$0x0] =	vst.idx.add.f32.msk $0xffff, v1;
	v6 =	vcvt.f32.s32 v6;
	v7 =	vmin.f32 v7, $1.228700000e+04  }
0xed: {  	v14 =	vld [tilespmem:s28+$0x8030];
	v12 =	vmul.u32 $0x3000, v12;
	v5 =	vmax.f32 v5, $0.0e+00;
	v3 =	vtrunc.f32 v7  }
0xee: {  	v7 =	vld [tilespmem:s29+$0x8410];
	v6 =	vadd.s32 v6, v13;
	v9 =	vmul.f32 $5.120000000e+02, v9;
	v3 =	vcvt.f32.s32 v3  }
0xef: {  	v8 =	vmin.f32 v8, $1.228700000e+04;
	v5 =	vmin.f32 v5, $1.228700000e+04;
	[tilespmem:v4+s17+$0x0] =	vst.idx.add.f32.msk $0xffff, v1  }
0xf0: {  	v9 =	vadd.f32 $6.144000000e+03, v9;
	v3 =	vadd.s32 v3, v12;
	v4 =	vmul.f32 $5.120000000e+02, v10;
	v10 =	vld [tilespmem:s26+$0x460]  }
0xf1: {  	v8 =	vtrunc.f32 v8;
	v2 =	vmul.u32 $0x3000, v2;
	v13 =	vld [tilespmem:s28+$0x30];
	v5 =	vtrunc.f32 v5  }
0xf2: {  	v11 =	vld [tilespmem:s29+$0x8010];
	v12 =	vmul.u32 $0x3000, v63;
	v5 =	vcvt.f32.s32 v5;
	v9 =	vmax.f32 v9, $0.0e+00  }
0xf3: {  	v8 =	vcvt.f32.s32 v8;
	v4 =	vadd.f32 $6.144000000e+03, v4;
	v9 =	vmin.f32 v9, $1.228700000e+04;
	[tilespmem:v6+s16+$0x0] =	vst.idx.add.f32.msk $0xffff, v1  }
0xf4: {  	v5 =	vadd.s32 v5, v12;
	v7 =	vmul.u32 $0x3000, v7;
	v6 =	vtrunc.f32 v9;
	v12 =	vld [tilespmem:s26+$0x50]  }
0xf5: {  	v4 =	vmax.f32 v4, $0.0e+00;
	v6 =	vcvt.f32.s32 v6;
	[tilespmem:v3+s17+$0x0] =	vst.idx.add.f32.msk $0xffff, v1;
	v3 =	vmul.f32 $5.120000000e+02, v10  }
0xf6: {  	v2 =	vadd.s32 v8, v2;
	v8 =	vmul.f32 $5.120000000e+02, v13;
	v13 =	vld [tilespmem:s26+$0x8460];
	v4 =	vmin.f32 v4, $1.228700000e+04  }
0xf7: {  	v10 =	vld [tilespmem:s28+$0x440];
	v4 =	vtrunc.f32 v4;
	v6 =	vadd.s32 v6, v7;
	v3 =	vadd.f32 $6.144000000e+03, v3  }
0xf8: {  	v11 =	vmul.u32 $0x3000, v11;
	v8 =	vadd.f32 $6.144000000e+03, v8;
	v7 =	vld [tilespmem:s26+$0x8050];
	v4 =	vcvt.f32.s32 v4  }
0xf9: {  	v9 =	vmul.u32 $0x3000, v14;
	[tilespmem:v5+s16+$0x0] =	vst.idx.add.f32.msk $0xffff, v1;
	v14 =	vmul.f32 $5.120000000e+02, v12;
	v3 =	vmax.f32 v3, $0.0e+00  }
0xfa: {  	v5 =	vmax.f32 v8, $0.0e+00;
	v12 =	vadd.s32 v4, v11;
	v4 =	vld [tilespmem:s30+$0x70];
	v3 =	vmin.f32 v3, $1.228700000e+04  }
0xfb: {  	v11 =	vmin.f32 v5, $1.228700000e+04;
	v8 =	vadd.f32 $6.144000000e+03, v14;
	v5 =	vtrunc.f32 v3;
	v3 =	vld [tilespmem:s30+$0x8070]  }
0xfc: {  	v10 =	vmul.f32 $5.120000000e+02, v10;
	s30 =	simm.s32 $0x8;
	[tilespmem:v6+s17+$0x0] =	vst.idx.add.f32.msk $0xffff, v1;
	v6 =	vmul.u32 $0x3000, v13;
	v5 =	vcvt.f32.s32 v5  }
.LBB2_5:
0xfd: {  	s30 =	sadd.s32 $0x2, s30;
	v13 =	vld [tilespmem:s29+$0x420];
	v11 =	vtrunc.f32 v11;
	v8 =	vmax.f32 v8, $0.0e+00;
	v7 =	vmul.u32 $0x3000, v7  }
0xfe: {  	s31 =	sadd.s32 $0x800, s31;
	s0 =	sshll.u32 s30, $0x7;
	v11 =	vcvt.f32.s32 v11;
	v14 =	vld [tilespmem:s28+$0x8440];
	v10 =	vadd.f32 $6.144000000e+03, v10;
	v5 =	vadd.s32 v5, v6  }
0xff: {  	s2 =	sand.u32 $0x800, s31;
	s11 =	sshll.u32 s30, $0x5;
	v6 =	vmin.f32 v8, $1.228700000e+04;
	s0 =	sand.u32 $0x3000, s0;
	[tilespmem:v12+s17+$0x0] =	vst.idx.add.f32.msk $0xffff, v1;
	v4 =	vmul.f32 $5.120000000e+02, v4  }
0x100: {  	v6 =	vtrunc.f32 v6;
	s0 =	sor.u32 s2, s0;
	s2 =	sand.u32 $0x380, s11;
	v8 =	vld [tilespmem:s29+$0x20];
	v9 =	vadd.s32 v11, v9;
	v10 =	vmax.f32 v10, $0.0e+00  }
0x101: {  	v6 =	vcvt.f32.s32 v6;
	s2 =	sor.u32 s2, s0;
	v11 =	vld [tilespmem:s29+$0x8020];
	v10 =	vmin.f32 v10, $1.228700000e+04;
	v4 =	vadd.f32 $6.144000000e+03, v4  }
0x102: {  	v3 =	vmul.u32 $0x3000, v3;
	v12 =	vld [tilespmem:s2+$0x400];
	v10 =	vtrunc.f32 v10  }
0x103: {  	p0 =	slt.u32 s30, $0x7E;
	v13 =	vmul.f32 $5.120000000e+02, v13;
	v10 =	vcvt.f32.s32 v10;
	v14 =	vmul.u32 $0x3000, v14;
	[tilespmem:v5+s16+$0x0] =	vst.idx.add.f32.msk $0xffff, v1  }
0x104: {  	v5 =	vadd.s32 v6, v7;
	v4 =	vmax.f32 v4, $0.0e+00;
	v6 =	vld [tilespmem:s26+$0x470]  }
0x105: {  	v13 =	vadd.f32 $6.144000000e+03, v13;
	v7 =	vmul.f32 $5.120000000e+02, v8;
	v8 =	vld [tilespmem:s29+$0x8420];
	v10 =	vadd.s32 v10, v14  }
0x106: {  	v4 =	vmin.f32 v4, $1.228700000e+04;
	v14 =	vld [tilespmem:s2+$0x0];
	v11 =	vmul.u32 $0x3000, v11  }
0x107: {  	v4 =	vtrunc.f32 v4;
	v13 =	vmax.f32 v13, $0.0e+00;
	v15 =	vld [tilespmem:s2+$0x8000];
	v7 =	vadd.f32 $6.144000000e+03, v7  }
0x108: {  	v4 =	vcvt.f32.s32 v4;
	v12 =	vmul.f32 $5.120000000e+02, v12;
	v13 =	vmin.f32 v13, $1.228700000e+04;
	[tilespmem:v9+s17+$0x0] =	vst.idx.add.f32.msk $0xffff, v1  }
0x109: {  	v13 =	vtrunc.f32 v13;
	v9 =	vld [tilespmem:s2+$0x8400];
	v7 =	vmax.f32 v7, $0.0e+00;
	v6 =	vmul.f32 $5.120000000e+02, v6  }
0x10a: {  	v12 =	vadd.f32 $6.144000000e+03, v12;
	v13 =	vcvt.f32.s32 v13;
	v8 =	vmul.u32 $0x3000, v8;
	[tilespmem:v10+s16+$0x0] =	vst.idx.add.f32.msk $0xffff, v1  }
0x10b: {  	v7 =	vmin.f32 v7, $1.228700000e+04;
	v10 =	vmul.f32 $5.120000000e+02, v14;
	v14 =	vld [tilespmem:s26+$0x8470];
	v6 =	vadd.f32 $6.144000000e+03, v6  }
0x10c: {  	v12 =	vmax.f32 v12, $0.0e+00;
	v15 =	vmul.u32 $0x3000, v15;
	v8 =	vadd.s32 v13, v8;
	v13 =	vld [tilespmem:s28+$0x450]  }
0x10d: {  	v12 =	vmin.f32 v12, $1.228700000e+04;
	v10 =	vadd.f32 $6.144000000e+03, v10;
	v16 =	vld [tilespmem:s28+$0x40];
	v6 =	vmax.f32 v6, $0.0e+00  }
0x10e: {  	v7 =	vtrunc.f32 v7;
	v12 =	vtrunc.f32 v12;
	v17 =	vld [tilespmem:s28+$0x8040];
	v6 =	vmin.f32 v6, $1.228700000e+04  }
0x10f: {  	v12 =	vcvt.f32.s32 v12;
	v9 =	vmul.u32 $0x3000, v9;
	[tilespmem:v5+s17+$0x0] =	vst.idx.add.f32.msk $0xffff, v1;
	v5 =	vtrunc.f32 v6  }
0x110: {  	v6 =	vmax.f32 v10, $0.0e+00;
	v10 =	vld [tilespmem:s26+$0x60];
	v5 =	vcvt.f32.s32 v5;
	v14 =	vmul.u32 $0x3000, v14  }
0x111: {  	v6 =	vmin.f32 v6, $1.228700000e+04;
	v9 =	vadd.s32 v12, v9;
	[tilespmem:v8+s16+$0x0] =	vst.idx.add.f32.msk $0xffff, v1;
	v8 =	vmul.f32 $5.120000000e+02, v13  }
0x112: {  	v7 =	vcvt.f32.s32 v7;
	v6 =	vtrunc.f32 v6;
	v12 =	vld [tilespmem:s29+$0x430];
	v5 =	vadd.s32 v5, v14  }
0x113: {  	v6 =	vcvt.f32.s32 v6;
	v13 =	vmul.f32 $5.120000000e+02, v16;
	v14 =	vld [tilespmem:s28+$0x8450];
	v8 =	vadd.f32 $6.144000000e+03, v8  }
0x114: {  	v3 =	vadd.s32 v4, v3;
	v7 =	vadd.s32 v7, v11;
	v11 =	vmul.u32 $0x3000, v17;
	v16 =	vld [tilespmem:s26+$0x8060]  }
0x115: {  	v4 =	vadd.s32 v6, v15;
	v6 =	vadd.f32 $6.144000000e+03, v13;
	v8 =	vmax.f32 v8, $0.0e+00;
	[tilespmem:v2+s17+$0x0] =	vst.idx.add.f32.msk $0xffff, v1;
	v2 =	vmovc v3  }
0x116: {  	[tilespmem:v9+s16+$0x0] =	vst.idx.add.f32.msk $0xffff, v1;
	v3 =	vmin.f32 v8, $1.228700000e+04;
	v8 =	vmul.f32 $5.120000000e+02, v10  }
0x117: {  	v6 =	vmax.f32 v6, $0.0e+00;
	v9 =	vmul.f32 $5.120000000e+02, v12;
	v3 =	vtrunc.f32 v3;
	[tilespmem:v5+s17+$0x0] =	vst.idx.add.f32.msk $0xffff, v1  }
0x118: {  	v6 =	vmin.f32 v6, $1.228700000e+04;
	v5 =	vld [tilespmem:s2+$0x410];
	v3 =	vcvt.f32.s32 v3;
	v10 =	vmul.u32 $0x3000, v14  }
0x119: {  	v6 =	vtrunc.f32 v6;
	v8 =	vadd.f32 $6.144000000e+03, v8;
	v12 =	vld [tilespmem:s29+$0x8430];
	v9 =	vadd.f32 $6.144000000e+03, v9  }
0x11a: {  	[tilespmem:v4+s16+$0x0] =	vst.idx.add.f32.msk $0xffff, v1;
	v4 =	vcvt.f32.s32 v6;
	v3 =	vadd.s32 v3, v10;
	v6 =	vmul.u32 $0x3000, v16  }
0x11b: {  	v8 =	vmax.f32 v8, $0.0e+00;
	v10 =	vld [tilespmem:s2+$0x10];
	v9 =	vmax.f32 v9, $0.0e+00  }
0x11c: {  	v8 =	vmin.f32 v8, $1.228700000e+04;
	v13 =	vld [tilespmem:s2+$0x8010];
	v9 =	vmin.f32 v9, $1.228700000e+04;
	v4 =	vadd.s32 v4, v11  }
0x11d: {  	v8 =	vtrunc.f32 v8;
	[tilespmem:v7+s16+$0x0] =	vst.idx.add.f32.msk $0xffff, v1;
	v7 =	vtrunc.f32 v9  }
0x11e: {  	v5 =	vmul.f32 $5.120000000e+02, v5;
	v9 =	vld [tilespmem:s2+$0x8410];
	v7 =	vcvt.f32.s32 v7;
	v11 =	vmul.u32 $0x3000, v12  }
0x11f: {  	[tilespmem:v3+s17+$0x0] =	vst.idx.add.f32.msk $0xffff, v1;
	v3 =	vcvt.f32.s32 v8  }
0x120: {  	v5 =	vadd.f32 $6.144000000e+03, v5;
	v8 =	vmul.f32 $5.120000000e+02, v10;
	v7 =	vadd.s32 v7, v11;
	v10 =	vld [tilespmem:s28+$0x460]  }
0x121: {  	v11 =	vmul.u32 $0x3000, v13;
	v12 =	vld [tilespmem:s29+$0x30];
	v3 =	vadd.s32 v3, v6  }
0x122: {  	v5 =	vmax.f32 v5, $0.0e+00;
	v6 =	vadd.f32 $6.144000000e+03, v8;
	v8 =	vld [tilespmem:s29+$0x8030]  }
0x123: {  	v5 =	vmin.f32 v5, $1.228700000e+04;
	[tilespmem:v4+s16+$0x0] =	vst.idx.add.f32.msk $0xffff, v1  }
0x124: {  	v5 =	vtrunc.f32 v5;
	v4 =	vmax.f32 v6, $0.0e+00;
	v6 =	vld [tilespmem:s28+$0x50]  }
0x125: {  	v9 =	vmul.u32 $0x3000, v9;
	v5 =	vcvt.f32.s32 v5;
	[tilespmem:v7+s17+$0x0] =	vst.idx.add.f32.msk $0xffff, v1;
	v7 =	vmul.f32 $5.120000000e+02, v10  }
0x126: {  	v4 =	vmin.f32 v4, $1.228700000e+04;
	v10 =	vmul.f32 $5.120000000e+02, v12;
	v13 =	vld [tilespmem:s29+$0x440]  }
0x127: {  	v4 =	vtrunc.f32 v4;
	v5 =	vadd.s32 v5, v9;
	v14 =	vld [tilespmem:s28+$0x8460];
	v12 =	vadd.f32 $6.144000000e+03, v7  }
.Ltmp1:
0x128: {  	v4 =	vcvt.f32.s32 v4;
	v9 =	vmul.u32 $0x3000, v8;
	v10 =	vadd.f32 $6.144000000e+03, v10;
	v7 =	vld [tilespmem:s28+$0x8050];
	(pc) =	sbr.rel @p0 .LBB2_5-.Ltmp1, $4  }
0x129: {  	v6 =	vmul.f32 $5.120000000e+02, v6;
	v8 =	vmax.f32 v12, $0.0e+00;
	[tilespmem:v3+s16+$0x0] =	vst.idx.add.f32.msk $0xffff, v1  }
0x12a: {  	v12 =	vadd.s32 v4, v11;
	v3 =	vmax.f32 v10, $0.0e+00;
	v10 =	vmin.f32 v8, $1.228700000e+04;
	v4 =	vld [tilespmem:s26+$0x70]  }
0x12b: {  	v11 =	vmin.f32 v3, $1.228700000e+04;
	v8 =	vadd.f32 $6.144000000e+03, v6;
	v6 =	vtrunc.f32 v10;
	v3 =	vld [tilespmem:s26+$0x8070];
	s26 =	smov.u32 s28;
	s28 =	smov.u32 s29;
	s29 =	smov.u32 s2  }
0x12c: {  	v10 =	vmul.f32 $5.120000000e+02, v13;
	[tilespmem:v5+s17+$0x0] =	vst.idx.add.f32.msk $0xffff, v1;
	v5 =	vcvt.f32.s32 v6;
	v6 =	vmul.u32 $0x3000, v14  }
0x12d: {  	_ =	sdelay $0x2  }
0x12e: {  	v13 =	vld [tilespmem:s29+$0x420]  }
0x12f: {  	[tilespmem:v12+s17+$0x0] =	vst.idx.add.f32.msk $0xffff, v1  }
0x130: {  	v12 =	vld [tilespmem:s29+$0x20];
	_ =	sdelay $0x2  }
0x131: {  	v13 =	vmul.f32 $5.120000000e+02, v13;
	_ =	sdelay $0x1  }
0x132: {  	v14 =	vld [tilespmem:s29+$0x8420];
	v12 =	vmul.f32 $5.120000000e+02, v12;
	v13 =	vadd.f32 $6.144000000e+03, v13;
	_ =	sdelay $0x1  }
0x133: {  	v15 =	vld [tilespmem:s29+$0x8020];
	v12 =	vadd.f32 $6.144000000e+03, v12;
	v13 =	vmax.f32 v13, $0.0e+00  }
0x134: {  	v13 =	vmin.f32 v13, $1.228700000e+04  }
0x135: {  	v12 =	vmax.f32 v12, $0.0e+00;
	v13 =	vtrunc.f32 v13  }
0x136: {  	v14 =	vmul.u32 $0x3000, v14;
	v12 =	vmin.f32 v12, $1.228700000e+04;
	v13 =	vcvt.f32.s32 v13  }
0x137: {  	v12 =	vtrunc.f32 v12  }
0x138: {  	v15 =	vmul.u32 $0x3000, v15;
	v12 =	vcvt.f32.s32 v12;
	v13 =	vadd.s32 v13, v14;
	_ =	sdelay $0x1  }
0x139: {  	v12 =	vadd.s32 v12, v15;
	_ =	sdelay $0x2  }
0x13a: {  	[tilespmem:v13+s16+$0x0] =	vst.idx.add.f32.msk $0xffff, v1  }
0x13b: {  	v13 =	vld [tilespmem:s29+$0x430]  }
0x13c: {  	[tilespmem:v12+s16+$0x0] =	vst.idx.add.f32.msk $0xffff, v1  }
0x13d: {  	v12 =	vld [tilespmem:s29+$0x30];
	_ =	sdelay $0x2  }
0x13e: {  	v13 =	vmul.f32 $5.120000000e+02, v13;
	_ =	sdelay $0x1  }
0x13f: {  	v14 =	vld [tilespmem:s29+$0x8430];
	v12 =	vmul.f32 $5.120000000e+02, v12;
	v13 =	vadd.f32 $6.144000000e+03, v13  }
0x140: {  	v11 =	vtrunc.f32 v11  }
0x141: {  	v11 =	vcvt.f32.s32 v11;
	v15 =	vld [tilespmem:s29+$0x8030];
	v12 =	vadd.f32 $6.144000000e+03, v12;
	v13 =	vmax.f32 v13, $0.0e+00  }
0x142: {  	v13 =	vmin.f32 v13, $1.228700000e+04  }
0x143: {  	v9 =	vadd.s32 v11, v9;
	v12 =	vmax.f32 v12, $0.0e+00;
	v11 =	vtrunc.f32 v13  }
0x144: {  	v13 =	vmul.u32 $0x3000, v14;
	v12 =	vmin.f32 v12, $1.228700000e+04;
	v11 =	vcvt.f32.s32 v11  }
0x145: {  	v12 =	vtrunc.f32 v12  }
0x146: {  	v12 =	vcvt.f32.s32 v12;
	v11 =	vadd.s32 v11, v13;
	v13 =	vmul.u32 $0x3000, v15;
	_ =	sdelay $0x1  }
0x147: {  	[tilespmem:v9+s17+$0x0] =	vst.idx.add.f32.msk $0xffff, v1;
	v9 =	vadd.s32 v12, v13  }
0x148: {  	v12 =	vld [tilespmem:s28+$0x40]  }
0x149: {  	v13 =	vld [tilespmem:s28+$0x8440]  }
0x14a: {  	v10 =	vadd.f32 $6.144000000e+03, v10;
	[tilespmem:v11+s17+$0x0] =	vst.idx.add.f32.msk $0xffff, v1  }
0x14b: {  	v11 =	vld [tilespmem:s29+$0x440]  }
0x14c: {  	v10 =	vmax.f32 v10, $0.0e+00;
	[tilespmem:v9+s17+$0x0] =	vst.idx.add.f32.msk $0xffff, v1  }
0x14d: {  	v9 =	vmin.f32 v10, $1.228700000e+04;
	v10 =	vmul.f32 $5.120000000e+02, v12;
	v12 =	vld [tilespmem:s29+$0x40]  }
0x14e: {  	v14 =	vld [tilespmem:s28+$0x8040];
	v9 =	vtrunc.f32 v9  }
0x14f: {  	v13 =	vmul.u32 $0x3000, v13;
	v9 =	vcvt.f32.s32 v9;
	v10 =	vadd.f32 $6.144000000e+03, v10  }
0x150: {  	v11 =	vmul.f32 $5.120000000e+02, v11  }
0x151: {  	v9 =	vadd.s32 v9, v13;
	v10 =	vmax.f32 v10, $0.0e+00  }
0x152: {  	v13 =	vld [tilespmem:s29+$0x8440];
	v10 =	vmin.f32 v10, $1.228700000e+04;
	v11 =	vadd.f32 $6.144000000e+03, v11;
	v12 =	vmul.f32 $5.120000000e+02, v12  }
0x153: {  	v14 =	vmul.u32 $0x3000, v14;
	v10 =	vtrunc.f32 v10  }
0x154: {  	v15 =	vld [tilespmem:s29+$0x8040];
	v10 =	vcvt.f32.s32 v10;
	v11 =	vmax.f32 v11, $0.0e+00;
	v12 =	vadd.f32 $6.144000000e+03, v12  }
0x155: {  	v11 =	vmin.f32 v11, $1.228700000e+04  }
0x156: {  	[tilespmem:v9+s16+$0x0] =	vst.idx.add.f32.msk $0xffff, v1;
	v9 =	vadd.s32 v10, v14;
	v10 =	vtrunc.f32 v11;
	v11 =	vmax.f32 v12, $0.0e+00  }
0x157: {  	v13 =	vmul.u32 $0x3000, v13;
	v12 =	vld [tilespmem:s28+$0x450];
	v10 =	vcvt.f32.s32 v10;
	v11 =	vmin.f32 v11, $1.228700000e+04  }
0x158: {  	v11 =	vtrunc.f32 v11  }
0x159: {  	v10 =	vadd.s32 v10, v13;
	v13 =	vmul.u32 $0x3000, v15;
	v11 =	vcvt.f32.s32 v11;
	_ =	sdelay $0x1  }
0x15a: {  	[tilespmem:v9+s16+$0x0] =	vst.idx.add.f32.msk $0xffff, v1;
	v9 =	vadd.s32 v11, v13  }
0x15b: {  	v11 =	vmul.f32 $5.120000000e+02, v12;
	v12 =	vld [tilespmem:s28+$0x50]  }
0x15c: {  	v13 =	vld [tilespmem:s28+$0x8450]  }
0x15d: {  	v11 =	vadd.f32 $6.144000000e+03, v11;
	[tilespmem:v10+s16+$0x0] =	vst.idx.add.f32.msk $0xffff, v1  }
0x15e: {  	v8 =	vmax.f32 v8, $0.0e+00;
	v10 =	vld [tilespmem:s29+$0x450]  }
0x15f: {  	v8 =	vmin.f32 v8, $1.228700000e+04;
	v11 =	vmax.f32 v11, $0.0e+00;
	[tilespmem:v9+s16+$0x0] =	vst.idx.add.f32.msk $0xffff, v1  }
0x160: {  	v8 =	vtrunc.f32 v8;
	v9 =	vmin.f32 v11, $1.228700000e+04;
	v11 =	vmul.f32 $5.120000000e+02, v12;
	v12 =	vld [tilespmem:s29+$0x50]  }
0x161: {  	v7 =	vmul.u32 $0x3000, v7;
	v8 =	vcvt.f32.s32 v8;
	v14 =	vld [tilespmem:s28+$0x8050];
	v9 =	vtrunc.f32 v9  }
0x162: {  	v13 =	vmul.u32 $0x3000, v13;
	v9 =	vcvt.f32.s32 v9;
	v11 =	vadd.f32 $6.144000000e+03, v11  }
0x163: {  	v7 =	vadd.s32 v8, v7;
	v8 =	vmul.f32 $5.120000000e+02, v10  }
0x164: {  	v9 =	vadd.s32 v9, v13;
	v10 =	vmax.f32 v11, $0.0e+00  }
0x165: {  	v11 =	vld [tilespmem:s29+$0x8450];
	v10 =	vmin.f32 v10, $1.228700000e+04;
	v8 =	vadd.f32 $6.144000000e+03, v8;
	v12 =	vmul.f32 $5.120000000e+02, v12  }
0x166: {  	v13 =	vmul.u32 $0x3000, v14;
	v10 =	vtrunc.f32 v10  }
0x167: {  	v14 =	vld [tilespmem:s29+$0x8050];
	v10 =	vcvt.f32.s32 v10;
	v8 =	vmax.f32 v8, $0.0e+00;
	v12 =	vadd.f32 $6.144000000e+03, v12  }
0x168: {  	[tilespmem:v7+s17+$0x0] =	vst.idx.add.f32.msk $0xffff, v1;
	v7 =	vmin.f32 v8, $1.228700000e+04  }
0x169: {  	[tilespmem:v9+s17+$0x0] =	vst.idx.add.f32.msk $0xffff, v1;
	v8 =	vadd.s32 v10, v13;
	v7 =	vtrunc.f32 v7;
	v9 =	vmax.f32 v12, $0.0e+00  }
0x16a: {  	v11 =	vmul.u32 $0x3000, v11;
	v10 =	vld [tilespmem:s28+$0x460];
	v7 =	vcvt.f32.s32 v7;
	v9 =	vmin.f32 v9, $1.228700000e+04  }
0x16b: {  	v12 =	vld [tilespmem:s26+$0x60];
	v9 =	vtrunc.f32 v9  }
0x16c: {  	v7 =	vadd.s32 v7, v11;
	v11 =	vmul.u32 $0x3000, v14;
	v9 =	vcvt.f32.s32 v9  }
0x16d: {  	v13 =	vld [tilespmem:s26+$0x8060]  }
0x16e: {  	[tilespmem:v8+s17+$0x0] =	vst.idx.add.f32.msk $0xffff, v1;
	v8 =	vadd.s32 v9, v11  }
0x16f: {  	v9 =	vmul.f32 $5.120000000e+02, v10;
	v10 =	vld [tilespmem:s28+$0x60]  }
0x170: {  	v11 =	vmul.f32 $5.120000000e+02, v12;
	v12 =	vld [tilespmem:s28+$0x8460]  }
0x171: {  	v9 =	vadd.f32 $6.144000000e+03, v9;
	[tilespmem:v7+s17+$0x0] =	vst.idx.add.f32.msk $0xffff, v1  }
0x172: {  	v7 =	vadd.f32 $6.144000000e+03, v11;
	v11 =	vld [tilespmem:s29+$0x460]  }
0x173: {  	v5 =	vadd.s32 v5, v6;
	v6 =	vmax.f32 v9, $0.0e+00;
	[tilespmem:v8+s17+$0x0] =	vst.idx.add.f32.msk $0xffff, v1  }
0x174: {  	v6 =	vmin.f32 v6, $1.228700000e+04;
	v8 =	vmul.f32 $5.120000000e+02, v10;
	v9 =	vld [tilespmem:s29+$0x60]  }
0x175: {  	v7 =	vmax.f32 v7, $0.0e+00;
	v10 =	vld [tilespmem:s28+$0x8060];
	v12 =	vmul.u32 $0x3000, v12;
	v6 =	vtrunc.f32 v6  }
0x176: {  	v7 =	vmin.f32 v7, $1.228700000e+04;
	v6 =	vcvt.f32.s32 v6;
	v8 =	vadd.f32 $6.144000000e+03, v8  }
0x177: {  	v13 =	vmul.u32 $0x3000, v13;
	v7 =	vtrunc.f32 v7;
	v11 =	vmul.f32 $5.120000000e+02, v11  }
0x178: {  	[tilespmem:v5+s16+$0x0] =	vst.idx.add.f32.msk $0xffff, v1;
	v5 =	vcvt.f32.s32 v7;
	v6 =	vadd.s32 v6, v12;
	v7 =	vmax.f32 v8, $0.0e+00  }
0x179: {  	v8 =	vld [tilespmem:s29+$0x8460];
	v7 =	vmin.f32 v7, $1.228700000e+04;
	v11 =	vadd.f32 $6.144000000e+03, v11;
	v9 =	vmul.f32 $5.120000000e+02, v9  }
0x17a: {  	v12 =	vld [tilespmem:s26+$0x470];
	v5 =	vadd.s32 v5, v13;
	v10 =	vmul.u32 $0x3000, v10;
	v7 =	vtrunc.f32 v7  }
0x17b: {  	v13 =	vld [tilespmem:s29+$0x8060];
	v7 =	vcvt.f32.s32 v7;
	v11 =	vmax.f32 v11, $0.0e+00;
	v9 =	vadd.f32 $6.144000000e+03, v9  }
0x17c: {  	v4 =	vmul.f32 $5.120000000e+02, v4;
	v11 =	vmin.f32 v11, $1.228700000e+04  }
0x17d: {  	v7 =	vadd.s32 v7, v10;
	[tilespmem:v6+s16+$0x0] =	vst.idx.add.f32.msk $0xffff, v1;
	v10 =	vtrunc.f32 v11;
	v9 =	vmax.f32 v9, $0.0e+00  }
0x17e: {  	v8 =	vmul.u32 $0x3000, v8;
	v11 =	vld [tilespmem:s28+$0x470];
	v6 =	vcvt.f32.s32 v10;
	v9 =	vmin.f32 v9, $1.228700000e+04  }
0x17f: {  	v4 =	vadd.f32 $6.144000000e+03, v4;
	[tilespmem:v5+s16+$0x0] =	vst.idx.add.f32.msk $0xffff, v1;
	v10 =	vmul.f32 $5.120000000e+02, v12;
	v9 =	vtrunc.f32 v9  }
0x180: {  	v5 =	vadd.s32 v6, v8;
	v6 =	vmul.u32 $0x3000, v13;
	v8 =	vcvt.f32.s32 v9;
	v9 =	vld [tilespmem:s26+$0x70]  }
0x181: {  	v14 =	vld [tilespmem:s26+$0x8470];
	v10 =	vadd.f32 $6.144000000e+03, v10  }
0x182: {  	v4 =	vmax.f32 v4, $0.0e+00;
	v12 =	vld [tilespmem:s28+$0x8470];
	v6 =	vadd.s32 v8, v6  }
0x183: {  	v4 =	vmin.f32 v4, $1.228700000e+04;
	[tilespmem:v7+s16+$0x0] =	vst.idx.add.f32.msk $0xffff, v1;
	v7 =	vmax.f32 v10, $0.0e+00;
	v8 =	vmul.f32 $5.120000000e+02, v11  }
0x184: {  	v3 =	vmul.u32 $0x3000, v3;
	v4 =	vtrunc.f32 v4;
	v10 =	vld [tilespmem:s28+$0x70];
	v7 =	vmin.f32 v7, $1.228700000e+04  }
0x185: {  	v8 =	vadd.f32 $6.144000000e+03, v8;
	[tilespmem:v5+s16+$0x0] =	vst.idx.add.f32.msk $0xffff, v1;
	v5 =	vtrunc.f32 v7;
	v7 =	vmul.f32 $5.120000000e+02, v9  }
0x186: {  	v4 =	vcvt.f32.s32 v4;
	v11 =	vmul.u32 $0x3000, v14;
	v9 =	vld [tilespmem:s29+$0x470];
	v5 =	vcvt.f32.s32 v5  }
0x187: {  	[tilespmem:v6+s16+$0x0] =	vst.idx.add.f32.msk $0xffff, v1;
	v6 =	vadd.f32 $6.144000000e+03, v7;
	v7 =	vmax.f32 v8, $0.0e+00  }
0x188: {  	v3 =	vadd.s32 v4, v3;
	v8 =	vld [tilespmem:s29+$0x70];
	v5 =	vadd.s32 v5, v11;
	v7 =	vmin.f32 v7, $1.228700000e+04  }
0x189: {  	v11 =	vld [tilespmem:s26+$0x8070];
	v4 =	vmax.f32 v6, $0.0e+00;
	v6 =	vtrunc.f32 v7;
	v7 =	vmul.f32 $5.120000000e+02, v10  }
0x18a: {  	v10 =	vmul.u32 $0x3000, v12;
	v6 =	vcvt.f32.s32 v6  }
0x18b: {  	v4 =	vmin.f32 v4, $1.228700000e+04;
	v9 =	vmul.f32 $5.120000000e+02, v9;
	v7 =	vadd.f32 $6.144000000e+03, v7  }
0x18c: {  	v4 =	vtrunc.f32 v4;
	v6 =	vadd.s32 v6, v10;
	v10 =	vld [tilespmem:s28+$0x8070]  }
0x18d: {  	v12 =	vld [tilespmem:s29+$0x8470];
	v9 =	vadd.f32 $6.144000000e+03, v9;
	v8 =	vmul.f32 $5.120000000e+02, v8;
	v7 =	vmax.f32 v7, $0.0e+00  }
0x18e: {  	v4 =	vcvt.f32.s32 v4;
	v11 =	vmul.u32 $0x3000, v11;
	v7 =	vmin.f32 v7, $1.228700000e+04  }
0x18f: {  	v13 =	vld [tilespmem:s29+$0x8070];
	v9 =	vmax.f32 v9, $0.0e+00;
	v8 =	vadd.f32 $6.144000000e+03, v8;
	v7 =	vtrunc.f32 v7  }
0x190: {  	v4 =	vadd.s32 v4, v11;
	v9 =	vmin.f32 v9, $1.228700000e+04;
	v7 =	vcvt.f32.s32 v7  }
0x191: {  	v9 =	vtrunc.f32 v9;
	v8 =	vmax.f32 v8, $0.0e+00;
	v10 =	vmul.u32 $0x3000, v10  }
0x192: {  	v11 =	vmul.u32 $0x3000, v12;
	v9 =	vcvt.f32.s32 v9;
	v8 =	vmin.f32 v8, $1.228700000e+04  }
0x193: {  	[tilespmem:v5+s17+$0x0] =	vst.idx.add.f32.msk $0xffff, v1;
	v8 =	vtrunc.f32 v8;
	v5 =	vadd.s32 v7, v10  }
0x194: {  	[tilespmem:v2+s17+$0x0] =	vst.idx.add.f32.msk $0xffff, v1;
	v2 =	vadd.s32 v9, v11;
	v9 =	vmul.u32 $0x3000, v13;
	v8 =	vcvt.f32.s32 v8;
	_ =	sdelay $0x1  }
0x195: {  	[tilespmem:v3+s17+$0x0] =	vst.idx.add.f32.msk $0xffff, v1;
	v3 =	vadd.s32 v8, v9  }
0x196: {  	[tilespmem:v6+s17+$0x0] =	vst.idx.add.f32.msk $0xffff, v1  }
0x197: {  	[tilespmem:v4+s17+$0x0] =	vst.idx.add.f32.msk $0xffff, v1  }
0x198: {  	p0 =	seq.s32 s24, $0x7;
	[tilespmem:v5+s17+$0x0] =	vst.idx.add.f32.msk $0xffff, v1  }
0x199: {  	s0 =	sadd.s32 @!p0 s25, s7;
	[tilespmem:v2+s17+$0x0] =	vst.idx.add.f32.msk $0xffff, v1  }
0x19a: {  	s11 =	simm.s32 @!p0 $0x0;
	s2 =	sadd.s32 @!p0 s1, s0;
	[tilespmem:v3+s17+$0x0] =	vst.idx.add.f32.msk $0xffff, v1  }
0x19b: {  	[tilespmem:s11], [sflag:$0x1] =	stream.linear.gather @!p0 [hbm4b:s2+s11], $0x4000, $0x38;
	[tilespmem:$0x1C000] =	vst v63  }
0x19c: {  	s0 =	sadd.s32 @!p0 s3, s0;
	s2 =	simm.s32 @!p0 $0x8000  }
0x19d: {  	[tilespmem:s2], [sflag:$0x3] =	stream.linear.gather @!p0 [hbm4b:s0+s11], $0x4000, $0x38;
	[tilespmem:$0x1C000] =	vst v63  }
0x19e: {  	_ =	swait.ge [sflag:s18], $0x4000  }
0x19f: {  	s25 =	simm.s32 $0x0;
	[sflag:s18] =	ssyncset.done $0x0  }
0x1a0: {  	s26 =	simm.s32 $0x0;
	s11 =	simm.s32 $0x0;
	[sflag:s18] =	ssyncadd.s32 $0xFFFFC000  }
0x1a1: {  	s2 =	sand.u32 $0x3000, s25;
	s0 =	sand.u32 $0x800, s11;
	_ =	swait.ge [sflag:s19], $0x4000  }
0x1a2: {  	s31 =	sand.u32 $0x380, s26;
	s0 =	sor.u32 s0, s2;
	[sflag:s19] =	ssyncset.done $0x0  }
0x1a3: {  	s28 =	sor.u32 s31, s0;
	[sflag:s19] =	ssyncadd.s32 $0xFFFFC000  }
0x1a4: {  	v2 =	vld [tilespmem:s28+$0x4400];
	_ =	sdelay $0x4  }
0x1a5: {  	v2 =	vmul.f32 $5.120000000e+02, v2;
	_ =	sdelay $0x1  }
0x1a6: {  	v3 =	vld [tilespmem:s28+$0xC400];
	v2 =	vadd.f32 $6.144000000e+03, v2;
	_ =	sdelay $0x1  }
0x1a7: {  	v2 =	vmax.f32 v2, $0.0e+00  }
0x1a8: {  	v2 =	vmin.f32 v2, $1.228700000e+04  }
0x1a9: {  	v2 =	vtrunc.f32 v2  }
0x1aa: {  	v3 =	vmul.u32 $0x3000, v3;
	v2 =	vcvt.f32.s32 v2;
	_ =	sdelay $0x1  }
0x1ab: {  	v2 =	vadd.s32 v2, v3;
	_ =	sdelay $0x4  }
0x1ac: {  	[tilespmem:v2+s16+$0x0] =	vst.idx.add.f32.msk $0xffff, v1  }
0x1ad: {  	v2 =	vld [tilespmem:s28+$0x4410];
	_ =	sdelay $0x4  }
0x1ae: {  	v2 =	vmul.f32 $5.120000000e+02, v2;
	_ =	sdelay $0x1  }
0x1af: {  	v3 =	vld [tilespmem:s28+$0xC410];
	v2 =	vadd.f32 $6.144000000e+03, v2;
	_ =	sdelay $0x1  }
0x1b0: {  	v4 =	vld [tilespmem:s28+$0x4000];
	v2 =	vmax.f32 v2, $0.0e+00  }
0x1b1: {  	v2 =	vmin.f32 v2, $1.228700000e+04  }
0x1b2: {  	v2 =	vtrunc.f32 v2  }
0x1b3: {  	v3 =	vmul.u32 $0x3000, v3;
	v2 =	vcvt.f32.s32 v2;
	_ =	sdelay $0x1  }
0x1b4: {  	v4 =	vmul.f32 $5.120000000e+02, v4;
	v2 =	vadd.s32 v2, v3;
	_ =	sdelay $0x1  }
0x1b5: {  	v4 =	vadd.f32 $6.144000000e+03, v4;
	v3 =	vld [tilespmem:s28+$0xC000];
	_ =	sdelay $0x1  }
0x1b6: {  	v4 =	vmax.f32 v4, $0.0e+00  }
0x1b7: {  	v4 =	vmin.f32 v4, $1.228700000e+04;
	[tilespmem:v2+s17+$0x0] =	vst.idx.add.f32.msk $0xffff, v1  }
0x1b8: {  	v2 =	vtrunc.f32 v4;
	v4 =	vld [tilespmem:s28+$0x4420]  }
0x1b9: {  	v3 =	vmul.u32 $0x3000, v3;
	v2 =	vcvt.f32.s32 v2  }
0x1ba: {  	s25 =	simm.s32 $0x800;
	s11 =	simm.s32 $0x100  }
0x1bb: {  	s26 =	simm.s32 $0x40;
	s2 =	sand.u32 $0x800, s25;
	s0 =	sand.u32 $0x3000, s11;
	v2 =	vadd.s32 v2, v3  }
0x1bc: {  	s31 =	sand.u32 $0x380, s26;
	s0 =	sor.u32 s2, s0  }
0x1bd: {  	s29 =	sor.u32 s31, s0;
	v3 =	vmul.f32 $5.120000000e+02, v4  }
0x1be: {  	v4 =	vld [tilespmem:s29+$0x4400]  }
0x1bf: {  	v5 =	vld [tilespmem:s28+$0xC420];
	v3 =	vadd.f32 $6.144000000e+03, v3  }
0x1c0: {  	[tilespmem:v2+s16+$0x0] =	vst.idx.add.f32.msk $0xffff, v1  }
0x1c1: {  	v2 =	vld [tilespmem:s28+$0x4010];
	v3 =	vmax.f32 v3, $0.0e+00  }
0x1c2: {  	v3 =	vmin.f32 v3, $1.228700000e+04  }
0x1c3: {  	v4 =	vmul.f32 $5.120000000e+02, v4;
	v3 =	vtrunc.f32 v3  }
0x1c4: {  	v5 =	vmul.u32 $0x3000, v5;
	v3 =	vcvt.f32.s32 v3  }
0x1c5: {  	v6 =	vld [tilespmem:s29+$0xC400];
	v4 =	vadd.f32 $6.144000000e+03, v4  }
0x1c6: {  	v2 =	vmul.f32 $5.120000000e+02, v2;
	v3 =	vadd.s32 v3, v5  }
0x1c7: {  	v4 =	vmax.f32 v4, $0.0e+00  }
0x1c8: {  	v5 =	vld [tilespmem:s28+$0xC010];
	v2 =	vadd.f32 $6.144000000e+03, v2;
	v4 =	vmin.f32 v4, $1.228700000e+04  }
0x1c9: {  	v4 =	vtrunc.f32 v4  }
0x1ca: {  	v6 =	vmul.u32 $0x3000, v6;
	v2 =	vmax.f32 v2, $0.0e+00;
	v4 =	vcvt.f32.s32 v4  }
0x1cb: {  	v2 =	vmin.f32 v2, $1.228700000e+04;
	[tilespmem:v3+s16+$0x0] =	vst.idx.add.f32.msk $0xffff, v1  }
0x1cc: {  	v2 =	vtrunc.f32 v2;
	v3 =	vadd.s32 v4, v6;
	v4 =	vld [tilespmem:s28+$0x4430]  }
0x1cd: {  	v5 =	vmul.u32 $0x3000, v5;
	v2 =	vcvt.f32.s32 v2;
	_ =	sdelay $0x1  }
0x1ce: {  	v2 =	vadd.s32 v2, v5;
	v5 =	vld [tilespmem:s29+$0x4000];
	_ =	sdelay $0x1  }
0x1cf: {  	[tilespmem:v3+s16+$0x0] =	vst.idx.add.f32.msk $0xffff, v1;
	v3 =	vmul.f32 $5.120000000e+02, v4  }
0x1d0: {  	v4 =	vld [tilespmem:s29+$0x4410]  }
0x1d1: {  	v6 =	vld [tilespmem:s28+$0xC430];
	v3 =	vadd.f32 $6.144000000e+03, v3  }
0x1d2: {  	[tilespmem:v2+s17+$0x0] =	vst.idx.add.f32.msk $0xffff, v1;
	v2 =	vmul.f32 $5.120000000e+02, v5  }
0x1d3: {  	v5 =	vld [tilespmem:s28+$0x4020];
	v3 =	vmax.f32 v3, $0.0e+00  }
0x1d4: {  	v7 =	vld [tilespmem:s29+$0xC000];
	v2 =	vadd.f32 $6.144000000e+03, v2;
	v3 =	vmin.f32 v3, $1.228700000e+04  }
0x1d5: {  	v4 =	vmul.f32 $5.120000000e+02, v4;
	v3 =	vtrunc.f32 v3  }
0x1d6: {  	v6 =	vmul.u32 $0x3000, v6;
	v2 =	vmax.f32 v2, $0.0e+00;
	v3 =	vcvt.f32.s32 v3  }
0x1d7: {  	v8 =	vld [tilespmem:s29+$0xC410];
	v2 =	vmin.f32 v2, $1.228700000e+04;
	v4 =	vadd.f32 $6.144000000e+03, v4  }
0x1d8: {  	v5 =	vmul.f32 $5.120000000e+02, v5;
	v2 =	vtrunc.f32 v2;
	v3 =	vadd.s32 v3, v6  }
0x1d9: {  	v6 =	vmul.u32 $0x3000, v7;
	v2 =	vcvt.f32.s32 v2;
	v4 =	vmax.f32 v4, $0.0e+00  }
0x1da: {  	v7 =	vld [tilespmem:s28+$0xC020];
	v5 =	vadd.f32 $6.144000000e+03, v5;
	v4 =	vmin.f32 v4, $1.228700000e+04  }
0x1db: {  	v2 =	vadd.s32 v2, v6;
	v4 =	vtrunc.f32 v4  }
0x1dc: {  	v6 =	vmul.u32 $0x3000, v8;
	v5 =	vmax.f32 v5, $0.0e+00;
	v4 =	vcvt.f32.s32 v4  }
0x1dd: {  	v5 =	vmin.f32 v5, $1.228700000e+04;
	[tilespmem:v3+s17+$0x0] =	vst.idx.add.f32.msk $0xffff, v1  }
0x1de: {  	v3 =	vtrunc.f32 v5;
	v4 =	vadd.s32 v4, v6;
	v5 =	vld [tilespmem:s28+$0x4440]  }
0x1df: {  	v6 =	vmul.u32 $0x3000, v7;
	v3 =	vcvt.f32.s32 v3  }
0x1e0: {  	[tilespmem:v2+s16+$0x0] =	vst.idx.add.f32.msk $0xffff, v1  }
0x1e1: {  	v2 =	vadd.s32 v3, v6;
	v3 =	vld [tilespmem:s29+$0x4010];
	_ =	sdelay $0x1  }
0x1e2: {  	[tilespmem:v4+s17+$0x0] =	vst.idx.add.f32.msk $0xffff, v1;
	v4 =	vmul.f32 $5.120000000e+02, v5  }
0x1e3: {  	v5 =	vld [tilespmem:s29+$0x4420]  }
0x1e4: {  	s25 =	simm.s32 $0x1000;
	s11 =	simm.s32 $0x200;
	v6 =	vld [tilespmem:s28+$0xC440];
	v4 =	vadd.f32 $6.144000000e+03, v4  }
0x1e5: {  	s26 =	simm.s32 $0x80;
	s2 =	sand.u32 $0x800, s25;
	s0 =	sand.u32 $0x3000, s11;
	[tilespmem:v2+s16+$0x0] =	vst.idx.add.f32.msk $0xffff, v1;
	v2 =	vmul.f32 $5.120000000e+02, v3  }
0x1e6: {  	s31 =	sand.u32 $0x380, s26;
	s0 =	sor.u32 s2, s0;
	v3 =	vld [tilespmem:s28+$0x4030];
	v4 =	vmax.f32 v4, $0.0e+00  }
0x1e7: {  	s25 =	sor.u32 s31, s0;
	v7 =	vld [tilespmem:s29+$0xC010];
	v2 =	vadd.f32 $6.144000000e+03, v2;
	v4 =	vmin.f32 v4, $1.228700000e+04  }
0x1e8: {  	v8 =	vld [tilespmem:s25+$0x4400];
	v5 =	vmul.f32 $5.120000000e+02, v5;
	v4 =	vtrunc.f32 v4  }
0x1e9: {  	v6 =	vmul.u32 $0x3000, v6;
	v2 =	vmax.f32 v2, $0.0e+00;
	v4 =	vcvt.f32.s32 v4  }
0x1ea: {  	v9 =	vld [tilespmem:s29+$0xC420];
	v2 =	vmin.f32 v2, $1.228700000e+04;
	v5 =	vadd.f32 $6.144000000e+03, v5  }
0x1eb: {  	v3 =	vmul.f32 $5.120000000e+02, v3;
	v2 =	vtrunc.f32 v2;
	v4 =	vadd.s32 v4, v6  }
0x1ec: {  	v6 =	vmul.u32 $0x3000, v7;
	v2 =	vcvt.f32.s32 v2;
	v5 =	vmax.f32 v5, $0.0e+00  }
0x1ed: {  	v8 =	vmul.f32 $5.120000000e+02, v8;
	v7 =	vld [tilespmem:s28+$0xC030];
	v5 =	vmin.f32 v5, $1.228700000e+04  }
0x1ee: {  	v3 =	vadd.f32 $6.144000000e+03, v3;
	v2 =	vadd.s32 v2, v6;
	v6 =	vld [tilespmem:s25+$0x4000];
	v5 =	vtrunc.f32 v5  }
0x1ef: {  	v10 =	vld [tilespmem:s25+$0xC400];
	v9 =	vmul.u32 $0x3000, v9;
	v5 =	vcvt.f32.s32 v5  }
0x1f0: {  	v8 =	vadd.f32 $6.144000000e+03, v8;
	v3 =	vmax.f32 v3, $0.0e+00;
	[tilespmem:v4+s16+$0x0] =	vst.idx.add.f32.msk $0xffff, v1  }
0x1f1: {  	v3 =	vmin.f32 v3, $1.228700000e+04;
	v4 =	vadd.s32 v5, v9;
	v5 =	vld [tilespmem:s28+$0x4450]  }
0x1f2: {  	v8 =	vmax.f32 v8, $0.0e+00;
	v3 =	vtrunc.f32 v3;
	v7 =	vmul.u32 $0x3000, v7  }
0x1f3: {  	v3 =	vcvt.f32.s32 v3;
	[tilespmem:v2+s17+$0x0] =	vst.idx.add.f32.msk $0xffff, v1;
	v2 =	vmul.f32 $5.120000000e+02, v6;
	v6 =	vmin.f32 v8, $1.228700000e+04  }
0x1f4: {  	v9 =	vmul.u32 $0x3000, v10;
	v8 =	vld [tilespmem:s29+$0x4020];
	v6 =	vtrunc.f32 v6  }
0x1f5: {  	v3 =	vadd.s32 v3, v7;
	v7 =	vld [tilespmem:s25+$0xC000];
	v2 =	vadd.f32 $6.144000000e+03, v2;
	v6 =	vcvt.f32.s32 v6  }
0x1f6: {  	[tilespmem:v4+s16+$0x0] =	vst.idx.add.f32.msk $0xffff, v1;
	v4 =	vmul.f32 $5.120000000e+02, v5  }
0x1f7: {  	v2 =	vmax.f32 v2, $0.0e+00;
	v5 =	vadd.s32 v6, v9;
	v6 =	vld [tilespmem:s29+$0x4430]  }
0x1f8: {  	v9 =	vld [tilespmem:s28+$0xC450];
	v2 =	vmin.f32 v2, $1.228700000e+04;
	v4 =	vadd.f32 $6.144000000e+03, v4  }
0x1f9: {  	v10 =	vld [tilespmem:s29+$0xC020];
	v2 =	vtrunc.f32 v2  }
0x1fa: {  	[tilespmem:v3+s17+$0x0] =	vst.idx.add.f32.msk $0xffff, v1;
	v3 =	vmul.u32 $0x3000, v7;
	v2 =	vcvt.f32.s32 v2;
	v4 =	vmax.f32 v4, $0.0e+00  }
0x1fb: {  	v7 =	vmul.f32 $5.120000000e+02, v8;
	v8 =	vld [tilespmem:s28+$0x4040];
	v4 =	vmin.f32 v4, $1.228700000e+04  }
0x1fc: {  	v2 =	vadd.s32 v2, v3;
	[tilespmem:v5+s16+$0x0] =	vst.idx.add.f32.msk $0xffff, v1;
	v3 =	vmul.f32 $5.120000000e+02, v6;
	v4 =	vtrunc.f32 v4  }
0x1fd: {  	v5 =	vadd.f32 $6.144000000e+03, v7;
	v7 =	vmul.u32 $0x3000, v9;
	v9 =	vld [tilespmem:s29+$0xC430];
	v4 =	vcvt.f32.s32 v4  }
0x1fe: {  	v6 =	vld [tilespmem:s25+$0x4410];
	v3 =	vadd.f32 $6.144000000e+03, v3  }
0x1ff: {  	v5 =	vmax.f32 v5, $0.0e+00;
	v4 =	vadd.s32 v4, v7  }
0x200: {  	v5 =	vmin.f32 v5, $1.228700000e+04;
	v8 =	vmul.f32 $5.120000000e+02, v8;
	v7 =	vld [tilespmem:s28+$0xC040];
	v3 =	vmax.f32 v3, $0.0e+00  }
0x201: {  	v10 =	vmul.u32 $0x3000, v10;
	v5 =	vtrunc.f32 v5;
	[tilespmem:v2+s16+$0x0] =	vst.idx.add.f32.msk $0xffff, v1;
	v2 =	vmin.f32 v3, $1.228700000e+04  }
0x202: {  	v3 =	vcvt.f32.s32 v5;
	v5 =	vadd.f32 $6.144000000e+03, v8;
	v8 =	vld [tilespmem:s25+$0x4010];
	v2 =	vtrunc.f32 v2  }
0x203: {  	s11 =	simm.s32 $0x1800;
	s2 =	simm.s32 $0x300;
	v11 =	vld [tilespmem:s25+$0xC410];
	v9 =	vmul.u32 $0x3000, v9;
	v6 =	vmul.f32 $5.120000000e+02, v6;
	v2 =	vcvt.f32.s32 v2  }
0x204: {  	s26 =	simm.s32 $0xC0;
	s0 =	sand.u32 $0x3000, s2;
	s2 =	sand.u32 $0x800, s11;
	v3 =	vadd.s32 v3, v10;
	v5 =	vmax.f32 v5, $0.0e+00;
	[tilespmem:v4+s17+$0x0] =	vst.idx.add.f32.msk $0xffff, v1  }
0x205: {  	s31 =	sand.u32 $0x380, s26;
	s0 =	sor.u32 s2, s0;
	v4 =	vmin.f32 v5, $1.228700000e+04;
	v5 =	vadd.f32 $6.144000000e+03, v6;
	v2 =	vadd.s32 v2, v9;
	v6 =	vld [tilespmem:s28+$0x4460]  }
0x206: {  	s26 =	sor.u32 s31, s0;
	v7 =	vmul.u32 $0x3000, v7;
	v4 =	vtrunc.f32 v4  }
0x207: {  	v14 =	vld [tilespmem:s26+$0xC400];
	v4 =	vcvt.f32.s32 v4;
	v8 =	vmul.f32 $5.120000000e+02, v8;
	v5 =	vmax.f32 v5, $0.0e+00  }
0x208: {  	v9 =	vld [tilespmem:s25+$0xC010];
	v5 =	vmin.f32 v5, $1.228700000e+04  }
0x209: {  	[tilespmem:v3+s16+$0x0] =	vst.idx.add.f32.msk $0xffff, v1;
	v4 =	vadd.s32 v4, v7;
	v3 =	vadd.f32 $6.144000000e+03, v8;
	v5 =	vtrunc.f32 v5  }
0x20a: {  	v7 =	vmul.u32 $0x3000, v11;
	v5 =	vcvt.f32.s32 v5;
	[tilespmem:v2+s17+$0x0] =	vst.idx.add.f32.msk $0xffff, v1;
	v2 =	vmul.f32 $5.120000000e+02, v6  }
0x20b: {  	v3 =	vmax.f32 v3, $0.0e+00;
	v6 =	vld [tilespmem:s29+$0x4440]  }
0x20c: {  	v3 =	vmin.f32 v3, $1.228700000e+04;
	v5 =	vadd.s32 v5, v7;
	v7 =	vld [tilespmem:s28+$0xC460];
	v2 =	vadd.f32 $6.144000000e+03, v2  }
0x20d: {  	v8 =	vld [tilespmem:s29+$0x4030];
	v3 =	vtrunc.f32 v3  }
0x20e: {  	v10 =	vld [tilespmem:s29+$0xC030];
	v9 =	vmul.u32 $0x3000, v9;
	v3 =	vcvt.f32.s32 v3;
	v2 =	vmax.f32 v2, $0.0e+00  }
0x20f: {  	[tilespmem:v4+s16+$0x0] =	vst.idx.add.f32.msk $0xffff, v1;
	v2 =	vmin.f32 v2, $1.228700000e+04  }
0x210: {  	v4 =	vld [tilespmem:s28+$0x4050];
	v3 =	vadd.s32 v3, v9;
	v2 =	vtrunc.f32 v2  }
0x211: {  	[tilespmem:v5+s17+$0x0] =	vst.idx.add.f32.msk $0xffff, v1;
	v5 =	vmul.f32 $5.120000000e+02, v6;
	v6 =	vmul.u32 $0x3000, v7;
	v2 =	vcvt.f32.s32 v2  }
0x212: {  	v7 =	vld [tilespmem:s25+$0x4420]  }
0x213: {  	v8 =	vmul.f32 $5.120000000e+02, v8;
	v9 =	vld [tilespmem:s29+$0xC440];
	v5 =	vadd.f32 $6.144000000e+03, v5;
	v2 =	vadd.s32 v2, v6  }
0x214: {  	v11 =	vld [tilespmem:s26+$0x4400]  }
0x215: {  	v8 =	vadd.f32 $6.144000000e+03, v8;
	[tilespmem:v3+s17+$0x0] =	vst.idx.add.f32.msk $0xffff, v1;
	v3 =	vmax.f32 v5, $0.0e+00  }
0x216: {  	v14 =	vmul.u32 $0x3000, v14;
	v6 =	vld [tilespmem:s28+$0xC050];
	v4 =	vmul.f32 $5.120000000e+02, v4;
	v3 =	vmin.f32 v3, $1.228700000e+04  }
0x217: {  	v8 =	vmax.f32 v8, $0.0e+00;
	v5 =	vld [tilespmem:s25+$0x4020];
	v3 =	vtrunc.f32 v3;
	v7 =	vmul.f32 $5.120000000e+02, v7  }
0x218: {  	v8 =	vmin.f32 v8, $1.228700000e+04;
	v9 =	vmul.u32 $0x3000, v9;
	v3 =	vcvt.f32.s32 v3;
	[tilespmem:v2+s16+$0x0] =	vst.idx.add.f32.msk $0xffff, v1  }
0x219: {  	v2 =	vadd.f32 $6.144000000e+03, v4;
	v4 =	vtrunc.f32 v8;
	v8 =	vld [tilespmem:s25+$0xC420];
	v7 =	vadd.f32 $6.144000000e+03, v7  }
0x21a: {  	v10 =	vmul.u32 $0x3000, v10;
	v4 =	vcvt.f32.s32 v4;
	v12 =	vld [tilespmem:s28+$0x4470];
	v3 =	vadd.s32 v3, v9  }
0x21b: {  	v11 =	vmul.f32 $5.120000000e+02, v11;
	v2 =	vmax.f32 v2, $0.0e+00;
	v7 =	vmax.f32 v7, $0.0e+00  }
0x21c: {  	v5 =	vmul.f32 $5.120000000e+02, v5;
	v4 =	vadd.s32 v4, v10;
	v10 =	vld [tilespmem:s26+$0x4000];
	v7 =	vmin.f32 v7, $1.228700000e+04  }
0x21d: {  	v13 =	vld [tilespmem:s26+$0xC000];
	v11 =	vadd.f32 $6.144000000e+03, v11;
	v2 =	vmin.f32 v2, $1.228700000e+04;
	v7 =	vtrunc.f32 v7  }
0x21e: {  	v9 =	vld [tilespmem:s25+$0xC020];
	v5 =	vadd.f32 $6.144000000e+03, v5;
	v7 =	vcvt.f32.s32 v7;
	v8 =	vmul.u32 $0x3000, v8  }
0x21f: {  	v6 =	vmul.u32 $0x3000, v6;
	v2 =	vtrunc.f32 v2;
	v12 =	vmul.f32 $5.120000000e+02, v12;
	[tilespmem:v3+s16+$0x0] =	vst.idx.add.f32.msk $0xffff, v1  }
0x220: {  	v2 =	vcvt.f32.s32 v2;
	v3 =	vmax.f32 v5, $0.0e+00;
	v5 =	vadd.s32 v7, v8;
	v7 =	vld [tilespmem:s29+$0x4450]  }
0x221: {  	[tilespmem:v4+s17+$0x0] =	vst.idx.add.f32.msk $0xffff, v1;
	v4 =	vmul.f32 $5.120000000e+02, v10;
	v8 =	vadd.f32 $6.144000000e+03, v12;
	v10 =	vmax.f32 v11, $0.0e+00  }
0x222: {  	v13 =	vmul.u32 $0x3000, v13;
	v2 =	vadd.s32 v2, v6;
	v6 =	vld [tilespmem:s28+$0xC470];
	v10 =	vmin.f32 v10, $1.228700000e+04  }
0x223: {  	v11 =	vld [tilespmem:s29+$0x4040];
	v4 =	vadd.f32 $6.144000000e+03, v4;
	v8 =	vmax.f32 v8, $0.0e+00;
	v10 =	vtrunc.f32 v10  }
0x224: {  	v3 =	vmin.f32 v3, $1.228700000e+04;
	v12 =	vld [tilespmem:s29+$0xC040];
	v8 =	vmin.f32 v8, $1.228700000e+04;
	v10 =	vcvt.f32.s32 v10  }
0x225: {  	v8 =	vtrunc.f32 v8;
	v4 =	vmax.f32 v4, $0.0e+00;
	[tilespmem:v5+s16+$0x0] =	vst.idx.add.f32.msk $0xffff, v1;
	v5 =	vmul.f32 $5.120000000e+02, v7  }
0x226: {  	v7 =	vcvt.f32.s32 v8;
	v4 =	vmin.f32 v4, $1.228700000e+04;
	v8 =	vadd.s32 v10, v14;
	v10 =	vld [tilespmem:s25+$0x4430]  }
0x227: {  	v6 =	vmul.u32 $0x3000, v6;
	v14 =	vld [tilespmem:s29+$0xC450];
	v4 =	vtrunc.f32 v4;
	v5 =	vadd.f32 $6.144000000e+03, v5  }
0x228: {  	v9 =	vmul.u32 $0x3000, v9;
	v3 =	vtrunc.f32 v3;
	[tilespmem:v2+s17+$0x0] =	vst.idx.add.f32.msk $0xffff, v1;
	v2 =	vcvt.f32.s32 v4  }
0x229: {  	v4 =	vld [tilespmem:s28+$0x4060];
	v6 =	vadd.s32 v7, v6;
	v7 =	vmul.f32 $5.120000000e+02, v11;
	v5 =	vmax.f32 v5, $0.0e+00  }
0x22a: {  	v3 =	vcvt.f32.s32 v3;
	v11 =	vld [tilespmem:s28+$0xC060];
	v2 =	vadd.s32 v2, v13;
	v5 =	vmin.f32 v5, $1.228700000e+04  }
0x22b: {  	v7 =	vadd.f32 $6.144000000e+03, v7;
	[tilespmem:v8+s16+$0x0] =	vst.idx.add.f32.msk $0xffff, v1;
	v8 =	vmul.f32 $5.120000000e+02, v10;
	v5 =	vtrunc.f32 v5  }
0x22c: {  	v3 =	vadd.s32 v3, v9;
	v13 =	vmul.u32 $0x3000, v14;
	v10 =	vld [tilespmem:s26+$0x4410];
	v5 =	vcvt.f32.s32 v5  }
0x22d: {  	v14 =	vld [tilespmem:s25+$0xC430];
	v7 =	vmax.f32 v7, $0.0e+00;
	v8 =	vadd.f32 $6.144000000e+03, v8  }
0x22e: {  	[tilespmem:v6+s17+$0x0] =	vst.idx.add.f32.msk $0xffff, v1;
	v6 =	vmin.f32 v7, $1.228700000e+04;
	v5 =	vadd.s32 v5, v13  }
0x22f: {  	v4 =	vmul.f32 $5.120000000e+02, v4;
	v6 =	vtrunc.f32 v6;
	[tilespmem:v2+s16+$0x0] =	vst.idx.add.f32.msk $0xffff, v1;
	v2 =	vmax.f32 v8, $0.0e+00  }
0x230: {  	v7 =	vmul.u32 $0x3000, v12;
	v6 =	vcvt.f32.s32 v6;
	v8 =	vld [tilespmem:s26+$0x4010];
	v2 =	vmin.f32 v2, $1.228700000e+04  }
0x231: {  	[tilespmem:v3+s16+$0x0] =	vst.idx.add.f32.msk $0xffff, v1;
	v4 =	vadd.f32 $6.144000000e+03, v4;
	v2 =	vtrunc.f32 v2;
	v10 =	vmul.f32 $5.120000000e+02, v10  }
0x232: {  	v12 =	vld [tilespmem:s26+$0xC410];
	v13 =	vmul.u32 $0x3000, v14;
	v2 =	vcvt.f32.s32 v2  }
0x233: {  	v4 =	vmax.f32 v4, $0.0e+00;
	v6 =	vadd.s32 v6, v7;
	[tilespmem:v5+s17+$0x0] =	vst.idx.add.f32.msk $0xffff, v1;
	v5 =	vadd.f32 $6.144000000e+03, v10  }
0x234: {  	v9 =	vld [tilespmem:s26+$0xC010];
	v4 =	vmin.f32 v4, $1.228700000e+04;
	v2 =	vadd.s32 v2, v13  }
0x235: {  	v3 =	vtrunc.f32 v4;
	v7 =	vld [tilespmem:s29+$0x4460];
	v4 =	vmul.f32 $5.120000000e+02, v8;
	v5 =	vmax.f32 v5, $0.0e+00  }
0x236: {  	v10 =	vmul.u32 $0x3000, v11;
	v11 =	vld [tilespmem:s25+$0xC030];
	v5 =	vmin.f32 v5, $1.228700000e+04  }
0x237: {  	v3 =	vcvt.f32.s32 v3;
	v8 =	vld [tilespmem:s25+$0x4030];
	v4 =	vadd.f32 $6.144000000e+03, v4;
	v5 =	vtrunc.f32 v5  }
0x238: {  	[tilespmem:v6+s16+$0x0] =	vst.idx.add.f32.msk $0xffff, v1;
	v6 =	vmul.u32 $0x3000, v12;
	v5 =	vcvt.f32.s32 v5  }
0x239: {  	v3 =	vadd.s32 v3, v10;
	[tilespmem:v2+s17+$0x0] =	vst.idx.add.f32.msk $0xffff, v1;
	v4 =	vmax.f32 v4, $0.0e+00  }
0x23a: {  	v2 =	vmul.f32 $5.120000000e+02, v7;
	v7 =	vld [tilespmem:s25+$0x4440];
	v4 =	vmin.f32 v4, $1.228700000e+04;
	v5 =	vadd.s32 v5, v6  }
0x23b: {  	v10 =	vld [tilespmem:s29+$0x4050];
	v4 =	vtrunc.f32 v4  }
0x23c: {  	v9 =	vmul.u32 $0x3000, v9;
	v6 =	vld [tilespmem:s29+$0xC460];
	v2 =	vadd.f32 $6.144000000e+03, v2;
	v4 =	vcvt.f32.s32 v4  }
0x23d: {  	v12 =	vld [tilespmem:s29+$0xC050]  }
0x23e: {  	[tilespmem:v3+s16+$0x0] =	vst.idx.add.f32.msk $0xffff, v1;
	v3 =	vmul.f32 $5.120000000e+02, v8;
	v2 =	vmax.f32 v2, $0.0e+00;
	v4 =	vadd.s32 v4, v9  }
0x23f: {  	v2 =	vmin.f32 v2, $1.228700000e+04;
	[tilespmem:v5+s17+$0x0] =	vst.idx.add.f32.msk $0xffff, v1;
	v5 =	vmul.f32 $5.120000000e+02, v7  }
0x240: {  	v10 =	vmul.f32 $5.120000000e+02, v10;
	v3 =	vadd.f32 $6.144000000e+03, v3;
	v9 =	vld [tilespmem:s25+$0xC440];
	v2 =	vtrunc.f32 v2  }
0x241: {  	v6 =	vmul.u32 $0x3000, v6;
	v2 =	vcvt.f32.s32 v2;
	v7 =	vld [tilespmem:s26+$0x4420];
	v5 =	vadd.f32 $6.144000000e+03, v5  }
0x242: {  	s30 =	simm.s32 $0x2000;
	s2 =	simm.s32 $0x400;
	v8 =	vld [tilespmem:s28+$0x4070];
	v10 =	vadd.f32 $6.144000000e+03, v10  }
0x243: {  	s11 =	sand.u32 $0x800, s30;
	s0 =	sand.u32 $0x3000, s2;
	s31 =	simm.s32 $0x100;
	v3 =	vmax.f32 v3, $0.0e+00;
	v6 =	vadd.s32 v2, v6;
	[tilespmem:v4+s17+$0x0] =	vst.idx.add.f32.msk $0xffff, v1;
	v4 =	vmax.f32 v5, $0.0e+00  }
0x244: {  	s0 =	sor.u32 s11, s0;
	s31 =	sand.u32 $0x380, s31;
	v3 =	vmin.f32 v3, $1.228700000e+04;
	v14 =	vld [tilespmem:s26+$0xC420];
	v4 =	vmin.f32 v4, $1.228700000e+04  }
0x245: {  	v10 =	vmax.f32 v10, $0.0e+00;
	v3 =	vtrunc.f32 v3;
	v2 =	vld [tilespmem:s28+$0xC070];
	s28 =	sor.u32 s31, s0;
	v4 =	vtrunc.f32 v4  }
0x246: {  	v13 =	vld [tilespmem:s28+$0x4400];
	v9 =	vmul.u32 $0x3000, v9;
	v7 =	vmul.f32 $5.120000000e+02, v7;
	v4 =	vcvt.f32.s32 v4  }
0x247: {  	v10 =	vmin.f32 v10, $1.228700000e+04;
	v3 =	vcvt.f32.s32 v3;
	v5 =	vld [tilespmem:s26+$0x4020]  }
0x248: {  	[tilespmem:v6+s16+$0x0] =	vst.idx.add.f32.msk $0xffff, v1;
	v6 =	vmul.u32 $0x3000, v11;
	v7 =	vadd.f32 $6.144000000e+03, v7;
	v4 =	vadd.s32 v4, v9  }
0x249: {  	v11 =	vld [tilespmem:s29+$0x4470];
	v9 =	vtrunc.f32 v10  }
0x24a: {  	v3 =	vadd.s32 v3, v6;
	v6 =	vcvt.f32.s32 v9;
	v9 =	vld [tilespmem:s28+$0x4000];
	v7 =	vmax.f32 v7, $0.0e+00  }
0x24b: {  	v15 =	vld [tilespmem:s28+$0xC000];
	v13 =	vmul.f32 $5.120000000e+02, v13;
	v7 =	vmin.f32 v7, $1.228700000e+04  }
0x24c: {  	v12 =	vmul.u32 $0x3000, v12;
	v16 =	vld [tilespmem:s28+$0xC400];
	v5 =	vmul.f32 $5.120000000e+02, v5;
	v7 =	vtrunc.f32 v7  }
0x24d: {  	v14 =	vmul.u32 $0x3000, v14;
	v13 =	vadd.f32 $6.144000000e+03, v13;
	v7 =	vcvt.f32.s32 v7;
	[tilespmem:v4+s16+$0x0] =	vst.idx.add.f32.msk $0xffff, v1  }
0x24e: {  	v5 =	vadd.f32 $6.144000000e+03, v5;
	v11 =	vmul.f32 $5.120000000e+02, v11;
	v4 =	vadd.s32 v6, v12;
	v6 =	vld [tilespmem:s29+$0xC470]  }
0x24f: {  	v12 =	vmax.f32 v13, $0.0e+00;
	v9 =	vmul.f32 $5.120000000e+02, v9;
	v7 =	vadd.s32 v7, v14;
	v13 =	vld [tilespmem:s25+$0x4450]  }
0x250: {  	[tilespmem:v3+s17+$0x0] =	vst.idx.add.f32.msk $0xffff, v1;
	v3 =	vmax.f32 v5, $0.0e+00;
	v5 =	vmin.f32 v12, $1.228700000e+04;
	v11 =	vadd.f32 $6.144000000e+03, v11  }
0x251: {  	v10 =	vld [tilespmem:s26+$0xC020];
	v16 =	vmul.u32 $0x3000, v16;
	v5 =	vtrunc.f32 v5;
	v9 =	vadd.f32 $6.144000000e+03, v9  }
0x252: {  	v12 =	vld [tilespmem:s25+$0x4040];
	v3 =	vmin.f32 v3, $1.228700000e+04;
	v5 =	vcvt.f32.s32 v5;
	v11 =	vmax.f32 v11, $0.0e+00  }
0x253: {  	v11 =	vmin.f32 v11, $1.228700000e+04;
	[tilespmem:v4+s17+$0x0] =	vst.idx.add.f32.msk $0xffff, v1;
	v4 =	vmax.f32 v9, $0.0e+00;
	v6 =	vmul.u32 $0x3000, v6  }
0x254: {  	v11 =	vtrunc.f32 v11;
	v4 =	vmin.f32 v4, $1.228700000e+04;
	[tilespmem:v7+s16+$0x0] =	vst.idx.add.f32.msk $0xffff, v1;
	v7 =	vmul.f32 $5.120000000e+02, v13  }
0x255: {  	v14 =	vld [tilespmem:s25+$0xC040];
	v5 =	vadd.s32 v5, v16;
	v9 =	vcvt.f32.s32 v11;
	v4 =	vtrunc.f32 v4  }
0x256: {  	v3 =	vtrunc.f32 v3;
	v11 =	vld [tilespmem:s26+$0x4430];
	v4 =	vcvt.f32.s32 v4  }
0x257: {  	v13 =	vld [tilespmem:s25+$0xC450];
	v7 =	vadd.f32 $6.144000000e+03, v7;
	v6 =	vadd.s32 v9, v6;
	v9 =	vmul.u32 $0x3000, v15  }
0x258: {  	v10 =	vmul.u32 $0x3000, v10;
	v3 =	vcvt.f32.s32 v3;
	v15 =	vld [tilespmem:s29+$0x4060]  }
0x259: {  	v63 =	vld [tilespmem:s29+$0xC060];
	v12 =	vmul.f32 $5.120000000e+02, v12;
	v7 =	vmax.f32 v7, $0.0e+00;
	v4 =	vadd.s32 v4, v9  }
0x25a: {  	v8 =	vmul.f32 $5.120000000e+02, v8;
	v3 =	vadd.s32 v3, v10;
	[tilespmem:v5+s16+$0x0] =	vst.idx.add.f32.msk $0xffff, v1;
	v5 =	vmin.f32 v7, $1.228700000e+04  }
0x25b: {  	v9 =	vadd.f32 $6.144000000e+03, v12;
	v12 =	vld [tilespmem:s26+$0xC430];
	v7 =	vmul.f32 $5.120000000e+02, v11;
	v5 =	vtrunc.f32 v5  }
0x25c: {  	v8 =	vadd.f32 $6.144000000e+03, v8;
	v10 =	vmul.u32 $0x3000, v13;
	v5 =	vcvt.f32.s32 v5;
	[tilespmem:v6+s17+$0x0] =	vst.idx.add.f32.msk $0xffff, v1  }
0x25d: {  	v6 =	vmax.f32 v9, $0.0e+00;
	v9 =	vld [tilespmem:s28+$0x4410];
	v11 =	vmul.f32 $5.120000000e+02, v15;
	v7 =	vadd.f32 $6.144000000e+03, v7  }
0x25e: {  	v8 =	vmax.f32 v8, $0.0e+00;
	v6 =	vmin.f32 v6, $1.228700000e+04;
	[tilespmem:v4+s16+$0x0] =	vst.idx.add.f32.msk $0xffff, v1;
	v4 =	vadd.s32 v5, v10  }
0x25f: {  	v6 =	vtrunc.f32 v6;
	v5 =	vadd.f32 $6.144000000e+03, v11;
	v7 =	vmax.f32 v7, $0.0e+00;
	v10 =	vld [tilespmem:s28+$0x4010]  }
0x260: {  	v13 =	vmul.u32 $0x3000, v14;
	[tilespmem:v3+s16+$0x0] =	vst.idx.add.f32.msk $0xffff, v1;
	v6 =	vcvt.f32.s32 v6;
	v7 =	vmin.f32 v7, $1.228700000e+04  }
0x261: {  	v14 =	vld [tilespmem:s26+$0xC030];
	v12 =	vmul.u32 $0x3000, v12;
	v5 =	vmax.f32 v5, $0.0e+00;
	v3 =	vtrunc.f32 v7  }
0x262: {  	v7 =	vld [tilespmem:s28+$0xC410];
	v6 =	vadd.s32 v6, v13;
	v9 =	vmul.f32 $5.120000000e+02, v9;
	v3 =	vcvt.f32.s32 v3  }
0x263: {  	v8 =	vmin.f32 v8, $1.228700000e+04;
	v5 =	vmin.f32 v5, $1.228700000e+04;
	[tilespmem:v4+s17+$0x0] =	vst.idx.add.f32.msk $0xffff, v1  }
0x264: {  	v9 =	vadd.f32 $6.144000000e+03, v9;
	v3 =	vadd.s32 v3, v12;
	v4 =	vmul.f32 $5.120000000e+02, v10;
	v10 =	vld [tilespmem:s25+$0x4460]  }
0x265: {  	v8 =	vtrunc.f32 v8;
	v2 =	vmul.u32 $0x3000, v2;
	v13 =	vld [tilespmem:s26+$0x4030];
	v5 =	vtrunc.f32 v5  }
0x266: {  	v11 =	vld [tilespmem:s28+$0xC010];
	v12 =	vmul.u32 $0x3000, v63;
	v5 =	vcvt.f32.s32 v5;
	v9 =	vmax.f32 v9, $0.0e+00  }
0x267: {  	v8 =	vcvt.f32.s32 v8;
	v4 =	vadd.f32 $6.144000000e+03, v4;
	v9 =	vmin.f32 v9, $1.228700000e+04;
	[tilespmem:v6+s16+$0x0] =	vst.idx.add.f32.msk $0xffff, v1  }
0x268: {  	v5 =	vadd.s32 v5, v12;
	v7 =	vmul.u32 $0x3000, v7;
	v6 =	vtrunc.f32 v9;
	v12 =	vld [tilespmem:s25+$0x4050]  }
0x269: {  	v4 =	vmax.f32 v4, $0.0e+00;
	v6 =	vcvt.f32.s32 v6;
	[tilespmem:v3+s17+$0x0] =	vst.idx.add.f32.msk $0xffff, v1;
	v3 =	vmul.f32 $5.120000000e+02, v10  }
0x26a: {  	v2 =	vadd.s32 v8, v2;
	v8 =	vmul.f32 $5.120000000e+02, v13;
	v13 =	vld [tilespmem:s25+$0xC460];
	v4 =	vmin.f32 v4, $1.228700000e+04  }
0x26b: {  	v10 =	vld [tilespmem:s26+$0x4440];
	v4 =	vtrunc.f32 v4;
	v6 =	vadd.s32 v6, v7;
	v3 =	vadd.f32 $6.144000000e+03, v3  }
0x26c: {  	v11 =	vmul.u32 $0x3000, v11;
	v8 =	vadd.f32 $6.144000000e+03, v8;
	v7 =	vld [tilespmem:s25+$0xC050];
	v4 =	vcvt.f32.s32 v4  }
0x26d: {  	v9 =	vmul.u32 $0x3000, v14;
	[tilespmem:v5+s16+$0x0] =	vst.idx.add.f32.msk $0xffff, v1;
	v14 =	vmul.f32 $5.120000000e+02, v12;
	v3 =	vmax.f32 v3, $0.0e+00  }
0x26e: {  	v5 =	vmax.f32 v8, $0.0e+00;
	v12 =	vadd.s32 v4, v11;
	v4 =	vld [tilespmem:s29+$0x4070];
	v3 =	vmin.f32 v3, $1.228700000e+04  }
0x26f: {  	v11 =	vmin.f32 v5, $1.228700000e+04;
	v8 =	vadd.f32 $6.144000000e+03, v14;
	v5 =	vtrunc.f32 v3;
	v3 =	vld [tilespmem:s29+$0xC070]  }
0x270: {  	v10 =	vmul.f32 $5.120000000e+02, v10;
	s29 =	simm.s32 $0x8;
	[tilespmem:v6+s17+$0x0] =	vst.idx.add.f32.msk $0xffff, v1;
	v6 =	vmul.u32 $0x3000, v13;
	v5 =	vcvt.f32.s32 v5  }
.LBB2_7:
0x271: {  	s29 =	sadd.s32 $0x2, s29;
	v13 =	vld [tilespmem:s28+$0x4420];
	v11 =	vtrunc.f32 v11;
	v8 =	vmax.f32 v8, $0.0e+00;
	v7 =	vmul.u32 $0x3000, v7  }
0x272: {  	s30 =	sadd.s32 $0x800, s30;
	s0 =	sshll.u32 s29, $0x7;
	v11 =	vcvt.f32.s32 v11;
	v14 =	vld [tilespmem:s26+$0xC440];
	v10 =	vadd.f32 $6.144000000e+03, v10;
	v5 =	vadd.s32 v5, v6  }
0x273: {  	s2 =	sand.u32 $0x800, s30;
	s11 =	sshll.u32 s29, $0x5;
	v6 =	vmin.f32 v8, $1.228700000e+04;
	s0 =	sand.u32 $0x3000, s0;
	[tilespmem:v12+s17+$0x0] =	vst.idx.add.f32.msk $0xffff, v1;
	v4 =	vmul.f32 $5.120000000e+02, v4  }
0x274: {  	v6 =	vtrunc.f32 v6;
	s0 =	sor.u32 s2, s0;
	s2 =	sand.u32 $0x380, s11;
	v8 =	vld [tilespmem:s28+$0x4020];
	v9 =	vadd.s32 v11, v9;
	v10 =	vmax.f32 v10, $0.0e+00  }
0x275: {  	v6 =	vcvt.f32.s32 v6;
	s2 =	sor.u32 s2, s0;
	v11 =	vld [tilespmem:s28+$0xC020];
	v10 =	vmin.f32 v10, $1.228700000e+04;
	v4 =	vadd.f32 $6.144000000e+03, v4  }
0x276: {  	v3 =	vmul.u32 $0x3000, v3;
	v12 =	vld [tilespmem:s2+$0x4400];
	v10 =	vtrunc.f32 v10  }
0x277: {  	p0 =	slt.u32 s29, $0x7E;
	v13 =	vmul.f32 $5.120000000e+02, v13;
	v10 =	vcvt.f32.s32 v10;
	v14 =	vmul.u32 $0x3000, v14;
	[tilespmem:v5+s16+$0x0] =	vst.idx.add.f32.msk $0xffff, v1  }
0x278: {  	v5 =	vadd.s32 v6, v7;
	v4 =	vmax.f32 v4, $0.0e+00;
	v6 =	vld [tilespmem:s25+$0x4470]  }
0x279: {  	v13 =	vadd.f32 $6.144000000e+03, v13;
	v7 =	vmul.f32 $5.120000000e+02, v8;
	v8 =	vld [tilespmem:s28+$0xC420];
	v10 =	vadd.s32 v10, v14  }
0x27a: {  	v4 =	vmin.f32 v4, $1.228700000e+04;
	v14 =	vld [tilespmem:s2+$0x4000];
	v11 =	vmul.u32 $0x3000, v11  }
0x27b: {  	v4 =	vtrunc.f32 v4;
	v13 =	vmax.f32 v13, $0.0e+00;
	v15 =	vld [tilespmem:s2+$0xC000];
	v7 =	vadd.f32 $6.144000000e+03, v7  }
0x27c: {  	v4 =	vcvt.f32.s32 v4;
	v12 =	vmul.f32 $5.120000000e+02, v12;
	v13 =	vmin.f32 v13, $1.228700000e+04;
	[tilespmem:v9+s17+$0x0] =	vst.idx.add.f32.msk $0xffff, v1  }
0x27d: {  	v13 =	vtrunc.f32 v13;
	v9 =	vld [tilespmem:s2+$0xC400];
	v7 =	vmax.f32 v7, $0.0e+00;
	v6 =	vmul.f32 $5.120000000e+02, v6  }
0x27e: {  	v12 =	vadd.f32 $6.144000000e+03, v12;
	v13 =	vcvt.f32.s32 v13;
	v8 =	vmul.u32 $0x3000, v8;
	[tilespmem:v10+s16+$0x0] =	vst.idx.add.f32.msk $0xffff, v1  }
0x27f: {  	v7 =	vmin.f32 v7, $1.228700000e+04;
	v10 =	vmul.f32 $5.120000000e+02, v14;
	v14 =	vld [tilespmem:s25+$0xC470];
	v6 =	vadd.f32 $6.144000000e+03, v6  }
0x280: {  	v12 =	vmax.f32 v12, $0.0e+00;
	v15 =	vmul.u32 $0x3000, v15;
	v8 =	vadd.s32 v13, v8;
	v13 =	vld [tilespmem:s26+$0x4450]  }
0x281: {  	v12 =	vmin.f32 v12, $1.228700000e+04;
	v10 =	vadd.f32 $6.144000000e+03, v10;
	v16 =	vld [tilespmem:s26+$0x4040];
	v6 =	vmax.f32 v6, $0.0e+00  }
0x282: {  	v7 =	vtrunc.f32 v7;
	v12 =	vtrunc.f32 v12;
	v17 =	vld [tilespmem:s26+$0xC040];
	v6 =	vmin.f32 v6, $1.228700000e+04  }
0x283: {  	v12 =	vcvt.f32.s32 v12;
	v9 =	vmul.u32 $0x3000, v9;
	[tilespmem:v5+s17+$0x0] =	vst.idx.add.f32.msk $0xffff, v1;
	v5 =	vtrunc.f32 v6  }
0x284: {  	v6 =	vmax.f32 v10, $0.0e+00;
	v10 =	vld [tilespmem:s25+$0x4060];
	v5 =	vcvt.f32.s32 v5;
	v14 =	vmul.u32 $0x3000, v14  }
0x285: {  	v6 =	vmin.f32 v6, $1.228700000e+04;
	v9 =	vadd.s32 v12, v9;
	[tilespmem:v8+s16+$0x0] =	vst.idx.add.f32.msk $0xffff, v1;
	v8 =	vmul.f32 $5.120000000e+02, v13  }
0x286: {  	v7 =	vcvt.f32.s32 v7;
	v6 =	vtrunc.f32 v6;
	v12 =	vld [tilespmem:s28+$0x4430];
	v5 =	vadd.s32 v5, v14  }
0x287: {  	v6 =	vcvt.f32.s32 v6;
	v13 =	vmul.f32 $5.120000000e+02, v16;
	v14 =	vld [tilespmem:s26+$0xC450];
	v8 =	vadd.f32 $6.144000000e+03, v8  }
0x288: {  	v3 =	vadd.s32 v4, v3;
	v7 =	vadd.s32 v7, v11;
	v11 =	vmul.u32 $0x3000, v17;
	v16 =	vld [tilespmem:s25+$0xC060]  }
0x289: {  	v4 =	vadd.s32 v6, v15;
	v6 =	vadd.f32 $6.144000000e+03, v13;
	v8 =	vmax.f32 v8, $0.0e+00;
	[tilespmem:v2+s17+$0x0] =	vst.idx.add.f32.msk $0xffff, v1;
	v2 =	vmovc v3  }
0x28a: {  	[tilespmem:v9+s16+$0x0] =	vst.idx.add.f32.msk $0xffff, v1;
	v3 =	vmin.f32 v8, $1.228700000e+04;
	v8 =	vmul.f32 $5.120000000e+02, v10  }
0x28b: {  	v6 =	vmax.f32 v6, $0.0e+00;
	v9 =	vmul.f32 $5.120000000e+02, v12;
	v3 =	vtrunc.f32 v3;
	[tilespmem:v5+s17+$0x0] =	vst.idx.add.f32.msk $0xffff, v1  }
0x28c: {  	v6 =	vmin.f32 v6, $1.228700000e+04;
	v5 =	vld [tilespmem:s2+$0x4410];
	v3 =	vcvt.f32.s32 v3;
	v10 =	vmul.u32 $0x3000, v14  }
0x28d: {  	v6 =	vtrunc.f32 v6;
	v8 =	vadd.f32 $6.144000000e+03, v8;
	v12 =	vld [tilespmem:s28+$0xC430];
	v9 =	vadd.f32 $6.144000000e+03, v9  }
0x28e: {  	[tilespmem:v4+s16+$0x0] =	vst.idx.add.f32.msk $0xffff, v1;
	v4 =	vcvt.f32.s32 v6;
	v3 =	vadd.s32 v3, v10;
	v6 =	vmul.u32 $0x3000, v16  }
0x28f: {  	v8 =	vmax.f32 v8, $0.0e+00;
	v10 =	vld [tilespmem:s2+$0x4010];
	v9 =	vmax.f32 v9, $0.0e+00  }
0x290: {  	v8 =	vmin.f32 v8, $1.228700000e+04;
	v13 =	vld [tilespmem:s2+$0xC010];
	v9 =	vmin.f32 v9, $1.228700000e+04;
	v4 =	vadd.s32 v4, v11  }
0x291: {  	v8 =	vtrunc.f32 v8;
	[tilespmem:v7+s16+$0x0] =	vst.idx.add.f32.msk $0xffff, v1;
	v7 =	vtrunc.f32 v9  }
0x292: {  	v5 =	vmul.f32 $5.120000000e+02, v5;
	v9 =	vld [tilespmem:s2+$0xC410];
	v7 =	vcvt.f32.s32 v7;
	v11 =	vmul.u32 $0x3000, v12  }
0x293: {  	[tilespmem:v3+s17+$0x0] =	vst.idx.add.f32.msk $0xffff, v1;
	v3 =	vcvt.f32.s32 v8  }
0x294: {  	v5 =	vadd.f32 $6.144000000e+03, v5;
	v8 =	vmul.f32 $5.120000000e+02, v10;
	v7 =	vadd.s32 v7, v11;
	v10 =	vld [tilespmem:s26+$0x4460]  }
0x295: {  	v11 =	vmul.u32 $0x3000, v13;
	v12 =	vld [tilespmem:s28+$0x4030];
	v3 =	vadd.s32 v3, v6  }
0x296: {  	v5 =	vmax.f32 v5, $0.0e+00;
	v6 =	vadd.f32 $6.144000000e+03, v8;
	v8 =	vld [tilespmem:s28+$0xC030]  }
0x297: {  	v5 =	vmin.f32 v5, $1.228700000e+04;
	[tilespmem:v4+s16+$0x0] =	vst.idx.add.f32.msk $0xffff, v1  }
0x298: {  	v5 =	vtrunc.f32 v5;
	v4 =	vmax.f32 v6, $0.0e+00;
	v6 =	vld [tilespmem:s26+$0x4050]  }
0x299: {  	v9 =	vmul.u32 $0x3000, v9;
	v5 =	vcvt.f32.s32 v5;
	[tilespmem:v7+s17+$0x0] =	vst.idx.add.f32.msk $0xffff, v1;
	v7 =	vmul.f32 $5.120000000e+02, v10  }
0x29a: {  	v4 =	vmin.f32 v4, $1.228700000e+04;
	v10 =	vmul.f32 $5.120000000e+02, v12;
	v13 =	vld [tilespmem:s28+$0x4440]  }
0x29b: {  	v4 =	vtrunc.f32 v4;
	v5 =	vadd.s32 v5, v9;
	v14 =	vld [tilespmem:s26+$0xC460];
	v12 =	vadd.f32 $6.144000000e+03, v7  }
.Ltmp2:
0x29c: {  	v4 =	vcvt.f32.s32 v4;
	v9 =	vmul.u32 $0x3000, v8;
	v10 =	vadd.f32 $6.144000000e+03, v10;
	v7 =	vld [tilespmem:s26+$0xC050];
	(pc) =	sbr.rel @p0 .LBB2_7-.Ltmp2, $4  }
0x29d: {  	v6 =	vmul.f32 $5.120000000e+02, v6;
	v8 =	vmax.f32 v12, $0.0e+00;
	[tilespmem:v3+s16+$0x0] =	vst.idx.add.f32.msk $0xffff, v1  }
0x29e: {  	v12 =	vadd.s32 v4, v11;
	v3 =	vmax.f32 v10, $0.0e+00;
	v10 =	vmin.f32 v8, $1.228700000e+04;
	v4 =	vld [tilespmem:s25+$0x4070]  }
0x29f: {  	v11 =	vmin.f32 v3, $1.228700000e+04;
	v8 =	vadd.f32 $6.144000000e+03, v6;
	v6 =	vtrunc.f32 v10;
	v3 =	vld [tilespmem:s25+$0xC070];
	s25 =	smov.u32 s26;
	s26 =	smov.u32 s28;
	s28 =	smov.u32 s2  }
0x2a0: {  	v10 =	vmul.f32 $5.120000000e+02, v13;
	[tilespmem:v5+s17+$0x0] =	vst.idx.add.f32.msk $0xffff, v1;
	v5 =	vcvt.f32.s32 v6;
	v6 =	vmul.u32 $0x3000, v14  }
0x2a1: {  	_ =	sdelay $0x2  }
0x2a2: {  	v13 =	vld [tilespmem:s28+$0x4420]  }
0x2a3: {  	[tilespmem:v12+s17+$0x0] =	vst.idx.add.f32.msk $0xffff, v1  }
0x2a4: {  	v12 =	vld [tilespmem:s28+$0x4020];
	_ =	sdelay $0x2  }
0x2a5: {  	v13 =	vmul.f32 $5.120000000e+02, v13;
	_ =	sdelay $0x1  }
0x2a6: {  	v14 =	vld [tilespmem:s28+$0xC420];
	v12 =	vmul.f32 $5.120000000e+02, v12;
	v13 =	vadd.f32 $6.144000000e+03, v13;
	_ =	sdelay $0x1  }
0x2a7: {  	v15 =	vld [tilespmem:s28+$0xC020];
	v12 =	vadd.f32 $6.144000000e+03, v12;
	v13 =	vmax.f32 v13, $0.0e+00  }
0x2a8: {  	v13 =	vmin.f32 v13, $1.228700000e+04  }
0x2a9: {  	v12 =	vmax.f32 v12, $0.0e+00;
	v13 =	vtrunc.f32 v13  }
0x2aa: {  	v14 =	vmul.u32 $0x3000, v14;
	v12 =	vmin.f32 v12, $1.228700000e+04;
	v13 =	vcvt.f32.s32 v13  }
0x2ab: {  	v12 =	vtrunc.f32 v12  }
0x2ac: {  	v15 =	vmul.u32 $0x3000, v15;
	v12 =	vcvt.f32.s32 v12;
	v13 =	vadd.s32 v13, v14;
	_ =	sdelay $0x1  }
0x2ad: {  	v12 =	vadd.s32 v12, v15;
	_ =	sdelay $0x2  }
0x2ae: {  	[tilespmem:v13+s16+$0x0] =	vst.idx.add.f32.msk $0xffff, v1  }
0x2af: {  	v13 =	vld [tilespmem:s28+$0x4430]  }
0x2b0: {  	[tilespmem:v12+s16+$0x0] =	vst.idx.add.f32.msk $0xffff, v1  }
0x2b1: {  	v12 =	vld [tilespmem:s28+$0x4030];
	_ =	sdelay $0x2  }
0x2b2: {  	v13 =	vmul.f32 $5.120000000e+02, v13;
	_ =	sdelay $0x1  }
0x2b3: {  	v26 =	vld [tilespmem:s28+$0xC430];
	v12 =	vmul.f32 $5.120000000e+02, v12;
	v13 =	vadd.f32 $6.144000000e+03, v13  }
0x2b4: {  	v11 =	vtrunc.f32 v11  }
0x2b5: {  	v11 =	vcvt.f32.s32 v11;
	v27 =	vld [tilespmem:s28+$0xC030];
	v12 =	vadd.f32 $6.144000000e+03, v12;
	v13 =	vmax.f32 v13, $0.0e+00  }
0x2b6: {  	v13 =	vmin.f32 v13, $1.228700000e+04  }
0x2b7: {  	v9 =	vadd.s32 v11, v9;
	v12 =	vmax.f32 v12, $0.0e+00;
	v28 =	vtrunc.f32 v13  }
0x2b8: {  	v29 =	vmul.u32 $0x3000, v26;
	v12 =	vmin.f32 v12, $1.228700000e+04;
	v11 =	vcvt.f32.s32 v28  }
0x2b9: {  	v12 =	vtrunc.f32 v12  }
0x2ba: {  	v30 =	vmul.u32 $0x3000, v27;
	v12 =	vcvt.f32.s32 v12;
	v11 =	vadd.s32 v11, v29;
	_ =	sdelay $0x1  }
0x2bb: {  	[tilespmem:v9+s17+$0x0] =	vst.idx.add.f32.msk $0xffff, v1;
	v31 =	vadd.s32 v12, v30  }
0x2bc: {  	v32 =	vld [tilespmem:s26+$0x4040]  }
0x2bd: {  	v33 =	vld [tilespmem:s26+$0xC440]  }
0x2be: {  	v10 =	vadd.f32 $6.144000000e+03, v10;
	[tilespmem:v11+s17+$0x0] =	vst.idx.add.f32.msk $0xffff, v1  }
0x2bf: {  	v11 =	vld [tilespmem:s28+$0x4440]  }
0x2c0: {  	v10 =	vmax.f32 v10, $0.0e+00;
	[tilespmem:v31+s17+$0x0] =	vst.idx.add.f32.msk $0xffff, v1  }
0x2c1: {  	v34 =	vmin.f32 v10, $1.228700000e+04;
	v35 =	vmul.f32 $5.120000000e+02, v32;
	v36 =	vld [tilespmem:s28+$0x4040]  }
0x2c2: {  	v9 =	vtrunc.f32 v34;
	v37 =	vld [tilespmem:s26+$0xC040]  }
0x2c3: {  	v9 =	vcvt.f32.s32 v9;
	v10 =	vadd.f32 $6.144000000e+03, v35;
	v13 =	vmul.u32 $0x3000, v33  }
0x2c4: {  	v11 =	vmul.f32 $5.120000000e+02, v11  }
0x2c5: {  	v10 =	vmax.f32 v10, $0.0e+00;
	v9 =	vadd.s32 v9, v13  }
0x2c6: {  	v10 =	vmin.f32 v10, $1.228700000e+04;
	v38 =	vld [tilespmem:s28+$0xC440];
	v12 =	vmul.f32 $5.120000000e+02, v36;
	v11 =	vadd.f32 $6.144000000e+03, v11  }
0x2c7: {  	v14 =	vmul.u32 $0x3000, v37;
	v10 =	vtrunc.f32 v10  }
0x2c8: {  	v10 =	vcvt.f32.s32 v10;
	v39 =	vld [tilespmem:s28+$0xC040];
	v12 =	vadd.f32 $6.144000000e+03, v12;
	v11 =	vmax.f32 v11, $0.0e+00  }
0x2c9: {  	v11 =	vmin.f32 v11, $1.228700000e+04  }
0x2ca: {  	v40 =	vadd.s32 v10, v14;
	[tilespmem:v9+s16+$0x0] =	vst.idx.add.f32.msk $0xffff, v1;
	v42 =	vmax.f32 v12, $0.0e+00;
	v41 =	vtrunc.f32 v11  }
0x2cb: {  	v43 =	vld [tilespmem:s26+$0x4450];
	v13 =	vmul.u32 $0x3000, v38;
	v11 =	vmin.f32 v42, $1.228700000e+04;
	v10 =	vcvt.f32.s32 v41  }
0x2cc: {  	v11 =	vtrunc.f32 v11  }
0x2cd: {  	v44 =	vmul.u32 $0x3000, v39;
	v11 =	vcvt.f32.s32 v11;
	v10 =	vadd.s32 v10, v13;
	_ =	sdelay $0x1  }
0x2ce: {  	[tilespmem:v40+s16+$0x0] =	vst.idx.add.f32.msk $0xffff, v1;
	v45 =	vadd.s32 v11, v44  }
0x2cf: {  	v47 =	vld [tilespmem:s26+$0x4050];
	v46 =	vmul.f32 $5.120000000e+02, v43  }
0x2d0: {  	v48 =	vld [tilespmem:s26+$0xC450]  }
0x2d1: {  	v8 =	vmax.f32 v8, $0.0e+00;
	v11 =	vadd.f32 $6.144000000e+03, v46;
	[tilespmem:v10+s16+$0x0] =	vst.idx.add.f32.msk $0xffff, v1  }
0x2d2: {  	v8 =	vmin.f32 v8, $1.228700000e+04;
	v10 =	vld [tilespmem:s28+$0x4450]  }
0x2d3: {  	v8 =	vtrunc.f32 v8;
	v11 =	vmax.f32 v11, $0.0e+00;
	[tilespmem:v45+s16+$0x0] =	vst.idx.add.f32.msk $0xffff, v1  }
0x2d4: {  	v8 =	vcvt.f32.s32 v8;
	v49 =	vmin.f32 v11, $1.228700000e+04;
	v51 =	vld [tilespmem:s28+$0x4050]  }
0x2d5: {  	v7 =	vmul.u32 $0x3000, v7;
	v50 =	vmul.f32 $5.120000000e+02, v47;
	v9 =	vtrunc.f32 v49  }
0x2d6: {  	v13 =	vmul.u32 $0x3000, v48;
	v9 =	vcvt.f32.s32 v9  }
0x2d7: {  	v7 =	vadd.s32 v8, v7;
	v52 =	vld [tilespmem:s26+$0xC050];
	v11 =	vadd.f32 $6.144000000e+03, v50;
	v53 =	vmul.f32 $5.120000000e+02, v10  }
0x2d8: {  	v55 =	vld [tilespmem:s28+$0xC450];
	v9 =	vadd.s32 v9, v13  }
0x2d9: {  	v54 =	vmax.f32 v11, $0.0e+00;
	v12 =	vmul.f32 $5.120000000e+02, v51;
	v8 =	vadd.f32 $6.144000000e+03, v53  }
0x2da: {  	v10 =	vmin.f32 v54, $1.228700000e+04  }
0x2db: {  	v57 =	vld [tilespmem:s28+$0xC050];
	v10 =	vtrunc.f32 v10;
	v12 =	vadd.f32 $6.144000000e+03, v12;
	v8 =	vmax.f32 v8, $0.0e+00  }
0x2dc: {  	[tilespmem:v7+s17+$0x0] =	vst.idx.add.f32.msk $0xffff, v1;
	v56 =	vmul.u32 $0x3000, v52;
	v10 =	vcvt.f32.s32 v10;
	v58 =	vmin.f32 v8, $1.228700000e+04  }
0x2dd: {  	v11 =	vmul.u32 $0x3000, v55;
	[tilespmem:v9+s17+$0x0] =	vst.idx.add.f32.msk $0xffff, v1;
	v60 =	vmax.f32 v12, $0.0e+00;
	v7 =	vtrunc.f32 v58  }
0x2de: {  	v61 =	vld [tilespmem:s26+$0x4460];
	v59 =	vadd.s32 v10, v56;
	v9 =	vmin.f32 v60, $1.228700000e+04;
	v7 =	vcvt.f32.s32 v7  }
0x2df: {  	v9 =	vtrunc.f32 v9  }
0x2e0: {  	v62 =	vld [tilespmem:s25+$0x4060];
	v63 =	vmul.u32 $0x3000, v57;
	v9 =	vcvt.f32.s32 v9;
	v7 =	vadd.s32 v7, v11  }
0x2e1: {  	v16 =	vld [tilespmem:s25+$0xC060]  }
0x2e2: {  	v21 =	vld [tilespmem:s26+$0xC460];
	v17 =	vadd.s32 v9, v63  }
0x2e3: {  	v18 =	vmul.f32 $5.120000000e+02, v61;
	[tilespmem:v59+s17+$0x0] =	vst.idx.add.f32.msk $0xffff, v1  }
0x2e4: {  	v19 =	vld [tilespmem:s26+$0x4060]  }
0x2e5: {  	v20 =	vmul.f32 $5.120000000e+02, v62;
	v9 =	vadd.f32 $6.144000000e+03, v18;
	[tilespmem:v7+s17+$0x0] =	vst.idx.add.f32.msk $0xffff, v1  }
0x2e6: {  	v23 =	vld [tilespmem:s28+$0x4460]  }
0x2e7: {  	v22 =	vadd.f32 $6.144000000e+03, v20;
	v24 =	vmax.f32 v9, $0.0e+00;
	[tilespmem:v17+s17+$0x0] =	vst.idx.add.f32.msk $0xffff, v1  }
0x2e8: {  	v5 =	vadd.s32 v5, v6;
	v6 =	vmin.f32 v24, $1.228700000e+04;
	v26 =	vld [tilespmem:s28+$0x4060]  }
0x2e9: {  	v7 =	vmax.f32 v22, $0.0e+00;
	v6 =	vtrunc.f32 v6;
	v25 =	vmul.f32 $5.120000000e+02, v19  }
0x2ea: {  	v12 =	vmul.u32 $0x3000, v21;
	v7 =	vmin.f32 v7, $1.228700000e+04;
	v6 =	vcvt.f32.s32 v6  }
0x2eb: {  	v27 =	vld [tilespmem:s26+$0xC060];
	v7 =	vtrunc.f32 v7;
	v8 =	vadd.f32 $6.144000000e+03, v25;
	v11 =	vmul.f32 $5.120000000e+02, v23  }
0x2ec: {  	v13 =	vmul.u32 $0x3000, v16;
	v30 =	vld [tilespmem:s28+$0xC460];
	v28 =	vcvt.f32.s32 v7;
	v6 =	vadd.s32 v6, v12  }
0x2ed: {  	[tilespmem:v5+s16+$0x0] =	vst.idx.add.f32.msk $0xffff, v1;
	v29 =	vmax.f32 v8, $0.0e+00;
	v9 =	vmul.f32 $5.120000000e+02, v26;
	v11 =	vadd.f32 $6.144000000e+03, v11  }
0x2ee: {  	v33 =	vld [tilespmem:s25+$0xC470];
	v5 =	vadd.s32 v28, v13;
	v7 =	vmin.f32 v29, $1.228700000e+04  }
0x2ef: {  	v32 =	vld [tilespmem:s28+$0xC060];
	v7 =	vtrunc.f32 v7;
	v9 =	vadd.f32 $6.144000000e+03, v9;
	v11 =	vmax.f32 v11, $0.0e+00  }
0x2f0: {  	v31 =	vld [tilespmem:s25+$0x4470];
	v10 =	vmul.u32 $0x3000, v27;
	v7 =	vcvt.f32.s32 v7;
	v11 =	vmin.f32 v11, $1.228700000e+04  }
0x2f1: {  	v8 =	vmul.u32 $0x3000, v30;
	[tilespmem:v6+s16+$0x0] =	vst.idx.add.f32.msk $0xffff, v1;
	v9 =	vmax.f32 v9, $0.0e+00;
	v34 =	vtrunc.f32 v11  }
0x2f2: {  	v37 =	vld [tilespmem:s26+$0x4470];
	v7 =	vadd.s32 v7, v10;
	v9 =	vmin.f32 v9, $1.228700000e+04;
	v35 =	vcvt.f32.s32 v34  }
0x2f3: {  	v4 =	vmul.f32 $5.120000000e+02, v4;
	v42 =	vld [tilespmem:s26+$0xC470];
	v9 =	vtrunc.f32 v9  }
0x2f4: {  	v39 =	vmul.u32 $0x3000, v32;
	[tilespmem:v5+s16+$0x0] =	vst.idx.add.f32.msk $0xffff, v1;
	v40 =	vcvt.f32.s32 v9;
	v38 =	vadd.s32 v35, v8  }
0x2f5: {  	v4 =	vadd.f32 $6.144000000e+03, v4;
	v36 =	vmul.f32 $5.120000000e+02, v31;
	v41 =	vld [tilespmem:s25+$0x4070]  }
0x2f6: {  	v53 =	vld [tilespmem:s25+$0xC070];
	v6 =	vadd.s32 v40, v39  }
0x2f7: {  	v4 =	vmax.f32 v4, $0.0e+00;
	v10 =	vadd.f32 $6.144000000e+03, v36;
	[tilespmem:v7+s16+$0x0] =	vst.idx.add.f32.msk $0xffff, v1  }
0x2f8: {  	v4 =	vmin.f32 v4, $1.228700000e+04;
	v45 =	vld [tilespmem:s26+$0x4070]  }
0x2f9: {  	v4 =	vtrunc.f32 v4;
	v43 =	vmax.f32 v10, $0.0e+00;
	v44 =	vmul.f32 $5.120000000e+02, v37;
	[tilespmem:v38+s16+$0x0] =	vst.idx.add.f32.msk $0xffff, v1  }
0x2fa: {  	v3 =	vmul.u32 $0x3000, v3;
	v4 =	vcvt.f32.s32 v4;
	v7 =	vmin.f32 v43, $1.228700000e+04;
	v48 =	vld [tilespmem:s28+$0x4470]  }
0x2fb: {  	v46 =	vtrunc.f32 v7;
	v47 =	vmul.f32 $5.120000000e+02, v41;
	v8 =	vadd.f32 $6.144000000e+03, v44;
	[tilespmem:v6+s16+$0x0] =	vst.idx.add.f32.msk $0xffff, v1  }
0x2fc: {  	v3 =	vadd.s32 v4, v3;
	v49 =	vmul.u32 $0x3000, v33;
	v5 =	vcvt.f32.s32 v46;
	v52 =	vld [tilespmem:s28+$0x4070]  }
0x2fd: {  	v57 =	vmul.u32 $0x3000, v42;
	v59 =	vld [tilespmem:s26+$0xC070];
	v50 =	vadd.f32 $6.144000000e+03, v47;
	v51 =	vmax.f32 v8, $0.0e+00  }
0x2fe: {  	v11 =	vmul.u32 $0x3000, v53;
	v5 =	vadd.s32 v5, v49;
	v7 =	vmin.f32 v51, $1.228700000e+04  }
0x2ff: {  	v54 =	vmax.f32 v50, $0.0e+00;
	v55 =	vtrunc.f32 v7;
	v56 =	vmul.f32 $5.120000000e+02, v45  }
0x300: {  	v4 =	vmin.f32 v54, $1.228700000e+04;
	v6 =	vcvt.f32.s32 v55;
	v9 =	vmul.f32 $5.120000000e+02, v48  }
0x301: {  	v4 =	vtrunc.f32 v4;
	v7 =	vadd.f32 $6.144000000e+03, v56;
	v8 =	vmul.f32 $5.120000000e+02, v52  }
0x302: {  	v58 =	vld [tilespmem:s28+$0xC470];
	v10 =	vmul.u32 $0x3000, v59;
	v4 =	vcvt.f32.s32 v4;
	v9 =	vadd.f32 $6.144000000e+03, v9  }
0x303: {  	v60 =	vld [tilespmem:s28+$0xC070];
	v6 =	vadd.s32 v6, v57;
	v7 =	vmax.f32 v7, $0.0e+00;
	v8 =	vadd.f32 $6.144000000e+03, v8  }
0x304: {  	v4 =	vadd.s32 v4, v11;
	v7 =	vmin.f32 v7, $1.228700000e+04;
	v9 =	vmax.f32 v9, $0.0e+00  }
0x305: {  	v7 =	vtrunc.f32 v7;
	v9 =	vmin.f32 v9, $1.228700000e+04;
	v8 =	vmax.f32 v8, $0.0e+00  }
0x306: {  	v7 =	vcvt.f32.s32 v7;
	v9 =	vtrunc.f32 v9;
	v8 =	vmin.f32 v8, $1.228700000e+04  }
0x307: {  	v61 =	vmul.u32 $0x3000, v58;
	v9 =	vcvt.f32.s32 v9;
	v8 =	vtrunc.f32 v8  }
0x308: {  	[tilespmem:v2+s17+$0x0] =	vst.idx.add.f32.msk $0xffff, v1;
	v62 =	vmul.u32 $0x3000, v60;
	v63 =	vadd.s32 v7, v10;
	v8 =	vcvt.f32.s32 v8  }
0x309: {  	s24 =	sadd.s32 $0x1, s24;
	[tilespmem:v3+s17+$0x0] =	vst.idx.add.f32.msk $0xffff, v1;
	v2 =	vadd.s32 v9, v61  }
0x30a: {  	p0 =	sne.s32 s24, $0x8;
	[tilespmem:v5+s17+$0x0] =	vst.idx.add.f32.msk $0xffff, v1;
	v3 =	vadd.s32 v8, v62  }
.Ltmp3:
0x30b: {  	[tilespmem:v6+s17+$0x0] =	vst.idx.add.f32.msk $0xffff, v1;
	(pc) =	sbr.rel @p0 .LBB2_4-.Ltmp3, $4  }
0x30c: {  	[tilespmem:v4+s17+$0x0] =	vst.idx.add.f32.msk $0xffff, v1  }
0x30d: {  	[tilespmem:v63+s17+$0x0] =	vst.idx.add.f32.msk $0xffff, v1  }
0x30e: {  	[tilespmem:v2+s17+$0x0] =	vst.idx.add.f32.msk $0xffff, v1  }
0x30f: {  	[tilespmem:v3+s17+$0x0] =	vst.idx.add.f32.msk $0xffff, v1  }
0x310: {  	s2 =	simm.s32 $0x10020  }
0x311: {  	s23 =	simm.s32 $0x16020;
	v7 =	vld [tilespmem:s2+$0x10]  }
0x312: {  	v8 =	vld [tilespmem:s23+$0x10]  }
0x313: {  	v4 =	vld [tilespmem:s23+$0xFFFFFFE0]  }
0x314: {  	v2 =	vld [tilespmem:s2+$0xFFFFFFF0]  }
0x315: {  	v6 =	vld [tilespmem:s23+$0xFFFFFFF0]  }
0x316: {  	v3 =	vld [tilespmem:s2+$0x0]  }
0x317: {  	v5 =	vld [tilespmem:s23+$0x0];
	v8 =	vadd.f32 v8, v7  }
0x318: {  	s24 =	simm.s32 $0x0;
	s25 =	simm.s32 $0x10060;
	v7 =	vld [tilespmem:s2+$0xFFFFFFE0]  }
.LBB2_10:
0x319: {  	v9 =	vld [tilespmem:s25+$0x10];
	[tilespmem:s2+$0x10] =	vst v8;
	s23 =	sadd.s32 $0x40, s23  }
0x31a: {  	s24 =	sadd.s32 $0x4, s24;
	v8 =	vld [tilespmem:s23+$0x10];
	v6 =	vadd.f32 v6, v2  }
0x31b: {  	p0 =	slt.u32 s24, $0x5FC;
	v10 =	vld [tilespmem:s23+$0xFFFFFFE0]  }
.Ltmp4:
0x31c: {  	v2 =	vld [tilespmem:s25+$0xFFFFFFF0];
	[tilespmem:s2+$0xFFFFFFF0] =	vst v6;
	v5 =	vadd.f32 v5, v3;
	(pc) =	sbr.rel @p0 .LBB2_10-.Ltmp4, $4  }
0x31d: {  	v6 =	vld [tilespmem:s23+$0xFFFFFFF0];
	v11 =	vadd.f32 v4, v7  }
0x31e: {  	v3 =	vld [tilespmem:s25+$0x0];
	[tilespmem:s2+$0x0] =	vst v5  }
0x31f: {  	v5 =	vld [tilespmem:s23+$0x0];
	v8 =	vadd.f32 v8, v9;
	[tilespmem:s2+$0xFFFFFFE0] =	vst v11;
	s2 =	smov.u32 s25  }
0x320: {  	s25 =	sadd.s32 $0x40, s25;
	v7 =	vld [tilespmem:s2+$0xFFFFFFE0];
	v4 =	vmov v10  }
0x321: {  	_ =	sdelay $0x1  }
0x322: {  	v2 =	vadd.f32 v6, v2  }
0x323: {  	[tilespmem:s2+$0x10] =	vst v8;
	v3 =	vadd.f32 v5, v3  }
0x324: {  	s4 =	sadd.s32 $0x1, s4;
	[tilespmem:s2+$0xFFFFFFF0] =	vst v2;
	v2 =	vadd.f32 v4, v7  }
0x325: {  	p0 =	sne.s32 s4, s9;
	[tilespmem:s2+$0x0] =	vst v3  }
.Ltmp5:
0x326: {  	[tilespmem:s2+$0xFFFFFFE0] =	vst v2;
	(pc) =	sbr.rel @p0 .LBB2_1-.Ltmp5, $4  }
0x327: {  	[hbm4b:s8+s20] =	stream.strided.scatter [tilespmem:s16], [sflag:$0x5], $0x6000, s21, s20, $0x38;
	[tilespmem:$0x1C000] =	vst v63  }
0x328: {  	_ =	swait.ge [sflag:s22], $0x6000  }
0x329: {  	[sflag:s22] =	ssyncset.done $0x0  }
0x32a: {  	[sflag:s22] =	ssyncadd.s32 $0xFFFFA000  }
0x32b: {  	_ =	sfence.sel $0x180000  }
0x32c: {  	[bflag:$0x0] =	sbarrier.arrive $0xFFFF  }
0x32d: {  	_ =	strace $0x90000047  }
0x32e: {  	s0 =	stileid.u32;
	[bflag:$0x2] =	sbarrier.arrive $0xFFFF  }
0x32f: {  	p0 =	sne.s32 s0, $0x0;
	s0 =	rddreg [dreg:$0x3]  }
0x330: {  	s0 =	sadd.s32 @!p0 $0x100000, s0  }
0x331: {  	[sflag:s0] =	ssyncadd.tile.s32 @!p0 $0x1;
	_ =	shalt  }
.Lfunc_end2:
_tile_overlayer_lowered:
.L_overlay_start_2:
0x332: {  	(tag) =	ssettag $0x2  }
0x333: {  	s0 =	rddreg [dreg:$0x0];
	s2 =	stileid.u32  }
0x334: {  	s1 =	rddreg [dreg:$0x1];
	p0 =	sne.s32 s2, $0x0  }
0x335: {  	s3 =	rddreg [dreg:$0x2];
	[bflag:$0x3] =	sbarrier.arrive $0xFFFF;
	s2 =	simm.s32 @!p0 $0x1C05  }
0x336: {  	[timem:s3], [sflag:s2] =	dma.local @!p0 [hbm:s0], s1  }
0x337: {  	s0 =	simm.s32 @!p0 $0x5  }
0x338: {  	_ =	swait.ge @!p0 [sflag:s0], s1  }
0x339: {  	s1 =	ssub.s32 @!p0 $0x0, s1;
	[sflag:s0] =	ssyncset.done @!p0 $0x0  }
0x33a: {  	[sflag:s0] =	ssyncadd.s32 @!p0 s1  }
0x33b: {  	[bflag:$0x3] =	sbarrier.arrive $0xFFFF  }
0x33c: {  	_ =	shalt  }

</sc_bundles>
